<compile_context>
chip_gen: v7x
topology: tpu7x:2x2x1
jax: 0.10.2.dev20260603
libtpu: 0.0.44.dev20260713+nightly
codegen_flags: <defaults>
</compile_context>

<pallas_src>
import jax
import jax.numpy as jnp
from jax import lax
from jax.experimental import pallas as pl
from jax.experimental.pallas import tpu as pltpu
from jax.experimental.pallas import tpu_sc as plsc

NUM_CLASSES = 1000
FEAT = 128
FILTER_K = 100
BATCH = 16384

WP = 1024
N_PAD = WP + BATCH
ROW_BLK = 512
N_BLOCKS = N_PAD // ROW_BLK
X_BLOCKS = BATCH // ROW_BLK
C_PAD = 1024
NEG_BIG = -1.0e30
EBITS_PAD = 0x7F7FFFFF


def _k1_body(w_ref, x_ref, wt_ref, b_ref, ebits_ref, cls_ref, invn_ref):
    i = pl.program_id(0)
    s = jnp.where(i < 2, w_ref[...], x_ref[...])
    logits = (
        jnp.dot(s, wt_ref[...], preferred_element_type=jnp.float32)
        + b_ref[...]
    )
    m = jnp.max(logits, axis=1, keepdims=True)
    sh = logits - m
    e = jnp.exp(sh)
    se = jnp.sum(e, axis=1, keepdims=True)
    ent = jnp.log(se)[:, 0] - jnp.sum(e * sh, axis=1) / se[:, 0]
    ent = jnp.maximum(ent, 0.0)

    cidx = lax.broadcasted_iota(jnp.int32, logits.shape, 1)
    cls = jnp.min(jnp.where(logits == m, cidx, jnp.int32(1 << 30)), axis=1)

    ss = jnp.sum(s * s, axis=1)
    invn = 1.0 / jnp.maximum(jnp.sqrt(ss), 1e-12)

    gidx = i * ROW_BLK + lax.broadcasted_iota(jnp.int32, (ROW_BLK,), 0)
    pad = (gidx >= NUM_CLASSES) & (gidx < WP)
    ebits = lax.bitcast_convert_type(ent, jnp.int32)
    ebits_ref[0, 0, :] = jnp.where(pad, jnp.int32(EBITS_PAD), ebits)
    cls_ref[0, 0, :] = jnp.where(pad, jnp.int32(C_PAD - 1), cls)
    invn_ref[0, 0, :] = jnp.where(pad, 0.0, invn)


def _k1(w_pad, x, wt_pad, b_pad):
    out_shapes = (
        jax.ShapeDtypeStruct((N_BLOCKS, 1, ROW_BLK), jnp.int32),
        jax.ShapeDtypeStruct((N_BLOCKS, 1, ROW_BLK), jnp.int32),
        jax.ShapeDtypeStruct((N_BLOCKS, 1, ROW_BLK), jnp.float32),
    )
    out_spec = pl.BlockSpec((1, 1, ROW_BLK), lambda i: (i, 0, 0))
    ebits, cls, invn = pl.pallas_call(
        _k1_body,
        grid=(N_BLOCKS,),
        in_specs=[
            pl.BlockSpec((ROW_BLK, FEAT), lambda i: (jnp.minimum(i, 1), 0)),
            pl.BlockSpec((ROW_BLK, FEAT), lambda i: (jnp.maximum(i - 2, 0), 0)),
            pl.BlockSpec((FEAT, C_PAD), lambda i: (0, 0)),
            pl.BlockSpec((1, C_PAD), lambda i: (0, 0)),
        ],
        out_specs=(out_spec, out_spec, out_spec),
        out_shape=out_shapes,
    )(w_pad, x, wt_pad, b_pad)
    return ebits.reshape(N_PAD), cls.reshape(N_PAD), invn.reshape(N_PAD)


NT = 16
CHUNK = N_PAD // NT
HCH = 1024
ACT_CAP = N_PAD + 16
KEPT_CAP = 128
SENTINEL = WP - 1


def _splat(ref, i):
    return plsc.load_gather(ref, [jnp.full((16,), i, jnp.int32)])


UNROLL = 4


def _k2_body(ebits_hbm, cls_hbm, keep_hbm,
             cls_chunk, keep_chunk,
             counts, tmp2d, shared_counts, shared_final,
             own, own_list, act_e, act_c, act_i,
             chunk_e, chunk_c, kept, kval, sem):
    wid = lax.axis_index("s")
    lanes = lax.iota(jnp.int32, 16)

    def zero64(j, _):
        for u in range(UNROLL):
            counts[pl.ds(64 * j + 16 * u, 16)] = jnp.zeros((16,), jnp.int32)
        return 0

    lax.fori_loop(0, C_PAD // 64, zero64, 0)
    pltpu.sync_copy(cls_hbm.at[pl.ds(wid * CHUNK, CHUNK)], cls_chunk)

    def count64(j, _):
        for u in range(UNROLL):
            v = cls_chunk[pl.ds(64 * j + 16 * u, 16)]
            cnt, last = plsc.scan_count(v)
            plsc.addupdate_scatter(counts, [v], cnt, mask=last)
        return 0

    lax.fori_loop(0, CHUNK // 64, count64, 0)

    pltpu.sync_copy(counts, shared_counts.at[wid])
    plsc.subcore_barrier()
    csl = 128

    @pl.when(wid < C_PAD // csl)
    def _reduce_slice():
        pltpu.sync_copy(shared_counts.at[:, pl.ds(wid * csl, csl)], tmp2d)
        accs = [jnp.zeros((16,), jnp.int32) for _ in range(csl // 16)]
        for t in range(NT):
            for u in range(csl // 16):
                accs[u] = accs[u] + tmp2d[t, pl.ds(16 * u, 16)]
        for u in range(csl // 16):
            counts[pl.ds(16 * u, 16)] = accs[u]
        pltpu.sync_copy(
            counts.at[pl.ds(0, csl)], shared_final.at[pl.ds(wid * csl, csl)]
        )

    plsc.subcore_barrier()
    pltpu.sync_copy(shared_final, counts)

    def keep64(j, _):
        for u in range(UNROLL):
            sl = pl.ds(64 * j + 16 * u, 16)
            c_v = cls_chunk[sl]
            n_v = plsc.load_gather(counts, [c_v])
            keep_chunk[sl] = jnp.where(n_v <= FILTER_K, 1.0, 0.0)
        return 0

    lax.fori_loop(0, CHUNK // 64, keep64, 0)
    pltpu.sync_copy(keep_chunk, keep_hbm.at[pl.ds(wid * CHUNK, CHUNK)])
    plsc.subcore_barrier()

    def ownership(j, carry):
        nbig, nown = carry
        sl = pl.ds(16 * j, 16)
        v = counts[sl]
        big = v > FILTER_K
        big_i = jnp.where(big, jnp.int32(1), jnp.int32(0))
        ordinal = nbig + plsc.cumsum(big_i) - 1
        mine = big & (lax.rem(ordinal, jnp.int32(NT)) == wid)
        own[sl] = jnp.where(mine, jnp.int32(1), jnp.int32(0))
        plsc.store_compressed(
            own_list.at[pl.ds(nown, 16)], 16 * j + lanes, mask=mine
        )
        nown = nown + jnp.sum(jnp.where(mine, jnp.int32(1), jnp.int32(0)))
        nbig = nbig + jnp.sum(big_i)
        return nbig, nown

    _, my_n = lax.fori_loop(0, C_PAD // 16, ownership, (jnp.int32(0), jnp.int32(0)))

    @pl.when(my_n > 0)
    def _phase2():
        def scan_chunk(ch, m):
            pltpu.sync_copy(ebits_hbm.at[pl.ds(ch * HCH, HCH)], chunk_e)
            pltpu.sync_copy(cls_hbm.at[pl.ds(ch * HCH, HCH)], chunk_c)

            def scan16(j, m):
                sl = pl.ds(16 * j, 16)
                cv = chunk_c[sl]
                msk = plsc.load_gather(own, [cv]) > 0
                plsc.store_compressed(act_e.at[pl.ds(m, 16)], chunk_e[sl], mask=msk)
                plsc.store_compressed(act_c.at[pl.ds(m, 16)], cv, mask=msk)
                plsc.store_compressed(
                    act_i.at[pl.ds(m, 16)], ch * HCH + 16 * j + lanes, mask=msk
                )
                k = jnp.sum(jnp.where(msk, jnp.int32(1), jnp.int32(0)))
                return m + k

            return lax.fori_loop(0, HCH // 16, scan16, m)

        m = lax.fori_loop(0, N_PAD // HCH, scan_chunk, jnp.int32(0))
        act_c[pl.ds(m, 16)] = jnp.full((16,), -1, jnp.int32)
        for u in range(KEPT_CAP // 16):
            kval[pl.ds(16 * u, 16)] = jnp.ones((16,), jnp.float32)
        mvec = (m + 15) // 16

        def per_class(kk, _):
            cvec = _splat(own_list, kk)

            def seed_kept(j, _):
                kept[pl.ds(16 * j, 16)] = jnp.full((16,), SENTINEL, jnp.int32)
                return 0

            lax.fori_loop(0, KEPT_CAP // 16, seed_kept, 0)

            def per_elem(i, kc):
                ci = _splat(act_c, i)
                in_class = jnp.all(ci == cvec)

                def do(kc):
                    ei = _splat(act_e, i)
                    xi = _splat(act_i, i)

                    def cnt16(j, cnt):
                        sl = pl.ds(16 * j, 16)
                        ev = act_e[sl]
                        cv = act_c[sl]
                        xv = act_i[sl]
                        less = (ev < ei) | ((ev == ei) & (xv < xi))
                        hit = (cv == cvec) & less
                        return cnt + jnp.sum(
                            jnp.where(hit, jnp.int32(1), jnp.int32(0))
                        )

                    rank = lax.fori_loop(0, mvec, cnt16, jnp.int32(0))

                    def app(kc):
                        plsc.store_compressed(
                            kept.at[pl.ds(kc, 16)], xi, mask=lanes == 0
                        )
                        return kc + 1

                    return lax.cond(rank < FILTER_K, app, lambda kc: kc, kc)

                return lax.cond(in_class, do, lambda kc: kc, kc)

            lax.fori_loop(0, m, per_elem, jnp.int32(0))
            pltpu.async_copy(kval, keep_hbm.at[kept], sem).wait()
            return 0

        lax.fori_loop(0, my_n, per_class, 0)


def _k2_sc(ebits, cls):
    mesh = plsc.VectorSubcoreMesh(
        core_axis_name="c", subcore_axis_name="s", num_cores=1, num_subcores=NT
    )
    f = pl.kernel(
        _k2_body,
        out_type=jax.ShapeDtypeStruct((N_PAD,), jnp.float32),
        mesh=mesh,
        scratch_types=[
            pltpu.VMEM((CHUNK,), jnp.int32),
            pltpu.VMEM((CHUNK,), jnp.float32),
            pltpu.VMEM((C_PAD,), jnp.int32),
            pltpu.VMEM((NT, 128), jnp.int32),
            pltpu.VMEM_SHARED((NT, C_PAD), jnp.int32),
            pltpu.VMEM_SHARED((C_PAD,), jnp.int32),
            pltpu.VMEM((C_PAD,), jnp.int32),
            pltpu.VMEM((C_PAD + 16,), jnp.int32),
            pltpu.VMEM((ACT_CAP,), jnp.int32),
            pltpu.VMEM((ACT_CAP,), jnp.int32),
            pltpu.VMEM((ACT_CAP,), jnp.int32),
            pltpu.VMEM((HCH,), jnp.int32),
            pltpu.VMEM((HCH,), jnp.int32),
            pltpu.VMEM((KEPT_CAP,), jnp.int32),
            pltpu.VMEM((KEPT_CAP,), jnp.float32),
            pltpu.SemaphoreType.DMA,
        ],
        compiler_params=pltpu.CompilerParams(needs_layout_passes=False),
    )
    return f(ebits, cls)


XBLK4 = 2048
X4_BLOCKS = BATCH // XBLK4


def _k34_body(w_pad_ref, x_ref, x4_ref, cls_ref, keep_ref, invn_ref, o_ref, w_scr):
    i = pl.program_id(0)

    @pl.when(i == 0)
    def _():
        w_scr[...] = jnp.zeros_like(w_scr)

    @pl.when(i < N_BLOCKS)
    def _accum():
        s = jnp.where(i < 2, w_pad_ref[...], x_ref[...])
        cls = cls_ref[0, 0, :]
        scale = keep_ref[0, 0, :] * invn_ref[0, 0, :]
        cidx = lax.broadcasted_iota(jnp.int32, (ROW_BLK, C_PAD), 1)
        m = jnp.where(cls[:, None] == cidx, scale[:, None], 0.0)
        w_scr[...] += lax.dot_general(
            s.astype(jnp.bfloat16),
            m.astype(jnp.bfloat16),
            (((0,), (0,)), ((), ())),
            preferred_element_type=jnp.float32,
        )

    @pl.when(i == N_BLOCKS - 1)
    def _normalize():
        w = w_scr[...]
        norm = jnp.sqrt(jnp.sum(w * w, axis=0, keepdims=True))
        w_scr[...] = w / jnp.maximum(norm, 1e-12)

    @pl.when(i >= N_BLOCKS)
    def _matmul():
        o_ref[...] = jnp.dot(
            x4_ref[...].astype(jnp.bfloat16),
            w_scr[...][:, :NUM_CLASSES].astype(jnp.bfloat16),
            preferred_element_type=jnp.float32,
        )


def _k34(w_pad, x, cls3, keep3, invn3):
    nsteps = N_BLOCKS + X4_BLOCKS
    vec_spec = pl.BlockSpec(
        (1, 1, ROW_BLK), lambda i: (jnp.minimum(i, N_BLOCKS - 1), 0, 0)
    )
    return pl.pallas_call(
        _k34_body,
        grid=(nsteps,),
        in_specs=[
            pl.BlockSpec((ROW_BLK, FEAT), lambda i: (jnp.minimum(i, 1), 0)),
            pl.BlockSpec(
                (ROW_BLK, FEAT),
                lambda i: (jnp.minimum(jnp.maximum(i - 2, 0), X_BLOCKS - 1), 0),
            ),
            pl.BlockSpec(
                (XBLK4, FEAT), lambda i: (jnp.maximum(i - N_BLOCKS, 0), 0)
            ),
            vec_spec,
            vec_spec,
            vec_spec,
        ],
        out_specs=pl.BlockSpec(
            (XBLK4, NUM_CLASSES), lambda i: (jnp.maximum(i - N_BLOCKS, 0), 0)
        ),
        out_shape=jax.ShapeDtypeStruct((BATCH, NUM_CLASSES), jnp.float32),
        scratch_shapes=[pltpu.VMEM((FEAT, C_PAD), jnp.float32)],
    )(w_pad, x, x, cls3, keep3, invn3)


def kernel(x, W, b):
    w_pad = jnp.zeros((WP, FEAT), jnp.float32).at[:NUM_CLASSES].set(W)
    wt_pad = jnp.zeros((FEAT, C_PAD), jnp.float32).at[:, :NUM_CLASSES].set(W.T)
    b_pad = jnp.full((1, C_PAD), NEG_BIG, jnp.float32).at[0, :NUM_CLASSES].set(b)

    ebits, cls, invn = _k1(w_pad, x, wt_pad, b_pad)
    keep = _k2_sc(ebits, cls)

    cls3 = cls.reshape(N_BLOCKS, 1, ROW_BLK)
    keep3 = keep.reshape(N_BLOCKS, 1, ROW_BLK)
    invn3 = invn.reshape(N_BLOCKS, 1, ROW_BLK)
    return _k34(w_pad, x, cls3, keep3, invn3)

# --- scband reference (transcript-rebuilt; emitter-appended) ---
"""Pipeline reference for scband-t3-a-7284264534066 (READ-ONLY COPY).

The authoritative reference and input builder live on the scoring server;
editing this copy changes nothing except your own understanding.
"""

import jax, jax.numpy as jnp
import numpy as np

NUM_CLASSES = 1000
FEAT = 128
FILTER_K = 100
BATCH = 16384


def _softmax_entropy(x):
    p = jax.nn.softmax(x, axis=1)
    lp = jax.nn.log_softmax(x, axis=1)
    return -(p * lp).sum(axis=1)


def _select_indices(ent_all, y_hat):
    # Faithful port of T3A.select_supports index computation (pure integer logic,
    # non-differentiable in the original torch code as well), expressed as a
    # fixed-shape permutation plus keep-mask: a stable lexsort by
    # (class, entropy, index) reproduces the per-class stable argsort
    # concatenation order, and rank-within-class < FILTER_K reproduces the
    # top-k truncation.
    n = ent_all.shape[0]
    order = jnp.lexsort((ent_all, y_hat))
    y_sorted = jnp.take(y_hat, order)
    start = jnp.searchsorted(y_sorted, y_sorted, side='left')
    rank = jnp.arange(n) - start
    keep = rank < FILTER_K
    return order, keep


def setup_inputs(seed: int = 0):
    key = jax.random.key(seed)
    k1, k2, k3 = jax.random.split(key, 3)
    x = jax.random.normal(k1, (BATCH, FEAT), dtype=jnp.float32)
    W = jax.random.normal(k2, (NUM_CLASSES, FEAT), dtype=jnp.float32) * 0.05
    b = jax.random.normal(k3, (NUM_CLASSES,), dtype=jnp.float32) * 0.01
    return {"x": x, "W": W, "b": b}


def reference(x, W, b):
    # warmup state built from the frozen classifier (as in __init__)
    warmup_supports = W
    warmup_prob = warmup_supports @ W.T + b
    warmup_ent = _softmax_entropy(warmup_prob)
    warmup_labels = jax.nn.one_hot(jnp.argmax(warmup_prob, axis=1), NUM_CLASSES, dtype=jnp.float32)

    # forward: feature extractor is identity, classifier is linear
    z = x
    p = z @ W.T + b
    yhat = jax.nn.one_hot(jnp.argmax(p, axis=1), NUM_CLASSES, dtype=jnp.float32)
    ent = _softmax_entropy(p)

    supports = jnp.concatenate([warmup_supports, z], axis=0)
    labels = jnp.concatenate([warmup_labels, yhat], axis=0)
    ent_all = jnp.concatenate([warmup_ent, ent], axis=0)

    y_hat = jnp.argmax(labels, axis=1)
    order, keep = _select_indices(ent_all, y_hat)
    keep_f = keep.astype(supports.dtype)[:, None]

    sel_supports = jnp.take(supports, order, axis=0) * keep_f
    sel_labels = jnp.take(labels, order, axis=0) * keep_f

    sel_supports = sel_supports / jnp.clip(jnp.linalg.norm(sel_supports, axis=1, keepdims=True), 1e-12)
    weights = sel_supports.T @ sel_labels
    weights = weights / jnp.clip(jnp.linalg.norm(weights, axis=0, keepdims=True), 1e-12)
    return z @ weights

if __name__ == "__main__":
    import jax
    _d = setup_inputs()
    print(jax.jit(kernel)(*tuple(_d.values())))

</pallas_src>

<mosaic_0001>
#map = affine_map<(d0, d1) -> (0)>
module attributes {stable_mosaic.version = 14 : i64} {
  func.func @_k2_body(%arg0: i32, %arg1: i32, %arg2: memref<17408xi32, #tpu.memory_space<hbm>>, %arg3: memref<17408xi32, #tpu.memory_space<hbm>>, %arg4: memref<17408xf32, #tpu.memory_space<hbm>>, %arg5: memref<1088xi32, #tpu.memory_space<vmem>>, %arg6: memref<1088xf32, #tpu.memory_space<vmem>>, %arg7: memref<1024xi32, #tpu.memory_space<vmem>>, %arg8: memref<16x128xi32, #tpu.memory_space<vmem>>, %arg9: memref<16x1024xi32, #tpu.memory_space<vmem_shared>>, %arg10: memref<1024xi32, #tpu.memory_space<vmem_shared>>, %arg11: memref<1024xi32, #tpu.memory_space<vmem>>, %arg12: memref<1040xi32, #tpu.memory_space<vmem>>, %arg13: memref<17424xi32, #tpu.memory_space<vmem>>, %arg14: memref<17424xi32, #tpu.memory_space<vmem>>, %arg15: memref<17424xi32, #tpu.memory_space<vmem>>, %arg16: memref<1024xi32, #tpu.memory_space<vmem>>, %arg17: memref<1024xi32, #tpu.memory_space<vmem>>, %arg18: memref<128xi32, #tpu.memory_space<vmem>>, %arg19: memref<128xf32, #tpu.memory_space<vmem>>, %arg20: memref<!tpu.dma_semaphore, #tpu.memory_space<semaphore_mem>>) attributes {dimension_semantics = [#tpu.dimension_semantics<core_parallel>, #tpu.dimension_semantics<subcore_parallel>], iteration_bounds = array<i64: 1, 16>, scalar_prefetch = 0 : i64, scratch_operands = 16 : i64, tpu.core_type = #tpu.core_type<sc_vector_subcore>, window_params = [{transform_indices = #map}, {transform_indices = #map}, {transform_indices = #map}]} {
    %iota3A = tpu.iota {dimensions = array<i32: 0>} : vector<16xi32>
    %scan3A = arith.constant 0 : i32
    %scan3A_0 = arith.constant 0 : i32
    %scan3A_1 = arith.constant 16 : i32
    %scan3A_2 = arith.addi %scan3A_0, %scan3A_1 : i32
    %scan3A_3 = arith.constant 1 : i32
    %scan3A_4 = scf.for %scan3A_39 = %scan3A_0 to %scan3A_2 step %scan3A_3 iter_args(%scan3A_40 = %scan3A) -> (i32)  : i32 {
      %broadcast_in_dim3A = arith.constant 0 : i32
      %broadcast_in_dim3A_41 = vector.broadcast %broadcast_in_dim3A : i32 to vector<16xi32>
      %mul3A_42 = arith.constant 64 : i32
      %mul3A_43 = arith.muli %mul3A_42, %scan3A_39 : i32
      %add3A = arith.constant 0 : i32
      %add3A_44 = arith.addi %mul3A_43, %add3A : i32
      %swap3A = arith.index_cast %add3A_44 : i32 to index
      %swap3A_45 = tpu.vector_load %arg7[%swap3A] {strides = array<i32>} : memref<1024xi32, #tpu.memory_space<vmem>>, vector<16xi32>,
      tpu.vector_store %arg7[%swap3A], %broadcast_in_dim3A_41 {strides = array<i32>} : memref<1024xi32, #tpu.memory_space<vmem>>, vector<16xi32>,
      %broadcast_in_dim3A_46 = arith.constant 0 : i32
      %broadcast_in_dim3A_47 = vector.broadcast %broadcast_in_dim3A_46 : i32 to vector<16xi32>
      %mul3A_48 = arith.constant 64 : i32
      %mul3A_49 = arith.muli %mul3A_48, %scan3A_39 : i32
      %add3A_50 = arith.constant 16 : i32
      %add3A_51 = arith.addi %mul3A_49, %add3A_50 : i32
      %swap3A_52 = arith.index_cast %add3A_51 : i32 to index
      %swap3A_53 = tpu.vector_load %arg7[%swap3A_52] {strides = array<i32>} : memref<1024xi32, #tpu.memory_space<vmem>>, vector<16xi32>,
      tpu.vector_store %arg7[%swap3A_52], %broadcast_in_dim3A_47 {strides = array<i32>} : memref<1024xi32, #tpu.memory_space<vmem>>, vector<16xi32>,
      %broadcast_in_dim3A_54 = arith.constant 0 : i32
      %broadcast_in_dim3A_55 = vector.broadcast %broadcast_in_dim3A_54 : i32 to vector<16xi32>
      %mul3A_56 = arith.constant 64 : i32
      %mul3A_57 = arith.muli %mul3A_56, %scan3A_39 : i32
      %add3A_58 = arith.constant 32 : i32
      %add3A_59 = arith.addi %mul3A_57, %add3A_58 : i32
      %swap3A_60 = arith.index_cast %add3A_59 : i32 to index
      %swap3A_61 = tpu.vector_load %arg7[%swap3A_60] {strides = array<i32>} : memref<1024xi32, #tpu.memory_space<vmem>>, vector<16xi32>,
      tpu.vector_store %arg7[%swap3A_60], %broadcast_in_dim3A_55 {strides = array<i32>} : memref<1024xi32, #tpu.memory_space<vmem>>, vector<16xi32>,
      %broadcast_in_dim3A_62 = arith.constant 0 : i32
      %broadcast_in_dim3A_63 = vector.broadcast %broadcast_in_dim3A_62 : i32 to vector<16xi32>
      %mul3A_64 = arith.constant 64 : i32
      %mul3A_65 = arith.muli %mul3A_64, %scan3A_39 : i32
      %add3A_66 = arith.constant 48 : i32
      %add3A_67 = arith.addi %mul3A_65, %add3A_66 : i32
      %swap3A_68 = arith.index_cast %add3A_67 : i32 to index
      %swap3A_69 = tpu.vector_load %arg7[%swap3A_68] {strides = array<i32>} : memref<1024xi32, #tpu.memory_space<vmem>>, vector<16xi32>,
      tpu.vector_store %arg7[%swap3A_68], %broadcast_in_dim3A_63 {strides = array<i32>} : memref<1024xi32, #tpu.memory_space<vmem>>, vector<16xi32>,
      %scan3A_70 = arith.constant 0 : i32
      scf.yield %scan3A_70 : i32
    }
    %scan3A_5 = arith.constant 16 : i32
    %mul3A = arith.constant 1088 : i32
    %mul3A_6 = arith.muli %arg1, %mul3A : i32
    "tpu.region"() ({
      %run_scoped3A = tpu.sem_alloc : memref<!tpu.dma_semaphore, #tpu.memory_space<semaphore_mem>>
      %dma_start3A = tpu.memref_slice %arg3[%mul3A_6] : memref<17408xi32, #tpu.memory_space<hbm>> -> memref<1088xi32, #tpu.memory_space<hbm>>
      %dma_start3A_39 = tpu.memref_slice %arg3[%mul3A_6] : memref<17408xi32, #tpu.memory_space<hbm>> -> memref<1088xi32, #tpu.memory_space<hbm>>
      tpu.enqueue_dma source(%dma_start3A_39 : memref<1088xi32, #tpu.memory_space<hbm>>) target(%arg5 : memref<1088xi32, #tpu.memory_space<vmem>>) target_semaphore(%run_scoped3A : memref<!tpu.dma_semaphore, #tpu.memory_space<semaphore_mem>>)
      %dma_wait3A = tpu.memref_slice %arg3[%mul3A_6] : memref<17408xi32, #tpu.memory_space<hbm>> -> memref<1088xi32, #tpu.memory_space<hbm>>
      %dma_wait3A_40 = tpu.memref_slice %arg3[%mul3A_6] : memref<17408xi32, #tpu.memory_space<hbm>> -> memref<1088xi32, #tpu.memory_space<hbm>>
      tpu.wait_dma2 semaphore(%run_scoped3A : memref<!tpu.dma_semaphore, #tpu.memory_space<semaphore_mem>>) src(%dma_wait3A_40 : memref<1088xi32, #tpu.memory_space<hbm>>) dst(%arg5 : memref<1088xi32, #tpu.memory_space<vmem>>)
      tpu.yield
    }) : () -> ()
    %scan3A_7 = arith.constant 0 : i32
    %scan3A_8 = arith.constant 0 : i32
    %scan3A_9 = arith.constant 17 : i32
    %scan3A_10 = arith.addi %scan3A_8, %scan3A_9 : i32
    %scan3A_11 = arith.constant 1 : i32
    %scan3A_12 = scf.for %scan3A_39 = %scan3A_8 to %scan3A_10 step %scan3A_11 iter_args(%scan3A_40 = %scan3A_7) -> (i32)  : i32 {
      %mul3A_41 = arith.constant 64 : i32
      %mul3A_42 = arith.muli %mul3A_41, %scan3A_39 : i32
      %add3A = arith.constant 0 : i32
      %add3A_43 = arith.addi %mul3A_42, %add3A : i32
      %get3A = arith.index_cast %add3A_43 : i32 to index
      %get3A_44 = tpu.vector_load %arg5[%get3A] {strides = array<i32>} : memref<1088xi32, #tpu.memory_space<vmem>>, vector<16xi32>,
      %broadcast_in_dim3A = arith.constant true
      %broadcast_in_dim3A_45 = vector.broadcast %broadcast_in_dim3A : i1 to vector<16xi1>
      %unique3A, %unique3A_46 = tpu.scan_count mask(%broadcast_in_dim3A_45 : vector<16xi1>) value(%get3A_44 : vector<16xi32>) : vector<16xi1>, vector<16xi32>
      tpu.vector_store_idx %arg7[%get3A_44], %unique3A_46 masked %unique3A {add = true} : memref<1024xi32, #tpu.memory_space<vmem>>[vector<16xi32>], vector<16xi32>, vector<16xi1>
      %mul3A_47 = arith.constant 64 : i32
      %mul3A_48 = arith.muli %mul3A_47, %scan3A_39 : i32
      %add3A_49 = arith.constant 16 : i32
      %add3A_50 = arith.addi %mul3A_48, %add3A_49 : i32
      %get3A_51 = arith.index_cast %add3A_50 : i32 to index
      %get3A_52 = tpu.vector_load %arg5[%get3A_51] {strides = array<i32>} : memref<1088xi32, #tpu.memory_space<vmem>>, vector<16xi32>,
      %broadcast_in_dim3A_53 = arith.constant true
      %broadcast_in_dim3A_54 = vector.broadcast %broadcast_in_dim3A_53 : i1 to vector<16xi1>
      %unique3A_55, %unique3A_56 = tpu.scan_count mask(%broadcast_in_dim3A_54 : vector<16xi1>) value(%get3A_52 : vector<16xi32>) : vector<16xi1>, vector<16xi32>
      tpu.vector_store_idx %arg7[%get3A_52], %unique3A_56 masked %unique3A_55 {add = true} : memref<1024xi32, #tpu.memory_space<vmem>>[vector<16xi32>], vector<16xi32>, vector<16xi1>
      %mul3A_57 = arith.constant 64 : i32
      %mul3A_58 = arith.muli %mul3A_57, %scan3A_39 : i32
      %add3A_59 = arith.constant 32 : i32
      %add3A_60 = arith.addi %mul3A_58, %add3A_59 : i32
      %get3A_61 = arith.index_cast %add3A_60 : i32 to index
      %get3A_62 = tpu.vector_load %arg5[%get3A_61] {strides = array<i32>} : memref<1088xi32, #tpu.memory_space<vmem>>, vector<16xi32>,
      %broadcast_in_dim3A_63 = arith.constant true
      %broadcast_in_dim3A_64 = vector.broadcast %broadcast_in_dim3A_63 : i1 to vector<16xi1>
      %unique3A_65, %unique3A_66 = tpu.scan_count mask(%broadcast_in_dim3A_64 : vector<16xi1>) value(%get3A_62 : vector<16xi32>) : vector<16xi1>, vector<16xi32>
      tpu.vector_store_idx %arg7[%get3A_62], %unique3A_66 masked %unique3A_65 {add = true} : memref<1024xi32, #tpu.memory_space<vmem>>[vector<16xi32>], vector<16xi32>, vector<16xi1>
      %mul3A_67 = arith.constant 64 : i32
      %mul3A_68 = arith.muli %mul3A_67, %scan3A_39 : i32
      %add3A_69 = arith.constant 48 : i32
      %add3A_70 = arith.addi %mul3A_68, %add3A_69 : i32
      %get3A_71 = arith.index_cast %add3A_70 : i32 to index
      %get3A_72 = tpu.vector_load %arg5[%get3A_71] {strides = array<i32>} : memref<1088xi32, #tpu.memory_space<vmem>>, vector<16xi32>,
      %broadcast_in_dim3A_73 = arith.constant true
      %broadcast_in_dim3A_74 = vector.broadcast %broadcast_in_dim3A_73 : i1 to vector<16xi1>
      %unique3A_75, %unique3A_76 = tpu.scan_count mask(%broadcast_in_dim3A_74 : vector<16xi1>) value(%get3A_72 : vector<16xi32>) : vector<16xi1>, vector<16xi32>
      tpu.vector_store_idx %arg7[%get3A_72], %unique3A_76 masked %unique3A_75 {add = true} : memref<1024xi32, #tpu.memory_space<vmem>>[vector<16xi32>], vector<16xi32>, vector<16xi1>
      %scan3A_77 = arith.constant 0 : i32
      scf.yield %scan3A_77 : i32
    }
    %scan3A_13 = arith.constant 17 : i32
    "tpu.region"() ({
      %run_scoped3A = tpu.sem_alloc : memref<!tpu.dma_semaphore, #tpu.memory_space<semaphore_mem>>
      %dma_start3A = arith.constant 0 : i32
      %dma_start3A_39 = tpu.memref_slice %arg9[%arg1, %dma_start3A] : memref<16x1024xi32, #tpu.memory_space<vmem_shared>> -> memref<1x1024xi32, #tpu.memory_space<vmem_shared>>
      %dma_start3A_40 = tpu.memref_squeeze %dma_start3A_39 : memref<1x1024xi32, #tpu.memory_space<vmem_shared>> -> memref<1024xi32, #tpu.memory_space<vmem_shared>>
      %dma_start3A_41 = arith.constant 0 : i32
      %dma_start3A_42 = tpu.memref_slice %arg9[%arg1, %dma_start3A_41] : memref<16x1024xi32, #tpu.memory_space<vmem_shared>> -> memref<1x1024xi32, #tpu.memory_space<vmem_shared>>
      %dma_start3A_43 = tpu.memref_squeeze %dma_start3A_42 : memref<1x1024xi32, #tpu.memory_space<vmem_shared>> -> memref<1024xi32, #tpu.memory_space<vmem_shared>>
      tpu.enqueue_dma source(%arg7 : memref<1024xi32, #tpu.memory_space<vmem>>) target(%dma_start3A_43 : memref<1024xi32, #tpu.memory_space<vmem_shared>>) target_semaphore(%run_scoped3A : memref<!tpu.dma_semaphore, #tpu.memory_space<semaphore_mem>>)
      %dma_wait3A = arith.constant 0 : i32
      %dma_wait3A_44 = tpu.memref_slice %arg9[%arg1, %dma_wait3A] : memref<16x1024xi32, #tpu.memory_space<vmem_shared>> -> memref<1x1024xi32, #tpu.memory_space<vmem_shared>>
      %dma_wait3A_45 = tpu.memref_squeeze %dma_wait3A_44 : memref<1x1024xi32, #tpu.memory_space<vmem_shared>> -> memref<1024xi32, #tpu.memory_space<vmem_shared>>
      %dma_wait3A_46 = arith.constant 0 : i32
      %dma_wait3A_47 = tpu.memref_slice %arg9[%arg1, %dma_wait3A_46] : memref<16x1024xi32, #tpu.memory_space<vmem_shared>> -> memref<1x1024xi32, #tpu.memory_space<vmem_shared>>
      %dma_wait3A_48 = tpu.memref_squeeze %dma_wait3A_47 : memref<1x1024xi32, #tpu.memory_space<vmem_shared>> -> memref<1024xi32, #tpu.memory_space<vmem_shared>>
      tpu.wait_dma2 semaphore(%run_scoped3A : memref<!tpu.dma_semaphore, #tpu.memory_space<semaphore_mem>>) src(%arg7 : memref<1024xi32, #tpu.memory_space<vmem>>) dst(%dma_wait3A_48 : memref<1024xi32, #tpu.memory_space<vmem_shared>>)
      tpu.yield
    }) : () -> ()
    %barrier3A = arith.constant 0 : index
    tpu.barrier barrier_id(%barrier3A)
    %lt3A = arith.constant 8 : i32
    %lt3A_14 = arith.cmpi slt, %arg1, %lt3A : i32
    %convert_element_type3A = arith.extui %lt3A_14 : i1 to i32
    %cond3A = arith.constant 0 : i32
    %cond3A_15 = arith.cmpi ne, %convert_element_type3A, %cond3A : i32
    scf.if %cond3A_15 {
      %mul3A_39 = arith.constant 128 : i32
      %mul3A_40 = arith.muli %arg1, %mul3A_39 : i32
      "tpu.region"() ({
        %run_scoped3A = tpu.sem_alloc : memref<!tpu.dma_semaphore, #tpu.memory_space<semaphore_mem>>
        %dma_start3A = arith.constant 0 : i32
        %dma_start3A_711 = tpu.memref_slice %arg9[%dma_start3A, %mul3A_40] : memref<16x1024xi32, #tpu.memory_space<vmem_shared>> -> memref<16x128xi32, #tpu.memory_space<vmem_shared>>
        %dma_start3A_712 = arith.constant 0 : i32
        %dma_start3A_713 = tpu.memref_slice %arg9[%dma_start3A_712, %mul3A_40] : memref<16x1024xi32, #tpu.memory_space<vmem_shared>> -> memref<16x128xi32, #tpu.memory_space<vmem_shared>>
        tpu.enqueue_dma source(%dma_start3A_713 : memref<16x128xi32, #tpu.memory_space<vmem_shared>>) target(%arg8 : memref<16x128xi32, #tpu.memory_space<vmem>>) target_semaphore(%run_scoped3A : memref<!tpu.dma_semaphore, #tpu.memory_space<semaphore_mem>>)
        %dma_wait3A = arith.constant 0 : i32
        %dma_wait3A_714 = tpu.memref_slice %arg9[%dma_wait3A, %mul3A_40] : memref<16x1024xi32, #tpu.memory_space<vmem_shared>> -> memref<16x128xi32, #tpu.memory_space<vmem_shared>>
        %dma_wait3A_715 = arith.constant 0 : i32
        %dma_wait3A_716 = tpu.memref_slice %arg9[%dma_wait3A_715, %mul3A_40] : memref<16x1024xi32, #tpu.memory_space<vmem_shared>> -> memref<16x128xi32, #tpu.memory_space<vmem_shared>>
        tpu.wait_dma2 semaphore(%run_scoped3A : memref<!tpu.dma_semaphore, #tpu.memory_space<semaphore_mem>>) src(%dma_wait3A_716 : memref<16x128xi32, #tpu.memory_space<vmem_shared>>) dst(%arg8 : memref<16x128xi32, #tpu.memory_space<vmem>>)
        tpu.yield
      }) : () -> ()
      %broadcast_in_dim3A = arith.constant 0 : i32
      %broadcast_in_dim3A_41 = vector.broadcast %broadcast_in_dim3A : i32 to vector<16xi32>
      %broadcast_in_dim3A_42 = arith.constant 0 : i32
      %broadcast_in_dim3A_43 = vector.broadcast %broadcast_in_dim3A_42 : i32 to vector<16xi32>
      %broadcast_in_dim3A_44 = arith.constant 0 : i32
      %broadcast_in_dim3A_45 = vector.broadcast %broadcast_in_dim3A_44 : i32 to vector<16xi32>
      %broadcast_in_dim3A_46 = arith.constant 0 : i32
      %broadcast_in_dim3A_47 = vector.broadcast %broadcast_in_dim3A_46 : i32 to vector<16xi32>
      %broadcast_in_dim3A_48 = arith.constant 0 : i32
      %broadcast_in_dim3A_49 = vector.broadcast %broadcast_in_dim3A_48 : i32 to vector<16xi32>
      %broadcast_in_dim3A_50 = arith.constant 0 : i32
      %broadcast_in_dim3A_51 = vector.broadcast %broadcast_in_dim3A_50 : i32 to vector<16xi32>
      %broadcast_in_dim3A_52 = arith.constant 0 : i32
      %broadcast_in_dim3A_53 = vector.broadcast %broadcast_in_dim3A_52 : i32 to vector<16xi32>
      %broadcast_in_dim3A_54 = arith.constant 0 : i32
      %broadcast_in_dim3A_55 = vector.broadcast %broadcast_in_dim3A_54 : i32 to vector<16xi32>
      %get3A = arith.constant 0 : i32
      %get3A_56 = arith.index_cast %get3A : i32 to index
      %get3A_57 = arith.constant 0 : index
      %get3A_58 = tpu.vector_load %arg8[%get3A_56, %get3A_57] {strides = array<i32>} : memref<16x128xi32, #tpu.memory_space<vmem>>, vector<16xi32>,
      %add3A = arith.addi %broadcast_in_dim3A_41, %get3A_58 : vector<16xi32>
      %get3A_59 = arith.constant 0 : i32
      %get3A_60 = arith.index_cast %get3A_59 : i32 to index
      %get3A_61 = arith.constant 16 : index
      %get3A_62 = tpu.vector_load %arg8[%get3A_60, %get3A_61] {strides = array<i32>} : memref<16x128xi32, #tpu.memory_space<vmem>>, vector<16xi32>,
      %add3A_63 = arith.addi %broadcast_in_dim3A_43, %get3A_62 : vector<16xi32>
      %get3A_64 = arith.constant 0 : i32
      %get3A_65 = arith.index_cast %get3A_64 : i32 to index
      %get3A_66 = arith.constant 32 : index
      %get3A_67 = tpu.vector_load %arg8[%get3A_65, %get3A_66] {strides = array<i32>} : memref<16x128xi32, #tpu.memory_space<vmem>>, vector<16xi32>,
      %add3A_68 = arith.addi %broadcast_in_dim3A_45, %get3A_67 : vector<16xi32>
      %get3A_69 = arith.constant 0 : i32
      %get3A_70 = arith.index_cast %get3A_69 : i32 to index
      %get3A_71 = arith.constant 48 : index
      %get3A_72 = tpu.vector_load %arg8[%get3A_70, %get3A_71] {strides = array<i32>} : memref<16x128xi32, #tpu.memory_space<vmem>>, vector<16xi32>,
      %add3A_73 = arith.addi %broadcast_in_dim3A_47, %get3A_72 : vector<16xi32>
      %get3A_74 = arith.constant 0 : i32
      %get3A_75 = arith.index_cast %get3A_74 : i32 to index
      %get3A_76 = arith.constant 64 : index
      %get3A_77 = tpu.vector_load %arg8[%get3A_75, %get3A_76] {strides = array<i32>} : memref<16x128xi32, #tpu.memory_space<vmem>>, vector<16xi32>,
      %add3A_78 = arith.addi %broadcast_in_dim3A_49, %get3A_77 : vector<16xi32>
      %get3A_79 = arith.constant 0 : i32
      %get3A_80 = arith.index_cast %get3A_79 : i32 to index
      %get3A_81 = arith.constant 80 : index
      %get3A_82 = tpu.vector_load %arg8[%get3A_80, %get3A_81] {strides = array<i32>} : memref<16x128xi32, #tpu.memory_space<vmem>>, vector<16xi32>,
      %add3A_83 = arith.addi %broadcast_in_dim3A_51, %get3A_82 : vector<16xi32>
      %get3A_84 = arith.constant 0 : i32
      %get3A_85 = arith.index_cast %get3A_84 : i32 to index
      %get3A_86 = arith.constant 96 : index
      %get3A_87 = tpu.vector_load %arg8[%get3A_85, %get3A_86] {strides = array<i32>} : memref<16x128xi32, #tpu.memory_space<vmem>>, vector<16xi32>,
      %add3A_88 = arith.addi %broadcast_in_dim3A_53, %get3A_87 : vector<16xi32>
      %get3A_89 = arith.constant 0 : i32
      %get3A_90 = arith.index_cast %get3A_89 : i32 to index
      %get3A_91 = arith.constant 112 : index
      %get3A_92 = tpu.vector_load %arg8[%get3A_90, %get3A_91] {strides = array<i32>} : memref<16x128xi32, #tpu.memory_space<vmem>>, vector<16xi32>,
      %add3A_93 = arith.addi %broadcast_in_dim3A_55, %get3A_92 : vector<16xi32>
      %get3A_94 = arith.constant 1 : i32
      %get3A_95 = arith.index_cast %get3A_94 : i32 to index
      %get3A_96 = arith.constant 0 : index
      %get3A_97 = tpu.vector_load %arg8[%get3A_95, %get3A_96] {strides = array<i32>} : memref<16x128xi32, #tpu.memory_space<vmem>>, vector<16xi32>,
      %add3A_98 = arith.addi %add3A, %get3A_97 : vector<16xi32>
      %get3A_99 = arith.constant 1 : i32
      %get3A_100 = arith.index_cast %get3A_99 : i32 to index
      %get3A_101 = arith.constant 16 : index
      %get3A_102 = tpu.vector_load %arg8[%get3A_100, %get3A_101] {strides = array<i32>} : memref<16x128xi32, #tpu.memory_space<vmem>>, vector<16xi32>,
      %add3A_103 = arith.addi %add3A_63, %get3A_102 : vector<16xi32>
      %get3A_104 = arith.constant 1 : i32
      %get3A_105 = arith.index_cast %get3A_104 : i32 to index
      %get3A_106 = arith.constant 32 : index
      %get3A_107 = tpu.vector_load %arg8[%get3A_105, %get3A_106] {strides = array<i32>} : memref<16x128xi32, #tpu.memory_space<vmem>>, vector<16xi32>,
      %add3A_108 = arith.addi %add3A_68, %get3A_107 : vector<16xi32>
      %get3A_109 = arith.constant 1 : i32
      %get3A_110 = arith.index_cast %get3A_109 : i32 to index
      %get3A_111 = arith.constant 48 : index
      %get3A_112 = tpu.vector_load %arg8[%get3A_110, %get3A_111] {strides = array<i32>} : memref<16x128xi32, #tpu.memory_space<vmem>>, vector<16xi32>,
      %add3A_113 = arith.addi %add3A_73, %get3A_112 : vector<16xi32>
      %get3A_114 = arith.constant 1 : i32
      %get3A_115 = arith.index_cast %get3A_114 : i32 to index
      %get3A_116 = arith.constant 64 : index
      %get3A_117 = tpu.vector_load %arg8[%get3A_115, %get3A_116] {strides = array<i32>} : memref<16x128xi32, #tpu.memory_space<vmem>>, vector<16xi32>,
      %add3A_118 = arith.addi %add3A_78, %get3A_117 : vector<16xi32>
      %get3A_119 = arith.constant 1 : i32
      %get3A_120 = arith.index_cast %get3A_119 : i32 to index
      %get3A_121 = arith.constant 80 : index
      %get3A_122 = tpu.vector_load %arg8[%get3A_120, %get3A_121] {strides = array<i32>} : memref<16x128xi32, #tpu.memory_space<vmem>>, vector<16xi32>,
      %add3A_123 = arith.addi %add3A_83, %get3A_122 : vector<16xi32>
      %get3A_124 = arith.constant 1 : i32
      %get3A_125 = arith.index_cast %get3A_124 : i32 to index
      %get3A_126 = arith.constant 96 : index
      %get3A_127 = tpu.vector_load %arg8[%get3A_125, %get3A_126] {strides = array<i32>} : memref<16x128xi32, #tpu.memory_space<vmem>>, vector<16xi32>,
      %add3A_128 = arith.addi %add3A_88, %get3A_127 : vector<16xi32>
      %get3A_129 = arith.constant 1 : i32
      %get3A_130 = arith.index_cast %get3A_129 : i32 to index
      %get3A_131 = arith.constant 112 : index
      %get3A_132 = tpu.vector_load %arg8[%get3A_130, %get3A_131] {strides = array<i32>} : memref<16x128xi32, #tpu.memory_space<vmem>>, vector<16xi32>,
      %add3A_133 = arith.addi %add3A_93, %get3A_132 : vector<16xi32>
      %get3A_134 = arith.constant 2 : i32
      %get3A_135 = arith.index_cast %get3A_134 : i32 to index
      %get3A_136 = arith.constant 0 : index
      %get3A_137 = tpu.vector_load %arg8[%get3A_135, %get3A_136] {strides = array<i32>} : memref<16x128xi32, #tpu.memory_space<vmem>>, vector<16xi32>,
      %add3A_138 = arith.addi %add3A_98, %get3A_137 : vector<16xi32>
      %get3A_139 = arith.constant 2 : i32
      %get3A_140 = arith.index_cast %get3A_139 : i32 to index
      %get3A_141 = arith.constant 16 : index
      %get3A_142 = tpu.vector_load %arg8[%get3A_140, %get3A_141] {strides = array<i32>} : memref<16x128xi32, #tpu.memory_space<vmem>>, vector<16xi32>,
      %add3A_143 = arith.addi %add3A_103, %get3A_142 : vector<16xi32>
      %get3A_144 = arith.constant 2 : i32
      %get3A_145 = arith.index_cast %get3A_144 : i32 to index
      %get3A_146 = arith.constant 32 : index
      %get3A_147 = tpu.vector_load %arg8[%get3A_145, %get3A_146] {strides = array<i32>} : memref<16x128xi32, #tpu.memory_space<vmem>>, vector<16xi32>,
      %add3A_148 = arith.addi %add3A_108, %get3A_147 : vector<16xi32>
      %get3A_149 = arith.constant 2 : i32
      %get3A_150 = arith.index_cast %get3A_149 : i32 to index
      %get3A_151 = arith.constant 48 : index
      %get3A_152 = tpu.vector_load %arg8[%get3A_150, %get3A_151] {strides = array<i32>} : memref<16x128xi32, #tpu.memory_space<vmem>>, vector<16xi32>,
      %add3A_153 = arith.addi %add3A_113, %get3A_152 : vector<16xi32>
      %get3A_154 = arith.constant 2 : i32
      %get3A_155 = arith.index_cast %get3A_154 : i32 to index
      %get3A_156 = arith.constant 64 : index
      %get3A_157 = tpu.vector_load %arg8[%get3A_155, %get3A_156] {strides = array<i32>} : memref<16x128xi32, #tpu.memory_space<vmem>>, vector<16xi32>,
      %add3A_158 = arith.addi %add3A_118, %get3A_157 : vector<16xi32>
      %get3A_159 = arith.constant 2 : i32
      %get3A_160 = arith.index_cast %get3A_159 : i32 to index
      %get3A_161 = arith.constant 80 : index
      %get3A_162 = tpu.vector_load %arg8[%get3A_160, %get3A_161] {strides = array<i32>} : memref<16x128xi32, #tpu.memory_space<vmem>>, vector<16xi32>,
      %add3A_163 = arith.addi %add3A_123, %get3A_162 : vector<16xi32>
      %get3A_164 = arith.constant 2 : i32
      %get3A_165 = arith.index_cast %get3A_164 : i32 to index
      %get3A_166 = arith.constant 96 : index
      %get3A_167 = tpu.vector_load %arg8[%get3A_165, %get3A_166] {strides = array<i32>} : memref<16x128xi32, #tpu.memory_space<vmem>>, vector<16xi32>,
      %add3A_168 = arith.addi %add3A_128, %get3A_167 : vector<16xi32>
      %get3A_169 = arith.constant 2 : i32
      %get3A_170 = arith.index_cast %get3A_169 : i32 to index
      %get3A_171 = arith.constant 112 : index
      %get3A_172 = tpu.vector_load %arg8[%get3A_170, %get3A_171] {strides = array<i32>} : memref<16x128xi32, #tpu.memory_space<vmem>>, vector<16xi32>,
      %add3A_173 = arith.addi %add3A_133, %get3A_172 : vector<16xi32>
      %get3A_174 = arith.constant 3 : i32
      %get3A_175 = arith.index_cast %get3A_174 : i32 to index
      %get3A_176 = arith.constant 0 : index
      %get3A_177 = tpu.vector_load %arg8[%get3A_175, %get3A_176] {strides = array<i32>} : memref<16x128xi32, #tpu.memory_space<vmem>>, vector<16xi32>,
      %add3A_178 = arith.addi %add3A_138, %get3A_177 : vector<16xi32>
      %get3A_179 = arith.constant 3 : i32
      %get3A_180 = arith.index_cast %get3A_179 : i32 to index
      %get3A_181 = arith.constant 16 : index
      %get3A_182 = tpu.vector_load %arg8[%get3A_180, %get3A_181] {strides = array<i32>} : memref<16x128xi32, #tpu.memory_space<vmem>>, vector<16xi32>,
      %add3A_183 = arith.addi %add3A_143, %get3A_182 : vector<16xi32>
      %get3A_184 = arith.constant 3 : i32
      %get3A_185 = arith.index_cast %get3A_184 : i32 to index
      %get3A_186 = arith.constant 32 : index
      %get3A_187 = tpu.vector_load %arg8[%get3A_185, %get3A_186] {strides = array<i32>} : memref<16x128xi32, #tpu.memory_space<vmem>>, vector<16xi32>,
      %add3A_188 = arith.addi %add3A_148, %get3A_187 : vector<16xi32>
      %get3A_189 = arith.constant 3 : i32
      %get3A_190 = arith.index_cast %get3A_189 : i32 to index
      %get3A_191 = arith.constant 48 : index
      %get3A_192 = tpu.vector_load %arg8[%get3A_190, %get3A_191] {strides = array<i32>} : memref<16x128xi32, #tpu.memory_space<vmem>>, vector<16xi32>,
      %add3A_193 = arith.addi %add3A_153, %get3A_192 : vector<16xi32>
      %get3A_194 = arith.constant 3 : i32
      %get3A_195 = arith.index_cast %get3A_194 : i32 to index
      %get3A_196 = arith.constant 64 : index
      %get3A_197 = tpu.vector_load %arg8[%get3A_195, %get3A_196] {strides = array<i32>} : memref<16x128xi32, #tpu.memory_space<vmem>>, vector<16xi32>,
      %add3A_198 = arith.addi %add3A_158, %get3A_197 : vector<16xi32>
      %get3A_199 = arith.constant 3 : i32
      %get3A_200 = arith.index_cast %get3A_199 : i32 to index
      %get3A_201 = arith.constant 80 : index
      %get3A_202 = tpu.vector_load %arg8[%get3A_200, %get3A_201] {strides = array<i32>} : memref<16x128xi32, #tpu.memory_space<vmem>>, vector<16xi32>,
      %add3A_203 = arith.addi %add3A_163, %get3A_202 : vector<16xi32>
      %get3A_204 = arith.constant 3 : i32
      %get3A_205 = arith.index_cast %get3A_204 : i32 to index
      %get3A_206 = arith.constant 96 : index
      %get3A_207 = tpu.vector_load %arg8[%get3A_205, %get3A_206] {strides = array<i32>} : memref<16x128xi32, #tpu.memory_space<vmem>>, vector<16xi32>,
      %add3A_208 = arith.addi %add3A_168, %get3A_207 : vector<16xi32>
      %get3A_209 = arith.constant 3 : i32
      %get3A_210 = arith.index_cast %get3A_209 : i32 to index
      %get3A_211 = arith.constant 112 : index
      %get3A_212 = tpu.vector_load %arg8[%get3A_210, %get3A_211] {strides = array<i32>} : memref<16x128xi32, #tpu.memory_space<vmem>>, vector<16xi32>,
      %add3A_213 = arith.addi %add3A_173, %get3A_212 : vector<16xi32>
      %get3A_214 = arith.constant 4 : i32
      %get3A_215 = arith.index_cast %get3A_214 : i32 to index
      %get3A_216 = arith.constant 0 : index
      %get3A_217 = tpu.vector_load %arg8[%get3A_215, %get3A_216] {strides = array<i32>} : memref<16x128xi32, #tpu.memory_space<vmem>>, vector<16xi32>,
      %add3A_218 = arith.addi %add3A_178, %get3A_217 : vector<16xi32>
      %get3A_219 = arith.constant 4 : i32
      %get3A_220 = arith.index_cast %get3A_219 : i32 to index
      %get3A_221 = arith.constant 16 : index
      %get3A_222 = tpu.vector_load %arg8[%get3A_220, %get3A_221] {strides = array<i32>} : memref<16x128xi32, #tpu.memory_space<vmem>>, vector<16xi32>,
      %add3A_223 = arith.addi %add3A_183, %get3A_222 : vector<16xi32>
      %get3A_224 = arith.constant 4 : i32
      %get3A_225 = arith.index_cast %get3A_224 : i32 to index
      %get3A_226 = arith.constant 32 : index
      %get3A_227 = tpu.vector_load %arg8[%get3A_225, %get3A_226] {strides = array<i32>} : memref<16x128xi32, #tpu.memory_space<vmem>>, vector<16xi32>,
      %add3A_228 = arith.addi %add3A_188, %get3A_227 : vector<16xi32>
      %get3A_229 = arith.constant 4 : i32
      %get3A_230 = arith.index_cast %get3A_229 : i32 to index
      %get3A_231 = arith.constant 48 : index
      %get3A_232 = tpu.vector_load %arg8[%get3A_230, %get3A_231] {strides = array<i32>} : memref<16x128xi32, #tpu.memory_space<vmem>>, vector<16xi32>,
      %add3A_233 = arith.addi %add3A_193, %get3A_232 : vector<16xi32>
      %get3A_234 = arith.constant 4 : i32
      %get3A_235 = arith.index_cast %get3A_234 : i32 to index
      %get3A_236 = arith.constant 64 : index
      %get3A_237 = tpu.vector_load %arg8[%get3A_235, %get3A_236] {strides = array<i32>} : memref<16x128xi32, #tpu.memory_space<vmem>>, vector<16xi32>,
      %add3A_238 = arith.addi %add3A_198, %get3A_237 : vector<16xi32>
      %get3A_239 = arith.constant 4 : i32
      %get3A_240 = arith.index_cast %get3A_239 : i32 to index
      %get3A_241 = arith.constant 80 : index
      %get3A_242 = tpu.vector_load %arg8[%get3A_240, %get3A_241] {strides = array<i32>} : memref<16x128xi32, #tpu.memory_space<vmem>>, vector<16xi32>,
      %add3A_243 = arith.addi %add3A_203, %get3A_242 : vector<16xi32>
      %get3A_244 = arith.constant 4 : i32
      %get3A_245 = arith.index_cast %get3A_244 : i32 to index
      %get3A_246 = arith.constant 96 : index
      %get3A_247 = tpu.vector_load %arg8[%get3A_245, %get3A_246] {strides = array<i32>} : memref<16x128xi32, #tpu.memory_space<vmem>>, vector<16xi32>,
      %add3A_248 = arith.addi %add3A_208, %get3A_247 : vector<16xi32>
      %get3A_249 = arith.constant 4 : i32
      %get3A_250 = arith.index_cast %get3A_249 : i32 to index
      %get3A_251 = arith.constant 112 : index
      %get3A_252 = tpu.vector_load %arg8[%get3A_250, %get3A_251] {strides = array<i32>} : memref<16x128xi32, #tpu.memory_space<vmem>>, vector<16xi32>,
      %add3A_253 = arith.addi %add3A_213, %get3A_252 : vector<16xi32>
      %get3A_254 = arith.constant 5 : i32
      %get3A_255 = arith.index_cast %get3A_254 : i32 to index
      %get3A_256 = arith.constant 0 : index
      %get3A_257 = tpu.vector_load %arg8[%get3A_255, %get3A_256] {strides = array<i32>} : memref<16x128xi32, #tpu.memory_space<vmem>>, vector<16xi32>,
      %add3A_258 = arith.addi %add3A_218, %get3A_257 : vector<16xi32>
      %get3A_259 = arith.constant 5 : i32
      %get3A_260 = arith.index_cast %get3A_259 : i32 to index
      %get3A_261 = arith.constant 16 : index
      %get3A_262 = tpu.vector_load %arg8[%get3A_260, %get3A_261] {strides = array<i32>} : memref<16x128xi32, #tpu.memory_space<vmem>>, vector<16xi32>,
      %add3A_263 = arith.addi %add3A_223, %get3A_262 : vector<16xi32>
      %get3A_264 = arith.constant 5 : i32
      %get3A_265 = arith.index_cast %get3A_264 : i32 to index
      %get3A_266 = arith.constant 32 : index
      %get3A_267 = tpu.vector_load %arg8[%get3A_265, %get3A_266] {strides = array<i32>} : memref<16x128xi32, #tpu.memory_space<vmem>>, vector<16xi32>,
      %add3A_268 = arith.addi %add3A_228, %get3A_267 : vector<16xi32>
      %get3A_269 = arith.constant 5 : i32
      %get3A_270 = arith.index_cast %get3A_269 : i32 to index
      %get3A_271 = arith.constant 48 : index
      %get3A_272 = tpu.vector_load %arg8[%get3A_270, %get3A_271] {strides = array<i32>} : memref<16x128xi32, #tpu.memory_space<vmem>>, vector<16xi32>,
      %add3A_273 = arith.addi %add3A_233, %get3A_272 : vector<16xi32>
      %get3A_274 = arith.constant 5 : i32
      %get3A_275 = arith.index_cast %get3A_274 : i32 to index
      %get3A_276 = arith.constant 64 : index
      %get3A_277 = tpu.vector_load %arg8[%get3A_275, %get3A_276] {strides = array<i32>} : memref<16x128xi32, #tpu.memory_space<vmem>>, vector<16xi32>,
      %add3A_278 = arith.addi %add3A_238, %get3A_277 : vector<16xi32>
      %get3A_279 = arith.constant 5 : i32
      %get3A_280 = arith.index_cast %get3A_279 : i32 to index
      %get3A_281 = arith.constant 80 : index
      %get3A_282 = tpu.vector_load %arg8[%get3A_280, %get3A_281] {strides = array<i32>} : memref<16x128xi32, #tpu.memory_space<vmem>>, vector<16xi32>,
      %add3A_283 = arith.addi %add3A_243, %get3A_282 : vector<16xi32>
      %get3A_284 = arith.constant 5 : i32
      %get3A_285 = arith.index_cast %get3A_284 : i32 to index
      %get3A_286 = arith.constant 96 : index
      %get3A_287 = tpu.vector_load %arg8[%get3A_285, %get3A_286] {strides = array<i32>} : memref<16x128xi32, #tpu.memory_space<vmem>>, vector<16xi32>,
      %add3A_288 = arith.addi %add3A_248, %get3A_287 : vector<16xi32>
      %get3A_289 = arith.constant 5 : i32
      %get3A_290 = arith.index_cast %get3A_289 : i32 to index
      %get3A_291 = arith.constant 112 : index
      %get3A_292 = tpu.vector_load %arg8[%get3A_290, %get3A_291] {strides = array<i32>} : memref<16x128xi32, #tpu.memory_space<vmem>>, vector<16xi32>,
      %add3A_293 = arith.addi %add3A_253, %get3A_292 : vector<16xi32>
      %get3A_294 = arith.constant 6 : i32
      %get3A_295 = arith.index_cast %get3A_294 : i32 to index
      %get3A_296 = arith.constant 0 : index
      %get3A_297 = tpu.vector_load %arg8[%get3A_295, %get3A_296] {strides = array<i32>} : memref<16x128xi32, #tpu.memory_space<vmem>>, vector<16xi32>,
      %add3A_298 = arith.addi %add3A_258, %get3A_297 : vector<16xi32>
      %get3A_299 = arith.constant 6 : i32
      %get3A_300 = arith.index_cast %get3A_299 : i32 to index
      %get3A_301 = arith.constant 16 : index
      %get3A_302 = tpu.vector_load %arg8[%get3A_300, %get3A_301] {strides = array<i32>} : memref<16x128xi32, #tpu.memory_space<vmem>>, vector<16xi32>,
      %add3A_303 = arith.addi %add3A_263, %get3A_302 : vector<16xi32>
      %get3A_304 = arith.constant 6 : i32
      %get3A_305 = arith.index_cast %get3A_304 : i32 to index
      %get3A_306 = arith.constant 32 : index
      %get3A_307 = tpu.vector_load %arg8[%get3A_305, %get3A_306] {strides = array<i32>} : memref<16x128xi32, #tpu.memory_space<vmem>>, vector<16xi32>,
      %add3A_308 = arith.addi %add3A_268, %get3A_307 : vector<16xi32>
      %get3A_309 = arith.constant 6 : i32
      %get3A_310 = arith.index_cast %get3A_309 : i32 to index
      %get3A_311 = arith.constant 48 : index
      %get3A_312 = tpu.vector_load %arg8[%get3A_310, %get3A_311] {strides = array<i32>} : memref<16x128xi32, #tpu.memory_space<vmem>>, vector<16xi32>,
      %add3A_313 = arith.addi %add3A_273, %get3A_312 : vector<16xi32>
      %get3A_314 = arith.constant 6 : i32
      %get3A_315 = arith.index_cast %get3A_314 : i32 to index
      %get3A_316 = arith.constant 64 : index
      %get3A_317 = tpu.vector_load %arg8[%get3A_315, %get3A_316] {strides = array<i32>} : memref<16x128xi32, #tpu.memory_space<vmem>>, vector<16xi32>,
      %add3A_318 = arith.addi %add3A_278, %get3A_317 : vector<16xi32>
      %get3A_319 = arith.constant 6 : i32
      %get3A_320 = arith.index_cast %get3A_319 : i32 to index
      %get3A_321 = arith.constant 80 : index
      %get3A_322 = tpu.vector_load %arg8[%get3A_320, %get3A_321] {strides = array<i32>} : memref<16x128xi32, #tpu.memory_space<vmem>>, vector<16xi32>,
      %add3A_323 = arith.addi %add3A_283, %get3A_322 : vector<16xi32>
      %get3A_324 = arith.constant 6 : i32
      %get3A_325 = arith.index_cast %get3A_324 : i32 to index
      %get3A_326 = arith.constant 96 : index
      %get3A_327 = tpu.vector_load %arg8[%get3A_325, %get3A_326] {strides = array<i32>} : memref<16x128xi32, #tpu.memory_space<vmem>>, vector<16xi32>,
      %add3A_328 = arith.addi %add3A_288, %get3A_327 : vector<16xi32>
      %get3A_329 = arith.constant 6 : i32
      %get3A_330 = arith.index_cast %get3A_329 : i32 to index
      %get3A_331 = arith.constant 112 : index
      %get3A_332 = tpu.vector_load %arg8[%get3A_330, %get3A_331] {strides = array<i32>} : memref<16x128xi32, #tpu.memory_space<vmem>>, vector<16xi32>,
      %add3A_333 = arith.addi %add3A_293, %get3A_332 : vector<16xi32>
      %get3A_334 = arith.constant 7 : i32
      %get3A_335 = arith.index_cast %get3A_334 : i32 to index
      %get3A_336 = arith.constant 0 : index
      %get3A_337 = tpu.vector_load %arg8[%get3A_335, %get3A_336] {strides = array<i32>} : memref<16x128xi32, #tpu.memory_space<vmem>>, vector<16xi32>,
      %add3A_338 = arith.addi %add3A_298, %get3A_337 : vector<16xi32>
      %get3A_339 = arith.constant 7 : i32
      %get3A_340 = arith.index_cast %get3A_339 : i32 to index
      %get3A_341 = arith.constant 16 : index
      %get3A_342 = tpu.vector_load %arg8[%get3A_340, %get3A_341] {strides = array<i32>} : memref<16x128xi32, #tpu.memory_space<vmem>>, vector<16xi32>,
      %add3A_343 = arith.addi %add3A_303, %get3A_342 : vector<16xi32>
      %get3A_344 = arith.constant 7 : i32
      %get3A_345 = arith.index_cast %get3A_344 : i32 to index
      %get3A_346 = arith.constant 32 : index
      %get3A_347 = tpu.vector_load %arg8[%get3A_345, %get3A_346] {strides = array<i32>} : memref<16x128xi32, #tpu.memory_space<vmem>>, vector<16xi32>,
      %add3A_348 = arith.addi %add3A_308, %get3A_347 : vector<16xi32>
      %get3A_349 = arith.constant 7 : i32
      %get3A_350 = arith.index_cast %get3A_349 : i32 to index
      %get3A_351 = arith.constant 48 : index
      %get3A_352 = tpu.vector_load %arg8[%get3A_350, %get3A_351] {strides = array<i32>} : memref<16x128xi32, #tpu.memory_space<vmem>>, vector<16xi32>,
      %add3A_353 = arith.addi %add3A_313, %get3A_352 : vector<16xi32>
      %get3A_354 = arith.constant 7 : i32
      %get3A_355 = arith.index_cast %get3A_354 : i32 to index
      %get3A_356 = arith.constant 64 : index
      %get3A_357 = tpu.vector_load %arg8[%get3A_355, %get3A_356] {strides = array<i32>} : memref<16x128xi32, #tpu.memory_space<vmem>>, vector<16xi32>,
      %add3A_358 = arith.addi %add3A_318, %get3A_357 : vector<16xi32>
      %get3A_359 = arith.constant 7 : i32
      %get3A_360 = arith.index_cast %get3A_359 : i32 to index
      %get3A_361 = arith.constant 80 : index
      %get3A_362 = tpu.vector_load %arg8[%get3A_360, %get3A_361] {strides = array<i32>} : memref<16x128xi32, #tpu.memory_space<vmem>>, vector<16xi32>,
      %add3A_363 = arith.addi %add3A_323, %get3A_362 : vector<16xi32>
      %get3A_364 = arith.constant 7 : i32
      %get3A_365 = arith.index_cast %get3A_364 : i32 to index
      %get3A_366 = arith.constant 96 : index
      %get3A_367 = tpu.vector_load %arg8[%get3A_365, %get3A_366] {strides = array<i32>} : memref<16x128xi32, #tpu.memory_space<vmem>>, vector<16xi32>,
      %add3A_368 = arith.addi %add3A_328, %get3A_367 : vector<16xi32>
      %get3A_369 = arith.constant 7 : i32
      %get3A_370 = arith.index_cast %get3A_369 : i32 to index
      %get3A_371 = arith.constant 112 : index
      %get3A_372 = tpu.vector_load %arg8[%get3A_370, %get3A_371] {strides = array<i32>} : memref<16x128xi32, #tpu.memory_space<vmem>>, vector<16xi32>,
      %add3A_373 = arith.addi %add3A_333, %get3A_372 : vector<16xi32>
      %get3A_374 = arith.constant 8 : i32
      %get3A_375 = arith.index_cast %get3A_374 : i32 to index
      %get3A_376 = arith.constant 0 : index
      %get3A_377 = tpu.vector_load %arg8[%get3A_375, %get3A_376] {strides = array<i32>} : memref<16x128xi32, #tpu.memory_space<vmem>>, vector<16xi32>,
      %add3A_378 = arith.addi %add3A_338, %get3A_377 : vector<16xi32>
      %get3A_379 = arith.constant 8 : i32
      %get3A_380 = arith.index_cast %get3A_379 : i32 to index
      %get3A_381 = arith.constant 16 : index
      %get3A_382 = tpu.vector_load %arg8[%get3A_380, %get3A_381] {strides = array<i32>} : memref<16x128xi32, #tpu.memory_space<vmem>>, vector<16xi32>,
      %add3A_383 = arith.addi %add3A_343, %get3A_382 : vector<16xi32>
      %get3A_384 = arith.constant 8 : i32
      %get3A_385 = arith.index_cast %get3A_384 : i32 to index
      %get3A_386 = arith.constant 32 : index
      %get3A_387 = tpu.vector_load %arg8[%get3A_385, %get3A_386] {strides = array<i32>} : memref<16x128xi32, #tpu.memory_space<vmem>>, vector<16xi32>,
      %add3A_388 = arith.addi %add3A_348, %get3A_387 : vector<16xi32>
      %get3A_389 = arith.constant 8 : i32
      %get3A_390 = arith.index_cast %get3A_389 : i32 to index
      %get3A_391 = arith.constant 48 : index
      %get3A_392 = tpu.vector_load %arg8[%get3A_390, %get3A_391] {strides = array<i32>} : memref<16x128xi32, #tpu.memory_space<vmem>>, vector<16xi32>,
      %add3A_393 = arith.addi %add3A_353, %get3A_392 : vector<16xi32>
      %get3A_394 = arith.constant 8 : i32
      %get3A_395 = arith.index_cast %get3A_394 : i32 to index
      %get3A_396 = arith.constant 64 : index
      %get3A_397 = tpu.vector_load %arg8[%get3A_395, %get3A_396] {strides = array<i32>} : memref<16x128xi32, #tpu.memory_space<vmem>>, vector<16xi32>,
      %add3A_398 = arith.addi %add3A_358, %get3A_397 : vector<16xi32>
      %get3A_399 = arith.constant 8 : i32
      %get3A_400 = arith.index_cast %get3A_399 : i32 to index
      %get3A_401 = arith.constant 80 : index
      %get3A_402 = tpu.vector_load %arg8[%get3A_400, %get3A_401] {strides = array<i32>} : memref<16x128xi32, #tpu.memory_space<vmem>>, vector<16xi32>,
      %add3A_403 = arith.addi %add3A_363, %get3A_402 : vector<16xi32>
      %get3A_404 = arith.constant 8 : i32
      %get3A_405 = arith.index_cast %get3A_404 : i32 to index
      %get3A_406 = arith.constant 96 : index
      %get3A_407 = tpu.vector_load %arg8[%get3A_405, %get3A_406] {strides = array<i32>} : memref<16x128xi32, #tpu.memory_space<vmem>>, vector<16xi32>,
      %add3A_408 = arith.addi %add3A_368, %get3A_407 : vector<16xi32>
      %get3A_409 = arith.constant 8 : i32
      %get3A_410 = arith.index_cast %get3A_409 : i32 to index
      %get3A_411 = arith.constant 112 : index
      %get3A_412 = tpu.vector_load %arg8[%get3A_410, %get3A_411] {strides = array<i32>} : memref<16x128xi32, #tpu.memory_space<vmem>>, vector<16xi32>,
      %add3A_413 = arith.addi %add3A_373, %get3A_412 : vector<16xi32>
      %get3A_414 = arith.constant 9 : i32
      %get3A_415 = arith.index_cast %get3A_414 : i32 to index
      %get3A_416 = arith.constant 0 : index
      %get3A_417 = tpu.vector_load %arg8[%get3A_415, %get3A_416] {strides = array<i32>} : memref<16x128xi32, #tpu.memory_space<vmem>>, vector<16xi32>,
      %add3A_418 = arith.addi %add3A_378, %get3A_417 : vector<16xi32>
      %get3A_419 = arith.constant 9 : i32
      %get3A_420 = arith.index_cast %get3A_419 : i32 to index
      %get3A_421 = arith.constant 16 : index
      %get3A_422 = tpu.vector_load %arg8[%get3A_420, %get3A_421] {strides = array<i32>} : memref<16x128xi32, #tpu.memory_space<vmem>>, vector<16xi32>,
      %add3A_423 = arith.addi %add3A_383, %get3A_422 : vector<16xi32>
      %get3A_424 = arith.constant 9 : i32
      %get3A_425 = arith.index_cast %get3A_424 : i32 to index
      %get3A_426 = arith.constant 32 : index
      %get3A_427 = tpu.vector_load %arg8[%get3A_425, %get3A_426] {strides = array<i32>} : memref<16x128xi32, #tpu.memory_space<vmem>>, vector<16xi32>,
      %add3A_428 = arith.addi %add3A_388, %get3A_427 : vector<16xi32>
      %get3A_429 = arith.constant 9 : i32
      %get3A_430 = arith.index_cast %get3A_429 : i32 to index
      %get3A_431 = arith.constant 48 : index
      %get3A_432 = tpu.vector_load %arg8[%get3A_430, %get3A_431] {strides = array<i32>} : memref<16x128xi32, #tpu.memory_space<vmem>>, vector<16xi32>,
      %add3A_433 = arith.addi %add3A_393, %get3A_432 : vector<16xi32>
      %get3A_434 = arith.constant 9 : i32
      %get3A_435 = arith.index_cast %get3A_434 : i32 to index
      %get3A_436 = arith.constant 64 : index
      %get3A_437 = tpu.vector_load %arg8[%get3A_435, %get3A_436] {strides = array<i32>} : memref<16x128xi32, #tpu.memory_space<vmem>>, vector<16xi32>,
      %add3A_438 = arith.addi %add3A_398, %get3A_437 : vector<16xi32>
      %get3A_439 = arith.constant 9 : i32
      %get3A_440 = arith.index_cast %get3A_439 : i32 to index
      %get3A_441 = arith.constant 80 : index
      %get3A_442 = tpu.vector_load %arg8[%get3A_440, %get3A_441] {strides = array<i32>} : memref<16x128xi32, #tpu.memory_space<vmem>>, vector<16xi32>,
      %add3A_443 = arith.addi %add3A_403, %get3A_442 : vector<16xi32>
      %get3A_444 = arith.constant 9 : i32
      %get3A_445 = arith.index_cast %get3A_444 : i32 to index
      %get3A_446 = arith.constant 96 : index
      %get3A_447 = tpu.vector_load %arg8[%get3A_445, %get3A_446] {strides = array<i32>} : memref<16x128xi32, #tpu.memory_space<vmem>>, vector<16xi32>,
      %add3A_448 = arith.addi %add3A_408, %get3A_447 : vector<16xi32>
      %get3A_449 = arith.constant 9 : i32
      %get3A_450 = arith.index_cast %get3A_449 : i32 to index
      %get3A_451 = arith.constant 112 : index
      %get3A_452 = tpu.vector_load %arg8[%get3A_450, %get3A_451] {strides = array<i32>} : memref<16x128xi32, #tpu.memory_space<vmem>>, vector<16xi32>,
      %add3A_453 = arith.addi %add3A_413, %get3A_452 : vector<16xi32>
      %get3A_454 = arith.constant 10 : i32
      %get3A_455 = arith.index_cast %get3A_454 : i32 to index
      %get3A_456 = arith.constant 0 : index
      %get3A_457 = tpu.vector_load %arg8[%get3A_455, %get3A_456] {strides = array<i32>} : memref<16x128xi32, #tpu.memory_space<vmem>>, vector<16xi32>,
      %add3A_458 = arith.addi %add3A_418, %get3A_457 : vector<16xi32>
      %get3A_459 = arith.constant 10 : i32
      %get3A_460 = arith.index_cast %get3A_459 : i32 to index
      %get3A_461 = arith.constant 16 : index
      %get3A_462 = tpu.vector_load %arg8[%get3A_460, %get3A_461] {strides = array<i32>} : memref<16x128xi32, #tpu.memory_space<vmem>>, vector<16xi32>,
      %add3A_463 = arith.addi %add3A_423, %get3A_462 : vector<16xi32>
      %get3A_464 = arith.constant 10 : i32
      %get3A_465 = arith.index_cast %get3A_464 : i32 to index
      %get3A_466 = arith.constant 32 : index
      %get3A_467 = tpu.vector_load %arg8[%get3A_465, %get3A_466] {strides = array<i32>} : memref<16x128xi32, #tpu.memory_space<vmem>>, vector<16xi32>,
      %add3A_468 = arith.addi %add3A_428, %get3A_467 : vector<16xi32>
      %get3A_469 = arith.constant 10 : i32
      %get3A_470 = arith.index_cast %get3A_469 : i32 to index
      %get3A_471 = arith.constant 48 : index
      %get3A_472 = tpu.vector_load %arg8[%get3A_470, %get3A_471] {strides = array<i32>} : memref<16x128xi32, #tpu.memory_space<vmem>>, vector<16xi32>,
      %add3A_473 = arith.addi %add3A_433, %get3A_472 : vector<16xi32>
      %get3A_474 = arith.constant 10 : i32
      %get3A_475 = arith.index_cast %get3A_474 : i32 to index
      %get3A_476 = arith.constant 64 : index
      %get3A_477 = tpu.vector_load %arg8[%get3A_475, %get3A_476] {strides = array<i32>} : memref<16x128xi32, #tpu.memory_space<vmem>>, vector<16xi32>,
      %add3A_478 = arith.addi %add3A_438, %get3A_477 : vector<16xi32>
      %get3A_479 = arith.constant 10 : i32
      %get3A_480 = arith.index_cast %get3A_479 : i32 to index
      %get3A_481 = arith.constant 80 : index
      %get3A_482 = tpu.vector_load %arg8[%get3A_480, %get3A_481] {strides = array<i32>} : memref<16x128xi32, #tpu.memory_space<vmem>>, vector<16xi32>,
      %add3A_483 = arith.addi %add3A_443, %get3A_482 : vector<16xi32>
      %get3A_484 = arith.constant 10 : i32
      %get3A_485 = arith.index_cast %get3A_484 : i32 to index
      %get3A_486 = arith.constant 96 : index
      %get3A_487 = tpu.vector_load %arg8[%get3A_485, %get3A_486] {strides = array<i32>} : memref<16x128xi32, #tpu.memory_space<vmem>>, vector<16xi32>,
      %add3A_488 = arith.addi %add3A_448, %get3A_487 : vector<16xi32>
      %get3A_489 = arith.constant 10 : i32
      %get3A_490 = arith.index_cast %get3A_489 : i32 to index
      %get3A_491 = arith.constant 112 : index
      %get3A_492 = tpu.vector_load %arg8[%get3A_490, %get3A_491] {strides = array<i32>} : memref<16x128xi32, #tpu.memory_space<vmem>>, vector<16xi32>,
      %add3A_493 = arith.addi %add3A_453, %get3A_492 : vector<16xi32>
      %get3A_494 = arith.constant 11 : i32
      %get3A_495 = arith.index_cast %get3A_494 : i32 to index
      %get3A_496 = arith.constant 0 : index
      %get3A_497 = tpu.vector_load %arg8[%get3A_495, %get3A_496] {strides = array<i32>} : memref<16x128xi32, #tpu.memory_space<vmem>>, vector<16xi32>,
      %add3A_498 = arith.addi %add3A_458, %get3A_497 : vector<16xi32>
      %get3A_499 = arith.constant 11 : i32
      %get3A_500 = arith.index_cast %get3A_499 : i32 to index
      %get3A_501 = arith.constant 16 : index
      %get3A_502 = tpu.vector_load %arg8[%get3A_500, %get3A_501] {strides = array<i32>} : memref<16x128xi32, #tpu.memory_space<vmem>>, vector<16xi32>,
      %add3A_503 = arith.addi %add3A_463, %get3A_502 : vector<16xi32>
      %get3A_504 = arith.constant 11 : i32
      %get3A_505 = arith.index_cast %get3A_504 : i32 to index
      %get3A_506 = arith.constant 32 : index
      %get3A_507 = tpu.vector_load %arg8[%get3A_505, %get3A_506] {strides = array<i32>} : memref<16x128xi32, #tpu.memory_space<vmem>>, vector<16xi32>,
      %add3A_508 = arith.addi %add3A_468, %get3A_507 : vector<16xi32>
      %get3A_509 = arith.constant 11 : i32
      %get3A_510 = arith.index_cast %get3A_509 : i32 to index
      %get3A_511 = arith.constant 48 : index
      %get3A_512 = tpu.vector_load %arg8[%get3A_510, %get3A_511] {strides = array<i32>} : memref<16x128xi32, #tpu.memory_space<vmem>>, vector<16xi32>,
      %add3A_513 = arith.addi %add3A_473, %get3A_512 : vector<16xi32>
      %get3A_514 = arith.constant 11 : i32
      %get3A_515 = arith.index_cast %get3A_514 : i32 to index
      %get3A_516 = arith.constant 64 : index
      %get3A_517 = tpu.vector_load %arg8[%get3A_515, %get3A_516] {strides = array<i32>} : memref<16x128xi32, #tpu.memory_space<vmem>>, vector<16xi32>,
      %add3A_518 = arith.addi %add3A_478, %get3A_517 : vector<16xi32>
      %get3A_519 = arith.constant 11 : i32
      %get3A_520 = arith.index_cast %get3A_519 : i32 to index
      %get3A_521 = arith.constant 80 : index
      %get3A_522 = tpu.vector_load %arg8[%get3A_520, %get3A_521] {strides = array<i32>} : memref<16x128xi32, #tpu.memory_space<vmem>>, vector<16xi32>,
      %add3A_523 = arith.addi %add3A_483, %get3A_522 : vector<16xi32>
      %get3A_524 = arith.constant 11 : i32
      %get3A_525 = arith.index_cast %get3A_524 : i32 to index
      %get3A_526 = arith.constant 96 : index
      %get3A_527 = tpu.vector_load %arg8[%get3A_525, %get3A_526] {strides = array<i32>} : memref<16x128xi32, #tpu.memory_space<vmem>>, vector<16xi32>,
      %add3A_528 = arith.addi %add3A_488, %get3A_527 : vector<16xi32>
      %get3A_529 = arith.constant 11 : i32
      %get3A_530 = arith.index_cast %get3A_529 : i32 to index
      %get3A_531 = arith.constant 112 : index
      %get3A_532 = tpu.vector_load %arg8[%get3A_530, %get3A_531] {strides = array<i32>} : memref<16x128xi32, #tpu.memory_space<vmem>>, vector<16xi32>,
      %add3A_533 = arith.addi %add3A_493, %get3A_532 : vector<16xi32>
      %get3A_534 = arith.constant 12 : i32
      %get3A_535 = arith.index_cast %get3A_534 : i32 to index
      %get3A_536 = arith.constant 0 : index
      %get3A_537 = tpu.vector_load %arg8[%get3A_535, %get3A_536] {strides = array<i32>} : memref<16x128xi32, #tpu.memory_space<vmem>>, vector<16xi32>,
      %add3A_538 = arith.addi %add3A_498, %get3A_537 : vector<16xi32>
      %get3A_539 = arith.constant 12 : i32
      %get3A_540 = arith.index_cast %get3A_539 : i32 to index
      %get3A_541 = arith.constant 16 : index
      %get3A_542 = tpu.vector_load %arg8[%get3A_540, %get3A_541] {strides = array<i32>} : memref<16x128xi32, #tpu.memory_space<vmem>>, vector<16xi32>,
      %add3A_543 = arith.addi %add3A_503, %get3A_542 : vector<16xi32>
      %get3A_544 = arith.constant 12 : i32
      %get3A_545 = arith.index_cast %get3A_544 : i32 to index
      %get3A_546 = arith.constant 32 : index
      %get3A_547 = tpu.vector_load %arg8[%get3A_545, %get3A_546] {strides = array<i32>} : memref<16x128xi32, #tpu.memory_space<vmem>>, vector<16xi32>,
      %add3A_548 = arith.addi %add3A_508, %get3A_547 : vector<16xi32>
      %get3A_549 = arith.constant 12 : i32
      %get3A_550 = arith.index_cast %get3A_549 : i32 to index
      %get3A_551 = arith.constant 48 : index
      %get3A_552 = tpu.vector_load %arg8[%get3A_550, %get3A_551] {strides = array<i32>} : memref<16x128xi32, #tpu.memory_space<vmem>>, vector<16xi32>,
      %add3A_553 = arith.addi %add3A_513, %get3A_552 : vector<16xi32>
      %get3A_554 = arith.constant 12 : i32
      %get3A_555 = arith.index_cast %get3A_554 : i32 to index
      %get3A_556 = arith.constant 64 : index
      %get3A_557 = tpu.vector_load %arg8[%get3A_555, %get3A_556] {strides = array<i32>} : memref<16x128xi32, #tpu.memory_space<vmem>>, vector<16xi32>,
      %add3A_558 = arith.addi %add3A_518, %get3A_557 : vector<16xi32>
      %get3A_559 = arith.constant 12 : i32
      %get3A_560 = arith.index_cast %get3A_559 : i32 to index
      %get3A_561 = arith.constant 80 : index
      %get3A_562 = tpu.vector_load %arg8[%get3A_560, %get3A_561] {strides = array<i32>} : memref<16x128xi32, #tpu.memory_space<vmem>>, vector<16xi32>,
      %add3A_563 = arith.addi %add3A_523, %get3A_562 : vector<16xi32>
      %get3A_564 = arith.constant 12 : i32
      %get3A_565 = arith.index_cast %get3A_564 : i32 to index
      %get3A_566 = arith.constant 96 : index
      %get3A_567 = tpu.vector_load %arg8[%get3A_565, %get3A_566] {strides = array<i32>} : memref<16x128xi32, #tpu.memory_space<vmem>>, vector<16xi32>,
      %add3A_568 = arith.addi %add3A_528, %get3A_567 : vector<16xi32>
      %get3A_569 = arith.constant 12 : i32
      %get3A_570 = arith.index_cast %get3A_569 : i32 to index
      %get3A_571 = arith.constant 112 : index
      %get3A_572 = tpu.vector_load %arg8[%get3A_570, %get3A_571] {strides = array<i32>} : memref<16x128xi32, #tpu.memory_space<vmem>>, vector<16xi32>,
      %add3A_573 = arith.addi %add3A_533, %get3A_572 : vector<16xi32>
      %get3A_574 = arith.constant 13 : i32
      %get3A_575 = arith.index_cast %get3A_574 : i32 to index
      %get3A_576 = arith.constant 0 : index
      %get3A_577 = tpu.vector_load %arg8[%get3A_575, %get3A_576] {strides = array<i32>} : memref<16x128xi32, #tpu.memory_space<vmem>>, vector<16xi32>,
      %add3A_578 = arith.addi %add3A_538, %get3A_577 : vector<16xi32>
      %get3A_579 = arith.constant 13 : i32
      %get3A_580 = arith.index_cast %get3A_579 : i32 to index
      %get3A_581 = arith.constant 16 : index
      %get3A_582 = tpu.vector_load %arg8[%get3A_580, %get3A_581] {strides = array<i32>} : memref<16x128xi32, #tpu.memory_space<vmem>>, vector<16xi32>,
      %add3A_583 = arith.addi %add3A_543, %get3A_582 : vector<16xi32>
      %get3A_584 = arith.constant 13 : i32
      %get3A_585 = arith.index_cast %get3A_584 : i32 to index
      %get3A_586 = arith.constant 32 : index
      %get3A_587 = tpu.vector_load %arg8[%get3A_585, %get3A_586] {strides = array<i32>} : memref<16x128xi32, #tpu.memory_space<vmem>>, vector<16xi32>,
      %add3A_588 = arith.addi %add3A_548, %get3A_587 : vector<16xi32>
      %get3A_589 = arith.constant 13 : i32
      %get3A_590 = arith.index_cast %get3A_589 : i32 to index
      %get3A_591 = arith.constant 48 : index
      %get3A_592 = tpu.vector_load %arg8[%get3A_590, %get3A_591] {strides = array<i32>} : memref<16x128xi32, #tpu.memory_space<vmem>>, vector<16xi32>,
      %add3A_593 = arith.addi %add3A_553, %get3A_592 : vector<16xi32>
      %get3A_594 = arith.constant 13 : i32
      %get3A_595 = arith.index_cast %get3A_594 : i32 to index
      %get3A_596 = arith.constant 64 : index
      %get3A_597 = tpu.vector_load %arg8[%get3A_595, %get3A_596] {strides = array<i32>} : memref<16x128xi32, #tpu.memory_space<vmem>>, vector<16xi32>,
      %add3A_598 = arith.addi %add3A_558, %get3A_597 : vector<16xi32>
      %get3A_599 = arith.constant 13 : i32
      %get3A_600 = arith.index_cast %get3A_599 : i32 to index
      %get3A_601 = arith.constant 80 : index
      %get3A_602 = tpu.vector_load %arg8[%get3A_600, %get3A_601] {strides = array<i32>} : memref<16x128xi32, #tpu.memory_space<vmem>>, vector<16xi32>,
      %add3A_603 = arith.addi %add3A_563, %get3A_602 : vector<16xi32>
      %get3A_604 = arith.constant 13 : i32
      %get3A_605 = arith.index_cast %get3A_604 : i32 to index
      %get3A_606 = arith.constant 96 : index
      %get3A_607 = tpu.vector_load %arg8[%get3A_605, %get3A_606] {strides = array<i32>} : memref<16x128xi32, #tpu.memory_space<vmem>>, vector<16xi32>,
      %add3A_608 = arith.addi %add3A_568, %get3A_607 : vector<16xi32>
      %get3A_609 = arith.constant 13 : i32
      %get3A_610 = arith.index_cast %get3A_609 : i32 to index
      %get3A_611 = arith.constant 112 : index
      %get3A_612 = tpu.vector_load %arg8[%get3A_610, %get3A_611] {strides = array<i32>} : memref<16x128xi32, #tpu.memory_space<vmem>>, vector<16xi32>,
      %add3A_613 = arith.addi %add3A_573, %get3A_612 : vector<16xi32>
      %get3A_614 = arith.constant 14 : i32
      %get3A_615 = arith.index_cast %get3A_614 : i32 to index
      %get3A_616 = arith.constant 0 : index
      %get3A_617 = tpu.vector_load %arg8[%get3A_615, %get3A_616] {strides = array<i32>} : memref<16x128xi32, #tpu.memory_space<vmem>>, vector<16xi32>,
      %add3A_618 = arith.addi %add3A_578, %get3A_617 : vector<16xi32>
      %get3A_619 = arith.constant 14 : i32
      %get3A_620 = arith.index_cast %get3A_619 : i32 to index
      %get3A_621 = arith.constant 16 : index
      %get3A_622 = tpu.vector_load %arg8[%get3A_620, %get3A_621] {strides = array<i32>} : memref<16x128xi32, #tpu.memory_space<vmem>>, vector<16xi32>,
      %add3A_623 = arith.addi %add3A_583, %get3A_622 : vector<16xi32>
      %get3A_624 = arith.constant 14 : i32
      %get3A_625 = arith.index_cast %get3A_624 : i32 to index
      %get3A_626 = arith.constant 32 : index
      %get3A_627 = tpu.vector_load %arg8[%get3A_625, %get3A_626] {strides = array<i32>} : memref<16x128xi32, #tpu.memory_space<vmem>>, vector<16xi32>,
      %add3A_628 = arith.addi %add3A_588, %get3A_627 : vector<16xi32>
      %get3A_629 = arith.constant 14 : i32
      %get3A_630 = arith.index_cast %get3A_629 : i32 to index
      %get3A_631 = arith.constant 48 : index
      %get3A_632 = tpu.vector_load %arg8[%get3A_630, %get3A_631] {strides = array<i32>} : memref<16x128xi32, #tpu.memory_space<vmem>>, vector<16xi32>,
      %add3A_633 = arith.addi %add3A_593, %get3A_632 : vector<16xi32>
      %get3A_634 = arith.constant 14 : i32
      %get3A_635 = arith.index_cast %get3A_634 : i32 to index
      %get3A_636 = arith.constant 64 : index
      %get3A_637 = tpu.vector_load %arg8[%get3A_635, %get3A_636] {strides = array<i32>} : memref<16x128xi32, #tpu.memory_space<vmem>>, vector<16xi32>,
      %add3A_638 = arith.addi %add3A_598, %get3A_637 : vector<16xi32>
      %get3A_639 = arith.constant 14 : i32
      %get3A_640 = arith.index_cast %get3A_639 : i32 to index
      %get3A_641 = arith.constant 80 : index
      %get3A_642 = tpu.vector_load %arg8[%get3A_640, %get3A_641] {strides = array<i32>} : memref<16x128xi32, #tpu.memory_space<vmem>>, vector<16xi32>,
      %add3A_643 = arith.addi %add3A_603, %get3A_642 : vector<16xi32>
      %get3A_644 = arith.constant 14 : i32
      %get3A_645 = arith.index_cast %get3A_644 : i32 to index
      %get3A_646 = arith.constant 96 : index
      %get3A_647 = tpu.vector_load %arg8[%get3A_645, %get3A_646] {strides = array<i32>} : memref<16x128xi32, #tpu.memory_space<vmem>>, vector<16xi32>,
      %add3A_648 = arith.addi %add3A_608, %get3A_647 : vector<16xi32>
      %get3A_649 = arith.constant 14 : i32
      %get3A_650 = arith.index_cast %get3A_649 : i32 to index
      %get3A_651 = arith.constant 112 : index
      %get3A_652 = tpu.vector_load %arg8[%get3A_650, %get3A_651] {strides = array<i32>} : memref<16x128xi32, #tpu.memory_space<vmem>>, vector<16xi32>,
      %add3A_653 = arith.addi %add3A_613, %get3A_652 : vector<16xi32>
      %get3A_654 = arith.constant 15 : i32
      %get3A_655 = arith.index_cast %get3A_654 : i32 to index
      %get3A_656 = arith.constant 0 : index
      %get3A_657 = tpu.vector_load %arg8[%get3A_655, %get3A_656] {strides = array<i32>} : memref<16x128xi32, #tpu.memory_space<vmem>>, vector<16xi32>,
      %add3A_658 = arith.addi %add3A_618, %get3A_657 : vector<16xi32>
      %get3A_659 = arith.constant 15 : i32
      %get3A_660 = arith.index_cast %get3A_659 : i32 to index
      %get3A_661 = arith.constant 16 : index
      %get3A_662 = tpu.vector_load %arg8[%get3A_660, %get3A_661] {strides = array<i32>} : memref<16x128xi32, #tpu.memory_space<vmem>>, vector<16xi32>,
      %add3A_663 = arith.addi %add3A_623, %get3A_662 : vector<16xi32>
      %get3A_664 = arith.constant 15 : i32
      %get3A_665 = arith.index_cast %get3A_664 : i32 to index
      %get3A_666 = arith.constant 32 : index
      %get3A_667 = tpu.vector_load %arg8[%get3A_665, %get3A_666] {strides = array<i32>} : memref<16x128xi32, #tpu.memory_space<vmem>>, vector<16xi32>,
      %add3A_668 = arith.addi %add3A_628, %get3A_667 : vector<16xi32>
      %get3A_669 = arith.constant 15 : i32
      %get3A_670 = arith.index_cast %get3A_669 : i32 to index
      %get3A_671 = arith.constant 48 : index
      %get3A_672 = tpu.vector_load %arg8[%get3A_670, %get3A_671] {strides = array<i32>} : memref<16x128xi32, #tpu.memory_space<vmem>>, vector<16xi32>,
      %add3A_673 = arith.addi %add3A_633, %get3A_672 : vector<16xi32>
      %get3A_674 = arith.constant 15 : i32
      %get3A_675 = arith.index_cast %get3A_674 : i32 to index
      %get3A_676 = arith.constant 64 : index
      %get3A_677 = tpu.vector_load %arg8[%get3A_675, %get3A_676] {strides = array<i32>} : memref<16x128xi32, #tpu.memory_space<vmem>>, vector<16xi32>,
      %add3A_678 = arith.addi %add3A_638, %get3A_677 : vector<16xi32>
      %get3A_679 = arith.constant 15 : i32
      %get3A_680 = arith.index_cast %get3A_679 : i32 to index
      %get3A_681 = arith.constant 80 : index
      %get3A_682 = tpu.vector_load %arg8[%get3A_680, %get3A_681] {strides = array<i32>} : memref<16x128xi32, #tpu.memory_space<vmem>>, vector<16xi32>,
      %add3A_683 = arith.addi %add3A_643, %get3A_682 : vector<16xi32>
      %get3A_684 = arith.constant 15 : i32
      %get3A_685 = arith.index_cast %get3A_684 : i32 to index
      %get3A_686 = arith.constant 96 : index
      %get3A_687 = tpu.vector_load %arg8[%get3A_685, %get3A_686] {strides = array<i32>} : memref<16x128xi32, #tpu.memory_space<vmem>>, vector<16xi32>,
      %add3A_688 = arith.addi %add3A_648, %get3A_687 : vector<16xi32>
      %get3A_689 = arith.constant 15 : i32
      %get3A_690 = arith.index_cast %get3A_689 : i32 to index
      %get3A_691 = arith.constant 112 : index
      %get3A_692 = tpu.vector_load %arg8[%get3A_690, %get3A_691] {strides = array<i32>} : memref<16x128xi32, #tpu.memory_space<vmem>>, vector<16xi32>,
      %add3A_693 = arith.addi %add3A_653, %get3A_692 : vector<16xi32>
      %swap3A = arith.constant 0 : index
      %swap3A_694 = tpu.vector_load %arg7[%swap3A] {strides = array<i32>} : memref<1024xi32, #tpu.memory_space<vmem>>, vector<16xi32>,
      tpu.vector_store %arg7[%swap3A], %add3A_658 {strides = array<i32>} : memref<1024xi32, #tpu.memory_space<vmem>>, vector<16xi32>,
      %swap3A_695 = arith.constant 16 : index
      %swap3A_696 = tpu.vector_load %arg7[%swap3A_695] {strides = array<i32>} : memref<1024xi32, #tpu.memory_space<vmem>>, vector<16xi32>,
      tpu.vector_store %arg7[%swap3A_695], %add3A_663 {strides = array<i32>} : memref<1024xi32, #tpu.memory_space<vmem>>, vector<16xi32>,
      %swap3A_697 = arith.constant 32 : index
      %swap3A_698 = tpu.vector_load %arg7[%swap3A_697] {strides = array<i32>} : memref<1024xi32, #tpu.memory_space<vmem>>, vector<16xi32>,
      tpu.vector_store %arg7[%swap3A_697], %add3A_668 {strides = array<i32>} : memref<1024xi32, #tpu.memory_space<vmem>>, vector<16xi32>,
      %swap3A_699 = arith.constant 48 : index
      %swap3A_700 = tpu.vector_load %arg7[%swap3A_699] {strides = array<i32>} : memref<1024xi32, #tpu.memory_space<vmem>>, vector<16xi32>,
      tpu.vector_store %arg7[%swap3A_699], %add3A_673 {strides = array<i32>} : memref<1024xi32, #tpu.memory_space<vmem>>, vector<16xi32>,
      %swap3A_701 = arith.constant 64 : index
      %swap3A_702 = tpu.vector_load %arg7[%swap3A_701] {strides = array<i32>} : memref<1024xi32, #tpu.memory_space<vmem>>, vector<16xi32>,
      tpu.vector_store %arg7[%swap3A_701], %add3A_678 {strides = array<i32>} : memref<1024xi32, #tpu.memory_space<vmem>>, vector<16xi32>,
      %swap3A_703 = arith.constant 80 : index
      %swap3A_704 = tpu.vector_load %arg7[%swap3A_703] {strides = array<i32>} : memref<1024xi32, #tpu.memory_space<vmem>>, vector<16xi32>,
      tpu.vector_store %arg7[%swap3A_703], %add3A_683 {strides = array<i32>} : memref<1024xi32, #tpu.memory_space<vmem>>, vector<16xi32>,
      %swap3A_705 = arith.constant 96 : index
      %swap3A_706 = tpu.vector_load %arg7[%swap3A_705] {strides = array<i32>} : memref<1024xi32, #tpu.memory_space<vmem>>, vector<16xi32>,
      tpu.vector_store %arg7[%swap3A_705], %add3A_688 {strides = array<i32>} : memref<1024xi32, #tpu.memory_space<vmem>>, vector<16xi32>,
      %swap3A_707 = arith.constant 112 : index
      %swap3A_708 = tpu.vector_load %arg7[%swap3A_707] {strides = array<i32>} : memref<1024xi32, #tpu.memory_space<vmem>>, vector<16xi32>,
      tpu.vector_store %arg7[%swap3A_707], %add3A_693 {strides = array<i32>} : memref<1024xi32, #tpu.memory_space<vmem>>, vector<16xi32>,
      %mul3A_709 = arith.constant 128 : i32
      %mul3A_710 = arith.muli %arg1, %mul3A_709 : i32
      "tpu.region"() ({
        %run_scoped3A = tpu.sem_alloc : memref<!tpu.dma_semaphore, #tpu.memory_space<semaphore_mem>>
        %dma_start3A = arith.constant 0 : i32
        %dma_start3A_711 = tpu.memref_slice %arg7[%dma_start3A] : memref<1024xi32, #tpu.memory_space<vmem>> -> memref<128xi32, #tpu.memory_space<vmem>>
        %dma_start3A_712 = tpu.memref_slice %arg10[%mul3A_710] : memref<1024xi32, #tpu.memory_space<vmem_shared>> -> memref<128xi32, #tpu.memory_space<vmem_shared>>
        %dma_start3A_713 = tpu.memref_slice %arg10[%mul3A_710] : memref<1024xi32, #tpu.memory_space<vmem_shared>> -> memref<128xi32, #tpu.memory_space<vmem_shared>>
        %dma_start3A_714 = arith.constant 0 : i32
        %dma_start3A_715 = tpu.memref_slice %arg7[%dma_start3A_714] : memref<1024xi32, #tpu.memory_space<vmem>> -> memref<128xi32, #tpu.memory_space<vmem>>
        tpu.enqueue_dma source(%dma_start3A_715 : memref<128xi32, #tpu.memory_space<vmem>>) target(%dma_start3A_713 : memref<128xi32, #tpu.memory_space<vmem_shared>>) target_semaphore(%run_scoped3A : memref<!tpu.dma_semaphore, #tpu.memory_space<semaphore_mem>>)
        %dma_wait3A = arith.constant 0 : i32
        %dma_wait3A_716 = tpu.memref_slice %arg7[%dma_wait3A] : memref<1024xi32, #tpu.memory_space<vmem>> -> memref<128xi32, #tpu.memory_space<vmem>>
        %dma_wait3A_717 = tpu.memref_slice %arg10[%mul3A_710] : memref<1024xi32, #tpu.memory_space<vmem_shared>> -> memref<128xi32, #tpu.memory_space<vmem_shared>>
        %dma_wait3A_718 = tpu.memref_slice %arg10[%mul3A_710] : memref<1024xi32, #tpu.memory_space<vmem_shared>> -> memref<128xi32, #tpu.memory_space<vmem_shared>>
        %dma_wait3A_719 = arith.constant 0 : i32
        %dma_wait3A_720 = tpu.memref_slice %arg7[%dma_wait3A_719] : memref<1024xi32, #tpu.memory_space<vmem>> -> memref<128xi32, #tpu.memory_space<vmem>>
        tpu.wait_dma2 semaphore(%run_scoped3A : memref<!tpu.dma_semaphore, #tpu.memory_space<semaphore_mem>>) src(%dma_wait3A_720 : memref<128xi32, #tpu.memory_space<vmem>>) dst(%dma_wait3A_718 : memref<128xi32, #tpu.memory_space<vmem_shared>>)
        tpu.yield
      }) : () -> ()
    } else {
    }
    %barrier3A_16 = arith.constant 0 : index
    tpu.barrier barrier_id(%barrier3A_16)
    "tpu.region"() ({
      %run_scoped3A = tpu.sem_alloc : memref<!tpu.dma_semaphore, #tpu.memory_space<semaphore_mem>>
      tpu.enqueue_dma source(%arg10 : memref<1024xi32, #tpu.memory_space<vmem_shared>>) target(%arg7 : memref<1024xi32, #tpu.memory_space<vmem>>) target_semaphore(%run_scoped3A : memref<!tpu.dma_semaphore, #tpu.memory_space<semaphore_mem>>)
      tpu.wait_dma2 semaphore(%run_scoped3A : memref<!tpu.dma_semaphore, #tpu.memory_space<semaphore_mem>>) src(%arg10 : memref<1024xi32, #tpu.memory_space<vmem_shared>>) dst(%arg7 : memref<1024xi32, #tpu.memory_space<vmem>>)
      tpu.yield
    }) : () -> ()
    %scan3A_17 = arith.constant 0 : i32
    %scan3A_18 = arith.constant 0 : i32
    %scan3A_19 = arith.constant 17 : i32
    %scan3A_20 = arith.addi %scan3A_18, %scan3A_19 : i32
    %scan3A_21 = arith.constant 1 : i32
    %scan3A_22 = scf.for %scan3A_39 = %scan3A_18 to %scan3A_20 step %scan3A_21 iter_args(%scan3A_40 = %scan3A_17) -> (i32)  : i32 {
      %mul3A_41 = arith.constant 64 : i32
      %mul3A_42 = arith.muli %mul3A_41, %scan3A_39 : i32
      %add3A = arith.constant 0 : i32
      %add3A_43 = arith.addi %mul3A_42, %add3A : i32
      %get3A = arith.index_cast %add3A_43 : i32 to index
      %get3A_44 = tpu.vector_load %arg5[%get3A] {strides = array<i32>} : memref<1088xi32, #tpu.memory_space<vmem>>, vector<16xi32>,
      %gather3A = tpu.vector_load_idx %arg7[%get3A_44] : memref<1024xi32, #tpu.memory_space<vmem>>[vector<16xi32>], vector<16xi32>,
      %le3A = arith.constant 100 : i32
      %le3A_45 = vector.broadcast %le3A : i32 to vector<16xi32>
      %le3A_46 = arith.cmpi sle, %gather3A, %le3A_45 : vector<16xi32>
      %jit3A = arith.constant 1.000000e+00 : f32
      %jit3A_47 = arith.constant 0.000000e+00 : f32
      %broadcast_in_dim3A = vector.broadcast %jit3A : f32 to vector<16xf32>
      %broadcast_in_dim3A_48 = vector.broadcast %jit3A_47 : f32 to vector<16xf32>
      %select_n3A = arith.select %le3A_46, %broadcast_in_dim3A, %broadcast_in_dim3A_48 : vector<16xi1>, vector<16xf32>
      %swap3A = arith.index_cast %add3A_43 : i32 to index
      %swap3A_49 = tpu.vector_load %arg6[%swap3A] {strides = array<i32>} : memref<1088xf32, #tpu.memory_space<vmem>>, vector<16xf32>,
      tpu.vector_store %arg6[%swap3A], %select_n3A {strides = array<i32>} : memref<1088xf32, #tpu.memory_space<vmem>>, vector<16xf32>,
      %mul3A_50 = arith.constant 64 : i32
      %mul3A_51 = arith.muli %mul3A_50, %scan3A_39 : i32
      %add3A_52 = arith.constant 16 : i32
      %add3A_53 = arith.addi %mul3A_51, %add3A_52 : i32
      %get3A_54 = arith.index_cast %add3A_53 : i32 to index
      %get3A_55 = tpu.vector_load %arg5[%get3A_54] {strides = array<i32>} : memref<1088xi32, #tpu.memory_space<vmem>>, vector<16xi32>,
      %gather3A_56 = tpu.vector_load_idx %arg7[%get3A_55] : memref<1024xi32, #tpu.memory_space<vmem>>[vector<16xi32>], vector<16xi32>,
      %le3A_57 = arith.constant 100 : i32
      %le3A_58 = vector.broadcast %le3A_57 : i32 to vector<16xi32>
      %le3A_59 = arith.cmpi sle, %gather3A_56, %le3A_58 : vector<16xi32>
      %jit3A_60 = arith.constant 1.000000e+00 : f32
      %jit3A_61 = arith.constant 0.000000e+00 : f32
      %broadcast_in_dim3A_62 = vector.broadcast %jit3A_60 : f32 to vector<16xf32>
      %broadcast_in_dim3A_63 = vector.broadcast %jit3A_61 : f32 to vector<16xf32>
      %select_n3A_64 = arith.select %le3A_59, %broadcast_in_dim3A_62, %broadcast_in_dim3A_63 : vector<16xi1>, vector<16xf32>
      %swap3A_65 = arith.index_cast %add3A_53 : i32 to index
      %swap3A_66 = tpu.vector_load %arg6[%swap3A_65] {strides = array<i32>} : memref<1088xf32, #tpu.memory_space<vmem>>, vector<16xf32>,
      tpu.vector_store %arg6[%swap3A_65], %select_n3A_64 {strides = array<i32>} : memref<1088xf32, #tpu.memory_space<vmem>>, vector<16xf32>,
      %mul3A_67 = arith.constant 64 : i32
      %mul3A_68 = arith.muli %mul3A_67, %scan3A_39 : i32
      %add3A_69 = arith.constant 32 : i32
      %add3A_70 = arith.addi %mul3A_68, %add3A_69 : i32
      %get3A_71 = arith.index_cast %add3A_70 : i32 to index
      %get3A_72 = tpu.vector_load %arg5[%get3A_71] {strides = array<i32>} : memref<1088xi32, #tpu.memory_space<vmem>>, vector<16xi32>,
      %gather3A_73 = tpu.vector_load_idx %arg7[%get3A_72] : memref<1024xi32, #tpu.memory_space<vmem>>[vector<16xi32>], vector<16xi32>,
      %le3A_74 = arith.constant 100 : i32
      %le3A_75 = vector.broadcast %le3A_74 : i32 to vector<16xi32>
      %le3A_76 = arith.cmpi sle, %gather3A_73, %le3A_75 : vector<16xi32>
      %jit3A_77 = arith.constant 1.000000e+00 : f32
      %jit3A_78 = arith.constant 0.000000e+00 : f32
      %broadcast_in_dim3A_79 = vector.broadcast %jit3A_77 : f32 to vector<16xf32>
      %broadcast_in_dim3A_80 = vector.broadcast %jit3A_78 : f32 to vector<16xf32>
      %select_n3A_81 = arith.select %le3A_76, %broadcast_in_dim3A_79, %broadcast_in_dim3A_80 : vector<16xi1>, vector<16xf32>
      %swap3A_82 = arith.index_cast %add3A_70 : i32 to index
      %swap3A_83 = tpu.vector_load %arg6[%swap3A_82] {strides = array<i32>} : memref<1088xf32, #tpu.memory_space<vmem>>, vector<16xf32>,
      tpu.vector_store %arg6[%swap3A_82], %select_n3A_81 {strides = array<i32>} : memref<1088xf32, #tpu.memory_space<vmem>>, vector<16xf32>,
      %mul3A_84 = arith.constant 64 : i32
      %mul3A_85 = arith.muli %mul3A_84, %scan3A_39 : i32
      %add3A_86 = arith.constant 48 : i32
      %add3A_87 = arith.addi %mul3A_85, %add3A_86 : i32
      %get3A_88 = arith.index_cast %add3A_87 : i32 to index
      %get3A_89 = tpu.vector_load %arg5[%get3A_88] {strides = array<i32>} : memref<1088xi32, #tpu.memory_space<vmem>>, vector<16xi32>,
      %gather3A_90 = tpu.vector_load_idx %arg7[%get3A_89] : memref<1024xi32, #tpu.memory_space<vmem>>[vector<16xi32>], vector<16xi32>,
      %le3A_91 = arith.constant 100 : i32
      %le3A_92 = vector.broadcast %le3A_91 : i32 to vector<16xi32>
      %le3A_93 = arith.cmpi sle, %gather3A_90, %le3A_92 : vector<16xi32>
      %jit3A_94 = arith.constant 1.000000e+00 : f32
      %jit3A_95 = arith.constant 0.000000e+00 : f32
      %broadcast_in_dim3A_96 = vector.broadcast %jit3A_94 : f32 to vector<16xf32>
      %broadcast_in_dim3A_97 = vector.broadcast %jit3A_95 : f32 to vector<16xf32>
      %select_n3A_98 = arith.select %le3A_93, %broadcast_in_dim3A_96, %broadcast_in_dim3A_97 : vector<16xi1>, vector<16xf32>
      %swap3A_99 = arith.index_cast %add3A_87 : i32 to index
      %swap3A_100 = tpu.vector_load %arg6[%swap3A_99] {strides = array<i32>} : memref<1088xf32, #tpu.memory_space<vmem>>, vector<16xf32>,
      tpu.vector_store %arg6[%swap3A_99], %select_n3A_98 {strides = array<i32>} : memref<1088xf32, #tpu.memory_space<vmem>>, vector<16xf32>,
      %scan3A_101 = arith.constant 0 : i32
      scf.yield %scan3A_101 : i32
    }
    %scan3A_23 = arith.constant 17 : i32
    %mul3A_24 = arith.constant 1088 : i32
    %mul3A_25 = arith.muli %arg1, %mul3A_24 : i32
    "tpu.region"() ({
      %run_scoped3A = tpu.sem_alloc : memref<!tpu.dma_semaphore, #tpu.memory_space<semaphore_mem>>
      %dma_start3A = tpu.memref_slice %arg4[%mul3A_25] : memref<17408xf32, #tpu.memory_space<hbm>> -> memref<1088xf32, #tpu.memory_space<hbm>>
      %dma_start3A_39 = tpu.memref_slice %arg4[%mul3A_25] : memref<17408xf32, #tpu.memory_space<hbm>> -> memref<1088xf32, #tpu.memory_space<hbm>>
      tpu.enqueue_dma source(%arg6 : memref<1088xf32, #tpu.memory_space<vmem>>) target(%dma_start3A_39 : memref<1088xf32, #tpu.memory_space<hbm>>) target_semaphore(%run_scoped3A : memref<!tpu.dma_semaphore, #tpu.memory_space<semaphore_mem>>)
      %dma_wait3A = tpu.memref_slice %arg4[%mul3A_25] : memref<17408xf32, #tpu.memory_space<hbm>> -> memref<1088xf32, #tpu.memory_space<hbm>>
      %dma_wait3A_40 = tpu.memref_slice %arg4[%mul3A_25] : memref<17408xf32, #tpu.memory_space<hbm>> -> memref<1088xf32, #tpu.memory_space<hbm>>
      tpu.wait_dma2 semaphore(%run_scoped3A : memref<!tpu.dma_semaphore, #tpu.memory_space<semaphore_mem>>) src(%arg6 : memref<1088xf32, #tpu.memory_space<vmem>>) dst(%dma_wait3A_40 : memref<1088xf32, #tpu.memory_space<hbm>>)
      tpu.yield
    }) : () -> ()
    %barrier3A_26 = arith.constant 0 : index
    tpu.barrier barrier_id(%barrier3A_26)
    %scan3A_27 = arith.constant 0 : i32
    %scan3A_28 = arith.constant 0 : i32
    %scan3A_29 = arith.constant 0 : i32
    %scan3A_30 = arith.constant 64 : i32
    %scan3A_31 = arith.addi %scan3A_29, %scan3A_30 : i32
    %scan3A_32 = arith.constant 1 : i32
    %scan3A_33:2 = scf.for %scan3A_39 = %scan3A_29 to %scan3A_31 step %scan3A_32 iter_args(%scan3A_40 = %scan3A_27, %scan3A_41 = %scan3A_28) -> (i32, i32)  : i32 {
      %mul3A_42 = arith.constant 16 : i32
      %mul3A_43 = arith.muli %mul3A_42, %scan3A_39 : i32
      %get3A = arith.index_cast %mul3A_43 : i32 to index
      %get3A_44 = tpu.vector_load %arg7[%get3A] {strides = array<i32>} : memref<1024xi32, #tpu.memory_space<vmem>>, vector<16xi32>,
      %gt3A_45 = arith.constant 100 : i32
      %gt3A_46 = vector.broadcast %gt3A_45 : i32 to vector<16xi32>
      %gt3A_47 = arith.cmpi sgt, %get3A_44, %gt3A_46 : vector<16xi32>
      %jit3A = arith.constant 1 : i32
      %jit3A_48 = arith.constant 0 : i32
      %broadcast_in_dim3A = vector.broadcast %jit3A : i32 to vector<16xi32>
      %broadcast_in_dim3A_49 = vector.broadcast %jit3A_48 : i32 to vector<16xi32>
      %select_n3A = arith.select %gt3A_47, %broadcast_in_dim3A, %broadcast_in_dim3A_49 : vector<16xi1>, vector<16xi32>
      %broadcast_in_dim3A_50 = arith.constant true
      %broadcast_in_dim3A_51 = vector.broadcast %broadcast_in_dim3A_50 : i1 to vector<16xi1>
      %masked_cumsum3A = tpu.scan <sum>, %select_n3A masked %broadcast_in_dim3A_51 : vector<16xi32>, vector<16xi1> -> vector<16xi32>
      %add3A = vector.broadcast %scan3A_40 : i32 to vector<16xi32>
      %add3A_52 = arith.addi %add3A, %masked_cumsum3A : vector<16xi32>
      %sub3A = arith.constant 1 : i32
      %sub3A_53 = vector.broadcast %sub3A : i32 to vector<16xi32>
      %sub3A_54 = arith.subi %add3A_52, %sub3A_53 : vector<16xi32>
      %rem3A = arith.constant 16 : i32
      %rem3A_55 = vector.broadcast %rem3A : i32 to vector<16xi32>
      %rem3A_56 = arith.remsi %sub3A_54, %rem3A_55 : vector<16xi32>
      %eq3A = vector.broadcast %arg1 : i32 to vector<16xi32>
      %eq3A_57 = arith.cmpi eq, %rem3A_56, %eq3A : vector<16xi32>
      %and3A = arith.andi %gt3A_47, %eq3A_57 : vector<16xi1>
      %jit3A_58 = arith.constant 1 : i32
      %jit3A_59 = arith.constant 0 : i32
      %broadcast_in_dim3A_60 = vector.broadcast %jit3A_58 : i32 to vector<16xi32>
      %broadcast_in_dim3A_61 = vector.broadcast %jit3A_59 : i32 to vector<16xi32>
      %select_n3A_62 = arith.select %and3A, %broadcast_in_dim3A_60, %broadcast_in_dim3A_61 : vector<16xi1>, vector<16xi32>
      %swap3A = arith.index_cast %mul3A_43 : i32 to index
      %swap3A_63 = tpu.vector_load %arg11[%swap3A] {strides = array<i32>} : memref<1024xi32, #tpu.memory_space<vmem>>, vector<16xi32>,
      tpu.vector_store %arg11[%swap3A], %select_n3A_62 {strides = array<i32>} : memref<1024xi32, #tpu.memory_space<vmem>>, vector<16xi32>,
      %mul3A_64 = arith.constant 16 : i32
      %mul3A_65 = arith.muli %mul3A_64, %scan3A_39 : i32
      %add3A_66 = vector.broadcast %mul3A_65 : i32 to vector<16xi32>
      %add3A_67 = arith.addi %add3A_66, %iota3A : vector<16xi32>
      %swap3A_68 = arith.index_cast %scan3A_41 : i32 to index
      %swap3A_69 = tpu.vector_load %arg12[%swap3A_68] masked %and3A {strides = array<i32>} : memref<1040xi32, #tpu.memory_space<vmem>>, vector<16xi32>, vector<16xi1>
      tpu.vector_store %arg12[%swap3A_68], %add3A_67 masked %and3A {strides = array<i32>} : memref<1040xi32, #tpu.memory_space<vmem>>, vector<16xi32>, vector<16xi1>
      %jit3A_70 = arith.constant 1 : i32
      %jit3A_71 = arith.constant 0 : i32
      %broadcast_in_dim3A_72 = vector.broadcast %jit3A_70 : i32 to vector<16xi32>
      %broadcast_in_dim3A_73 = vector.broadcast %jit3A_71 : i32 to vector<16xi32>
      %select_n3A_74 = arith.select %and3A, %broadcast_in_dim3A_72, %broadcast_in_dim3A_73 : vector<16xi1>, vector<16xi32>
      %reduce_sum3A = arith.constant true
      %reduce_sum3A_75 = vector.broadcast %reduce_sum3A : i1 to vector<16xi1>
      %reduce_sum3A_76 = tpu.scan <sum>, %select_n3A_74 masked %reduce_sum3A_75 : vector<16xi32>, vector<16xi1> -> vector<16xi32>
      %reduce_sum3A_77 = vector.extract %reduce_sum3A_76[15] : i32 from vector<16xi32>
      %add3A_78 = arith.addi %scan3A_41, %reduce_sum3A_77 : i32
      %reduce_sum3A_79 = arith.constant true
      %reduce_sum3A_80 = vector.broadcast %reduce_sum3A_79 : i1 to vector<16xi1>
      %reduce_sum3A_81 = tpu.scan <sum>, %select_n3A masked %reduce_sum3A_80 : vector<16xi32>, vector<16xi1> -> vector<16xi32>
      %reduce_sum3A_82 = vector.extract %reduce_sum3A_81[15] : i32 from vector<16xi32>
      %add3A_83 = arith.addi %scan3A_40, %reduce_sum3A_82 : i32
      scf.yield %add3A_83, %add3A_78 : i32, i32
    }
    %scan3A_34 = arith.constant 64 : i32
    %gt3A = arith.constant 0 : i32
    %gt3A_35 = arith.cmpi sgt, %scan3A_33#1, %gt3A : i32
    %convert_element_type3A_36 = arith.extui %gt3A_35 : i1 to i32
    %cond3A_37 = arith.constant 0 : i32
    %cond3A_38 = arith.cmpi ne, %convert_element_type3A_36, %cond3A_37 : i32
    scf.if %cond3A_38 {
      %scan3A_39 = arith.constant 0 : i32
      %scan3A_40 = arith.constant 0 : i32
      %scan3A_41 = arith.constant 17 : i32
      %scan3A_42 = arith.addi %scan3A_40, %scan3A_41 : i32
      %scan3A_43 = arith.constant 1 : i32
      %scan3A_44 = scf.for %scan3A_108 = %scan3A_40 to %scan3A_42 step %scan3A_43 iter_args(%scan3A_109 = %scan3A_39) -> (i32)  : i32 {
        %mul3A_110 = arith.constant 1024 : i32
        %mul3A_111 = arith.muli %scan3A_108, %mul3A_110 : i32
        "tpu.region"() ({
          %run_scoped3A = tpu.sem_alloc : memref<!tpu.dma_semaphore, #tpu.memory_space<semaphore_mem>>
          %dma_start3A = tpu.memref_slice %arg2[%mul3A_111] : memref<17408xi32, #tpu.memory_space<hbm>> -> memref<1024xi32, #tpu.memory_space<hbm>>
          %dma_start3A_120 = tpu.memref_slice %arg2[%mul3A_111] : memref<17408xi32, #tpu.memory_space<hbm>> -> memref<1024xi32, #tpu.memory_space<hbm>>
          tpu.enqueue_dma source(%dma_start3A_120 : memref<1024xi32, #tpu.memory_space<hbm>>) target(%arg16 : memref<1024xi32, #tpu.memory_space<vmem>>) target_semaphore(%run_scoped3A : memref<!tpu.dma_semaphore, #tpu.memory_space<semaphore_mem>>)
          %dma_wait3A = tpu.memref_slice %arg2[%mul3A_111] : memref<17408xi32, #tpu.memory_space<hbm>> -> memref<1024xi32, #tpu.memory_space<hbm>>
          %dma_wait3A_121 = tpu.memref_slice %arg2[%mul3A_111] : memref<17408xi32, #tpu.memory_space<hbm>> -> memref<1024xi32, #tpu.memory_space<hbm>>
          tpu.wait_dma2 semaphore(%run_scoped3A : memref<!tpu.dma_semaphore, #tpu.memory_space<semaphore_mem>>) src(%dma_wait3A_121 : memref<1024xi32, #tpu.memory_space<hbm>>) dst(%arg16 : memref<1024xi32, #tpu.memory_space<vmem>>)
          tpu.yield
        }) : () -> ()
        %mul3A_112 = arith.constant 1024 : i32
        %mul3A_113 = arith.muli %scan3A_108, %mul3A_112 : i32
        "tpu.region"() ({
          %run_scoped3A = tpu.sem_alloc : memref<!tpu.dma_semaphore, #tpu.memory_space<semaphore_mem>>
          %dma_start3A = tpu.memref_slice %arg3[%mul3A_113] : memref<17408xi32, #tpu.memory_space<hbm>> -> memref<1024xi32, #tpu.memory_space<hbm>>
          %dma_start3A_120 = tpu.memref_slice %arg3[%mul3A_113] : memref<17408xi32, #tpu.memory_space<hbm>> -> memref<1024xi32, #tpu.memory_space<hbm>>
          tpu.enqueue_dma source(%dma_start3A_120 : memref<1024xi32, #tpu.memory_space<hbm>>) target(%arg17 : memref<1024xi32, #tpu.memory_space<vmem>>) target_semaphore(%run_scoped3A : memref<!tpu.dma_semaphore, #tpu.memory_space<semaphore_mem>>)
          %dma_wait3A = tpu.memref_slice %arg3[%mul3A_113] : memref<17408xi32, #tpu.memory_space<hbm>> -> memref<1024xi32, #tpu.memory_space<hbm>>
          %dma_wait3A_121 = tpu.memref_slice %arg3[%mul3A_113] : memref<17408xi32, #tpu.memory_space<hbm>> -> memref<1024xi32, #tpu.memory_space<hbm>>
          tpu.wait_dma2 semaphore(%run_scoped3A : memref<!tpu.dma_semaphore, #tpu.memory_space<semaphore_mem>>) src(%dma_wait3A_121 : memref<1024xi32, #tpu.memory_space<hbm>>) dst(%arg17 : memref<1024xi32, #tpu.memory_space<vmem>>)
          tpu.yield
        }) : () -> ()
        %scan3A_114 = arith.constant 0 : i32
        %scan3A_115 = arith.constant 64 : i32
        %scan3A_116 = arith.addi %scan3A_114, %scan3A_115 : i32
        %scan3A_117 = arith.constant 1 : i32
        %scan3A_118 = scf.for %scan3A_120 = %scan3A_114 to %scan3A_116 step %scan3A_117 iter_args(%scan3A_121 = %scan3A_109) -> (i32)  : i32 {
          %mul3A_122 = arith.constant 16 : i32
          %mul3A_123 = arith.muli %mul3A_122, %scan3A_120 : i32
          %get3A = arith.index_cast %mul3A_123 : i32 to index
          %get3A_124 = tpu.vector_load %arg17[%get3A] {strides = array<i32>} : memref<1024xi32, #tpu.memory_space<vmem>>, vector<16xi32>,
          %gather3A = tpu.vector_load_idx %arg11[%get3A_124] : memref<1024xi32, #tpu.memory_space<vmem>>[vector<16xi32>], vector<16xi32>,
          %gt3A_125 = arith.constant 0 : i32
          %gt3A_126 = vector.broadcast %gt3A_125 : i32 to vector<16xi32>
          %gt3A_127 = arith.cmpi sgt, %gather3A, %gt3A_126 : vector<16xi32>
          %get3A_128 = arith.index_cast %mul3A_123 : i32 to index
          %get3A_129 = tpu.vector_load %arg16[%get3A_128] {strides = array<i32>} : memref<1024xi32, #tpu.memory_space<vmem>>, vector<16xi32>,
          %swap3A_130 = arith.index_cast %scan3A_121 : i32 to index
          %swap3A_131 = tpu.vector_load %arg13[%swap3A_130] masked %gt3A_127 {strides = array<i32>} : memref<17424xi32, #tpu.memory_space<vmem>>, vector<16xi32>, vector<16xi1>
          tpu.vector_store %arg13[%swap3A_130], %get3A_129 masked %gt3A_127 {strides = array<i32>} : memref<17424xi32, #tpu.memory_space<vmem>>, vector<16xi32>, vector<16xi1>
          %swap3A_132 = arith.index_cast %scan3A_121 : i32 to index
          %swap3A_133 = tpu.vector_load %arg14[%swap3A_132] masked %gt3A_127 {strides = array<i32>} : memref<17424xi32, #tpu.memory_space<vmem>>, vector<16xi32>, vector<16xi1>
          tpu.vector_store %arg14[%swap3A_132], %get3A_124 masked %gt3A_127 {strides = array<i32>} : memref<17424xi32, #tpu.memory_space<vmem>>, vector<16xi32>, vector<16xi1>
          %mul3A_134 = arith.constant 1024 : i32
          %mul3A_135 = arith.muli %scan3A_108, %mul3A_134 : i32
          %mul3A_136 = arith.constant 16 : i32
          %mul3A_137 = arith.muli %mul3A_136, %scan3A_120 : i32
          %add3A_138 = arith.addi %mul3A_135, %mul3A_137 : i32
          %add3A_139 = vector.broadcast %add3A_138 : i32 to vector<16xi32>
          %add3A_140 = arith.addi %add3A_139, %iota3A : vector<16xi32>
          %swap3A_141 = arith.index_cast %scan3A_121 : i32 to index
          %swap3A_142 = tpu.vector_load %arg15[%swap3A_141] masked %gt3A_127 {strides = array<i32>} : memref<17424xi32, #tpu.memory_space<vmem>>, vector<16xi32>, vector<16xi1>
          tpu.vector_store %arg15[%swap3A_141], %add3A_140 masked %gt3A_127 {strides = array<i32>} : memref<17424xi32, #tpu.memory_space<vmem>>, vector<16xi32>, vector<16xi1>
          %jit3A_143 = arith.constant 1 : i32
          %jit3A_144 = arith.constant 0 : i32
          %broadcast_in_dim3A_145 = vector.broadcast %jit3A_143 : i32 to vector<16xi32>
          %broadcast_in_dim3A_146 = vector.broadcast %jit3A_144 : i32 to vector<16xi32>
          %select_n3A_147 = arith.select %gt3A_127, %broadcast_in_dim3A_145, %broadcast_in_dim3A_146 : vector<16xi1>, vector<16xi32>
          %reduce_sum3A = arith.constant true
          %reduce_sum3A_148 = vector.broadcast %reduce_sum3A : i1 to vector<16xi1>
          %reduce_sum3A_149 = tpu.scan <sum>, %select_n3A_147 masked %reduce_sum3A_148 : vector<16xi32>, vector<16xi1> -> vector<16xi32>
          %reduce_sum3A_150 = vector.extract %reduce_sum3A_149[15] : i32 from vector<16xi32>
          %add3A_151 = arith.addi %scan3A_121, %reduce_sum3A_150 : i32
          scf.yield %add3A_151 : i32
        }
        %scan3A_119 = arith.constant 64 : i32
        scf.yield %scan3A_118 : i32
      }
      %scan3A_45 = arith.constant 17 : i32
      %broadcast_in_dim3A = arith.constant -1 : i32
      %broadcast_in_dim3A_46 = vector.broadcast %broadcast_in_dim3A : i32 to vector<16xi32>
      %swap3A = arith.index_cast %scan3A_44 : i32 to index
      %swap3A_47 = tpu.vector_load %arg14[%swap3A] {strides = array<i32>} : memref<17424xi32, #tpu.memory_space<vmem>>, vector<16xi32>,
      tpu.vector_store %arg14[%swap3A], %broadcast_in_dim3A_46 {strides = array<i32>} : memref<17424xi32, #tpu.memory_space<vmem>>, vector<16xi32>,
      %broadcast_in_dim3A_48 = arith.constant 1.000000e+00 : f32
      %broadcast_in_dim3A_49 = vector.broadcast %broadcast_in_dim3A_48 : f32 to vector<16xf32>
      %swap3A_50 = arith.constant 0 : index
      %swap3A_51 = tpu.vector_load %arg19[%swap3A_50] {strides = array<i32>} : memref<128xf32, #tpu.memory_space<vmem>>, vector<16xf32>,
      tpu.vector_store %arg19[%swap3A_50], %broadcast_in_dim3A_49 {strides = array<i32>} : memref<128xf32, #tpu.memory_space<vmem>>, vector<16xf32>,
      %broadcast_in_dim3A_52 = arith.constant 1.000000e+00 : f32
      %broadcast_in_dim3A_53 = vector.broadcast %broadcast_in_dim3A_52 : f32 to vector<16xf32>
      %swap3A_54 = arith.constant 16 : index
      %swap3A_55 = tpu.vector_load %arg19[%swap3A_54] {strides = array<i32>} : memref<128xf32, #tpu.memory_space<vmem>>, vector<16xf32>,
      tpu.vector_store %arg19[%swap3A_54], %broadcast_in_dim3A_53 {strides = array<i32>} : memref<128xf32, #tpu.memory_space<vmem>>, vector<16xf32>,
      %broadcast_in_dim3A_56 = arith.constant 1.000000e+00 : f32
      %broadcast_in_dim3A_57 = vector.broadcast %broadcast_in_dim3A_56 : f32 to vector<16xf32>
      %swap3A_58 = arith.constant 32 : index
      %swap3A_59 = tpu.vector_load %arg19[%swap3A_58] {strides = array<i32>} : memref<128xf32, #tpu.memory_space<vmem>>, vector<16xf32>,
      tpu.vector_store %arg19[%swap3A_58], %broadcast_in_dim3A_57 {strides = array<i32>} : memref<128xf32, #tpu.memory_space<vmem>>, vector<16xf32>,
      %broadcast_in_dim3A_60 = arith.constant 1.000000e+00 : f32
      %broadcast_in_dim3A_61 = vector.broadcast %broadcast_in_dim3A_60 : f32 to vector<16xf32>
      %swap3A_62 = arith.constant 48 : index
      %swap3A_63 = tpu.vector_load %arg19[%swap3A_62] {strides = array<i32>} : memref<128xf32, #tpu.memory_space<vmem>>, vector<16xf32>,
      tpu.vector_store %arg19[%swap3A_62], %broadcast_in_dim3A_61 {strides = array<i32>} : memref<128xf32, #tpu.memory_space<vmem>>, vector<16xf32>,
      %broadcast_in_dim3A_64 = arith.constant 1.000000e+00 : f32
      %broadcast_in_dim3A_65 = vector.broadcast %broadcast_in_dim3A_64 : f32 to vector<16xf32>
      %swap3A_66 = arith.constant 64 : index
      %swap3A_67 = tpu.vector_load %arg19[%swap3A_66] {strides = array<i32>} : memref<128xf32, #tpu.memory_space<vmem>>, vector<16xf32>,
      tpu.vector_store %arg19[%swap3A_66], %broadcast_in_dim3A_65 {strides = array<i32>} : memref<128xf32, #tpu.memory_space<vmem>>, vector<16xf32>,
      %broadcast_in_dim3A_68 = arith.constant 1.000000e+00 : f32
      %broadcast_in_dim3A_69 = vector.broadcast %broadcast_in_dim3A_68 : f32 to vector<16xf32>
      %swap3A_70 = arith.constant 80 : index
      %swap3A_71 = tpu.vector_load %arg19[%swap3A_70] {strides = array<i32>} : memref<128xf32, #tpu.memory_space<vmem>>, vector<16xf32>,
      tpu.vector_store %arg19[%swap3A_70], %broadcast_in_dim3A_69 {strides = array<i32>} : memref<128xf32, #tpu.memory_space<vmem>>, vector<16xf32>,
      %broadcast_in_dim3A_72 = arith.constant 1.000000e+00 : f32
      %broadcast_in_dim3A_73 = vector.broadcast %broadcast_in_dim3A_72 : f32 to vector<16xf32>
      %swap3A_74 = arith.constant 96 : index
      %swap3A_75 = tpu.vector_load %arg19[%swap3A_74] {strides = array<i32>} : memref<128xf32, #tpu.memory_space<vmem>>, vector<16xf32>,
      tpu.vector_store %arg19[%swap3A_74], %broadcast_in_dim3A_73 {strides = array<i32>} : memref<128xf32, #tpu.memory_space<vmem>>, vector<16xf32>,
      %broadcast_in_dim3A_76 = arith.constant 1.000000e+00 : f32
      %broadcast_in_dim3A_77 = vector.broadcast %broadcast_in_dim3A_76 : f32 to vector<16xf32>
      %swap3A_78 = arith.constant 112 : index
      %swap3A_79 = tpu.vector_load %arg19[%swap3A_78] {strides = array<i32>} : memref<128xf32, #tpu.memory_space<vmem>>, vector<16xf32>,
      tpu.vector_store %arg19[%swap3A_78], %broadcast_in_dim3A_77 {strides = array<i32>} : memref<128xf32, #tpu.memory_space<vmem>>, vector<16xf32>,
      %add3A = arith.constant 15 : i32
      %add3A_80 = arith.addi %scan3A_44, %add3A : i32
      %jit3A = arith.constant 16 : i32
      %div3A = arith.divsi %add3A_80, %jit3A : i32
      %sign3A = arith.constant 0 : i32
      %sign3A_81 = arith.cmpi sgt, %add3A_80, %sign3A : i32
      %sign3A_82 = arith.extui %sign3A_81 : i1 to i32
      %sign3A_83 = arith.constant 0 : i32
      %sign3A_84 = arith.cmpi slt, %add3A_80, %sign3A_83 : i32
      %sign3A_85 = arith.extui %sign3A_84 : i1 to i32
      %sign3A_86 = arith.subi %sign3A_82, %sign3A_85 : i32
      %sign3A_87 = arith.constant 0 : i32
      %sign3A_88 = arith.cmpi sgt, %jit3A, %sign3A_87 : i32
      %sign3A_89 = arith.extui %sign3A_88 : i1 to i32
      %sign3A_90 = arith.constant 0 : i32
      %sign3A_91 = arith.cmpi slt, %jit3A, %sign3A_90 : i32
      %sign3A_92 = arith.extui %sign3A_91 : i1 to i32
      %sign3A_93 = arith.subi %sign3A_89, %sign3A_92 : i32
      %ne3A = arith.cmpi ne, %sign3A_86, %sign3A_93 : i32
      %rem3A = arith.remsi %add3A_80, %jit3A : i32
      %ne3A_94 = arith.constant 0 : i32
      %ne3A_95 = arith.cmpi ne, %rem3A, %ne3A_94 : i32
      %and3A = arith.andi %ne3A, %ne3A_95 : i1
      %sub3A = arith.constant 1 : i32
      %sub3A_96 = arith.subi %div3A, %sub3A : i32
      %select_n3A = arith.select %and3A, %sub3A_96, %div3A : i32
      %while3A = arith.constant 0 : i32
      %while3A_97 = arith.constant 0 : i32
      %while3A_98 = arith.subi %scan3A_33#1, %while3A : i32
      %while3A_99 = arith.addi %while3A, %while3A_98 : i32
      %while3A_100 = arith.constant 1 : i32
      %while3A_101 = arith.divsi %while3A_98, %while3A_100 : i32
      %while3A_102 = arith.muli %while3A_101, %while3A_100 : i32
      %while3A_103 = arith.addi %while3A, %while3A_102 : i32
      %while3A_104 = arith.constant 1 : i32
      %while3A_105 = scf.for %while3A_108 = %while3A to %while3A_103 step %while3A_104 iter_args(%while3A_109 = %while3A_97) -> (i32)  : i32 {
        %broadcast_in_dim3A_110 = vector.broadcast %while3A_108 : i32 to vector<16xi32>
        %gather3A = tpu.vector_load_idx %arg12[%broadcast_in_dim3A_110] : memref<1040xi32, #tpu.memory_space<vmem>>[vector<16xi32>], vector<16xi32>,
        %scan3A_111 = arith.constant 0 : i32
        %scan3A_112 = arith.constant 0 : i32
        %scan3A_113 = arith.constant 8 : i32
        %scan3A_114 = arith.addi %scan3A_112, %scan3A_113 : i32
        %scan3A_115 = arith.constant 1 : i32
        %scan3A_116 = scf.for %scan3A_133 = %scan3A_112 to %scan3A_114 step %scan3A_115 iter_args(%scan3A_134 = %scan3A_111) -> (i32)  : i32 {
          %broadcast_in_dim3A_135 = arith.constant 1023 : i32
          %broadcast_in_dim3A_136 = vector.broadcast %broadcast_in_dim3A_135 : i32 to vector<16xi32>
          %mul3A_137 = arith.constant 16 : i32
          %mul3A_138 = arith.muli %mul3A_137, %scan3A_133 : i32
          %swap3A_139 = arith.index_cast %mul3A_138 : i32 to index
          %swap3A_140 = tpu.vector_load %arg18[%swap3A_139] {strides = array<i32>} : memref<128xi32, #tpu.memory_space<vmem>>, vector<16xi32>,
          tpu.vector_store %arg18[%swap3A_139], %broadcast_in_dim3A_136 {strides = array<i32>} : memref<128xi32, #tpu.memory_space<vmem>>, vector<16xi32>,
          %scan3A_141 = arith.constant 0 : i32
          scf.yield %scan3A_141 : i32
        }
        %scan3A_117 = arith.constant 8 : i32
        %while3A_118 = arith.constant 0 : i32
        %while3A_119 = arith.constant 0 : i32
        %while3A_120 = arith.subi %scan3A_44, %while3A_118 : i32
        %while3A_121 = arith.addi %while3A_118, %while3A_120 : i32
        %while3A_122 = arith.constant 1 : i32
        %while3A_123 = arith.divsi %while3A_120, %while3A_122 : i32
        %while3A_124 = arith.muli %while3A_123, %while3A_122 : i32
        %while3A_125 = arith.addi %while3A_118, %while3A_124 : i32
        %while3A_126 = arith.constant 1 : i32
        %while3A_127 = scf.for %while3A_133 = %while3A_118 to %while3A_125 step %while3A_126 iter_args(%while3A_134 = %while3A_119) -> (i32)  : i32 {
          %broadcast_in_dim3A_135 = vector.broadcast %while3A_133 : i32 to vector<16xi32>
          %gather3A_136 = tpu.vector_load_idx %arg14[%broadcast_in_dim3A_135] : memref<17424xi32, #tpu.memory_space<vmem>>[vector<16xi32>], vector<16xi32>,
          %eq3A = arith.cmpi eq, %gather3A_136, %gather3A : vector<16xi32>
          %reduce_and3A = arith.constant 1.000000e+00 : f32
          %reduce_and3A_137 = arith.constant 0.000000e+00 : f32
          %reduce_and3A_138 = vector.broadcast %reduce_and3A : f32 to vector<16xf32>
          %reduce_and3A_139 = vector.broadcast %reduce_and3A_137 : f32 to vector<16xf32>
          %reduce_and3A_140 = arith.select %eq3A, %reduce_and3A_138, %reduce_and3A_139 : vector<16xi1>, vector<16xf32>
          %reduce_and3A_141 = arith.constant true
          %reduce_and3A_142 = vector.broadcast %reduce_and3A_141 : i1 to vector<16xi1>
          %reduce_and3A_143 = tpu.scan <min>, %reduce_and3A_140 masked %reduce_and3A_142 : vector<16xf32>, vector<16xi1> -> vector<16xf32>
          %reduce_and3A_144 = vector.extract %reduce_and3A_143[15] : f32 from vector<16xf32>
          %reduce_and3A_145 = arith.constant 0.000000e+00 : f32
          %reduce_and3A_146 = arith.cmpf ogt, %reduce_and3A_144, %reduce_and3A_145 : f32
          %convert_element_type3A_147 = arith.extui %reduce_and3A_146 : i1 to i32
          %cond3A_148 = arith.constant 0 : i32
          %cond3A_149 = arith.cmpi ne, %convert_element_type3A_147, %cond3A_148 : i32
          %cond3A_150 = scf.if %cond3A_149 -> (i32) {
            %broadcast_in_dim3A_151 = vector.broadcast %while3A_133 : i32 to vector<16xi32>
            %gather3A_152 = tpu.vector_load_idx %arg13[%broadcast_in_dim3A_151] : memref<17424xi32, #tpu.memory_space<vmem>>[vector<16xi32>], vector<16xi32>,
            %broadcast_in_dim3A_153 = vector.broadcast %while3A_133 : i32 to vector<16xi32>
            %gather3A_154 = tpu.vector_load_idx %arg15[%broadcast_in_dim3A_153] : memref<17424xi32, #tpu.memory_space<vmem>>[vector<16xi32>], vector<16xi32>,
            %while3A_155 = arith.constant 0 : i32
            %while3A_156 = arith.constant 0 : i32
            %while3A_157 = arith.subi %select_n3A, %while3A_155 : i32
            %while3A_158 = arith.addi %while3A_155, %while3A_157 : i32
            %while3A_159 = arith.constant 1 : i32
            %while3A_160 = arith.divsi %while3A_157, %while3A_159 : i32
            %while3A_161 = arith.muli %while3A_160, %while3A_159 : i32
            %while3A_162 = arith.addi %while3A_155, %while3A_161 : i32
            %while3A_163 = arith.constant 1 : i32
            %while3A_164 = scf.for %while3A_173 = %while3A_155 to %while3A_162 step %while3A_163 iter_args(%while3A_174 = %while3A_156) -> (i32)  : i32 {
              %mul3A_175 = arith.constant 16 : i32
              %mul3A_176 = arith.muli %mul3A_175, %while3A_173 : i32
              %get3A = arith.index_cast %mul3A_176 : i32 to index
              %get3A_177 = tpu.vector_load %arg13[%get3A] {strides = array<i32>} : memref<17424xi32, #tpu.memory_space<vmem>>, vector<16xi32>,
              %get3A_178 = arith.index_cast %mul3A_176 : i32 to index
              %get3A_179 = tpu.vector_load %arg14[%get3A_178] {strides = array<i32>} : memref<17424xi32, #tpu.memory_space<vmem>>, vector<16xi32>,
              %get3A_180 = arith.index_cast %mul3A_176 : i32 to index
              %get3A_181 = tpu.vector_load %arg15[%get3A_180] {strides = array<i32>} : memref<17424xi32, #tpu.memory_space<vmem>>, vector<16xi32>,
              %lt3A_182 = arith.cmpi slt, %get3A_177, %gather3A_152 : vector<16xi32>
              %eq3A_183 = arith.cmpi eq, %get3A_177, %gather3A_152 : vector<16xi32>
              %lt3A_184 = arith.cmpi slt, %get3A_181, %gather3A_154 : vector<16xi32>
              %and3A_185 = arith.andi %eq3A_183, %lt3A_184 : vector<16xi1>
              %or3A = arith.ori %lt3A_182, %and3A_185 : vector<16xi1>
              %eq3A_186 = arith.cmpi eq, %get3A_179, %gather3A : vector<16xi32>
              %and3A_187 = arith.andi %eq3A_186, %or3A : vector<16xi1>
              %jit3A_188 = arith.constant 1 : i32
              %jit3A_189 = arith.constant 0 : i32
              %broadcast_in_dim3A_190 = vector.broadcast %jit3A_188 : i32 to vector<16xi32>
              %broadcast_in_dim3A_191 = vector.broadcast %jit3A_189 : i32 to vector<16xi32>
              %select_n3A_192 = arith.select %and3A_187, %broadcast_in_dim3A_190, %broadcast_in_dim3A_191 : vector<16xi1>, vector<16xi32>
              %reduce_sum3A = arith.constant true
              %reduce_sum3A_193 = vector.broadcast %reduce_sum3A : i1 to vector<16xi1>
              %reduce_sum3A_194 = tpu.scan <sum>, %select_n3A_192 masked %reduce_sum3A_193 : vector<16xi32>, vector<16xi1> -> vector<16xi32>
              %reduce_sum3A_195 = vector.extract %reduce_sum3A_194[15] : i32 from vector<16xi32>
              %add3A_196 = arith.addi %while3A_174, %reduce_sum3A_195 : i32
              scf.yield %add3A_196 : i32
            }
            %while3A_165 = arith.constant 1 : i32
            %while3A_166 = scf.for %while3A_173 = %while3A_162 to %while3A_158 step %while3A_165 iter_args(%while3A_174 = %while3A_164) -> (i32)  : i32 {
              %mul3A_175 = arith.constant 16 : i32
              %mul3A_176 = arith.muli %mul3A_175, %while3A_173 : i32
              %get3A = arith.index_cast %mul3A_176 : i32 to index
              %get3A_177 = tpu.vector_load %arg13[%get3A] {strides = array<i32>} : memref<17424xi32, #tpu.memory_space<vmem>>, vector<16xi32>,
              %get3A_178 = arith.index_cast %mul3A_176 : i32 to index
              %get3A_179 = tpu.vector_load %arg14[%get3A_178] {strides = array<i32>} : memref<17424xi32, #tpu.memory_space<vmem>>, vector<16xi32>,
              %get3A_180 = arith.index_cast %mul3A_176 : i32 to index
              %get3A_181 = tpu.vector_load %arg15[%get3A_180] {strides = array<i32>} : memref<17424xi32, #tpu.memory_space<vmem>>, vector<16xi32>,
              %lt3A_182 = arith.cmpi slt, %get3A_177, %gather3A_152 : vector<16xi32>
              %eq3A_183 = arith.cmpi eq, %get3A_177, %gather3A_152 : vector<16xi32>
              %lt3A_184 = arith.cmpi slt, %get3A_181, %gather3A_154 : vector<16xi32>
              %and3A_185 = arith.andi %eq3A_183, %lt3A_184 : vector<16xi1>
              %or3A = arith.ori %lt3A_182, %and3A_185 : vector<16xi1>
              %eq3A_186 = arith.cmpi eq, %get3A_179, %gather3A : vector<16xi32>
              %and3A_187 = arith.andi %eq3A_186, %or3A : vector<16xi1>
              %jit3A_188 = arith.constant 1 : i32
              %jit3A_189 = arith.constant 0 : i32
              %broadcast_in_dim3A_190 = vector.broadcast %jit3A_188 : i32 to vector<16xi32>
              %broadcast_in_dim3A_191 = vector.broadcast %jit3A_189 : i32 to vector<16xi32>
              %select_n3A_192 = arith.select %and3A_187, %broadcast_in_dim3A_190, %broadcast_in_dim3A_191 : vector<16xi1>, vector<16xi32>
              %reduce_sum3A = arith.constant true
              %reduce_sum3A_193 = vector.broadcast %reduce_sum3A : i1 to vector<16xi1>
              %reduce_sum3A_194 = tpu.scan <sum>, %select_n3A_192 masked %reduce_sum3A_193 : vector<16xi32>, vector<16xi1> -> vector<16xi32>
              %reduce_sum3A_195 = vector.extract %reduce_sum3A_194[15] : i32 from vector<16xi32>
              %add3A_196 = arith.addi %while3A_174, %reduce_sum3A_195 : i32
              scf.yield %add3A_196 : i32
            }
            %lt3A_167 = arith.constant 100 : i32
            %lt3A_168 = arith.cmpi slt, %while3A_166, %lt3A_167 : i32
            %convert_element_type3A_169 = arith.extui %lt3A_168 : i1 to i32
            %cond3A_170 = arith.constant 0 : i32
            %cond3A_171 = arith.cmpi ne, %convert_element_type3A_169, %cond3A_170 : i32
            %cond3A_172 = scf.if %cond3A_171 -> (i32) {
              %eq3A_173 = arith.constant 0 : i32
              %eq3A_174 = vector.broadcast %eq3A_173 : i32 to vector<16xi32>
              %eq3A_175 = arith.cmpi eq, %iota3A, %eq3A_174 : vector<16xi32>
              %swap3A_176 = arith.index_cast %while3A_134 : i32 to index
              %swap3A_177 = tpu.vector_load %arg18[%swap3A_176] masked %eq3A_175 {strides = array<i32>} : memref<128xi32, #tpu.memory_space<vmem>>, vector<16xi32>, vector<16xi1>
              tpu.vector_store %arg18[%swap3A_176], %gather3A_154 masked %eq3A_175 {strides = array<i32>} : memref<128xi32, #tpu.memory_space<vmem>>, vector<16xi32>, vector<16xi1>
              %add3A_178 = arith.constant 1 : i32
              %add3A_179 = arith.addi %while3A_134, %add3A_178 : i32
              scf.yield %add3A_179 : i32
            } else {
              scf.yield %while3A_134 : i32
            }
            scf.yield %cond3A_172 : i32
          } else {
            scf.yield %while3A_134 : i32
          }
          scf.yield %cond3A_150 : i32
        }
        %while3A_128 = arith.constant 1 : i32
        %while3A_129 = scf.for %while3A_133 = %while3A_125 to %while3A_121 step %while3A_128 iter_args(%while3A_134 = %while3A_127) -> (i32)  : i32 {
          %broadcast_in_dim3A_135 = vector.broadcast %while3A_133 : i32 to vector<16xi32>
          %gather3A_136 = tpu.vector_load_idx %arg14[%broadcast_in_dim3A_135] : memref<17424xi32, #tpu.memory_space<vmem>>[vector<16xi32>], vector<16xi32>,
          %eq3A = arith.cmpi eq, %gather3A_136, %gather3A : vector<16xi32>
          %reduce_and3A = arith.constant 1.000000e+00 : f32
          %reduce_and3A_137 = arith.constant 0.000000e+00 : f32
          %reduce_and3A_138 = vector.broadcast %reduce_and3A : f32 to vector<16xf32>
          %reduce_and3A_139 = vector.broadcast %reduce_and3A_137 : f32 to vector<16xf32>
          %reduce_and3A_140 = arith.select %eq3A, %reduce_and3A_138, %reduce_and3A_139 : vector<16xi1>, vector<16xf32>
          %reduce_and3A_141 = arith.constant true
          %reduce_and3A_142 = vector.broadcast %reduce_and3A_141 : i1 to vector<16xi1>
          %reduce_and3A_143 = tpu.scan <min>, %reduce_and3A_140 masked %reduce_and3A_142 : vector<16xf32>, vector<16xi1> -> vector<16xf32>
          %reduce_and3A_144 = vector.extract %reduce_and3A_143[15] : f32 from vector<16xf32>
          %reduce_and3A_145 = arith.constant 0.000000e+00 : f32
          %reduce_and3A_146 = arith.cmpf ogt, %reduce_and3A_144, %reduce_and3A_145 : f32
          %convert_element_type3A_147 = arith.extui %reduce_and3A_146 : i1 to i32
          %cond3A_148 = arith.constant 0 : i32
          %cond3A_149 = arith.cmpi ne, %convert_element_type3A_147, %cond3A_148 : i32
          %cond3A_150 = scf.if %cond3A_149 -> (i32) {
            %broadcast_in_dim3A_151 = vector.broadcast %while3A_133 : i32 to vector<16xi32>
            %gather3A_152 = tpu.vector_load_idx %arg13[%broadcast_in_dim3A_151] : memref<17424xi32, #tpu.memory_space<vmem>>[vector<16xi32>], vector<16xi32>,
            %broadcast_in_dim3A_153 = vector.broadcast %while3A_133 : i32 to vector<16xi32>
            %gather3A_154 = tpu.vector_load_idx %arg15[%broadcast_in_dim3A_153] : memref<17424xi32, #tpu.memory_space<vmem>>[vector<16xi32>], vector<16xi32>,
            %while3A_155 = arith.constant 0 : i32
            %while3A_156 = arith.constant 0 : i32
            %while3A_157 = arith.subi %select_n3A, %while3A_155 : i32
            %while3A_158 = arith.addi %while3A_155, %while3A_157 : i32
            %while3A_159 = arith.constant 1 : i32
            %while3A_160 = arith.divsi %while3A_157, %while3A_159 : i32
            %while3A_161 = arith.muli %while3A_160, %while3A_159 : i32
            %while3A_162 = arith.addi %while3A_155, %while3A_161 : i32
            %while3A_163 = arith.constant 1 : i32
            %while3A_164 = scf.for %while3A_173 = %while3A_155 to %while3A_162 step %while3A_163 iter_args(%while3A_174 = %while3A_156) -> (i32)  : i32 {
              %mul3A_175 = arith.constant 16 : i32
              %mul3A_176 = arith.muli %mul3A_175, %while3A_173 : i32
              %get3A = arith.index_cast %mul3A_176 : i32 to index
              %get3A_177 = tpu.vector_load %arg13[%get3A] {strides = array<i32>} : memref<17424xi32, #tpu.memory_space<vmem>>, vector<16xi32>,
              %get3A_178 = arith.index_cast %mul3A_176 : i32 to index
              %get3A_179 = tpu.vector_load %arg14[%get3A_178] {strides = array<i32>} : memref<17424xi32, #tpu.memory_space<vmem>>, vector<16xi32>,
              %get3A_180 = arith.index_cast %mul3A_176 : i32 to index
              %get3A_181 = tpu.vector_load %arg15[%get3A_180] {strides = array<i32>} : memref<17424xi32, #tpu.memory_space<vmem>>, vector<16xi32>,
              %lt3A_182 = arith.cmpi slt, %get3A_177, %gather3A_152 : vector<16xi32>
              %eq3A_183 = arith.cmpi eq, %get3A_177, %gather3A_152 : vector<16xi32>
              %lt3A_184 = arith.cmpi slt, %get3A_181, %gather3A_154 : vector<16xi32>
              %and3A_185 = arith.andi %eq3A_183, %lt3A_184 : vector<16xi1>
              %or3A = arith.ori %lt3A_182, %and3A_185 : vector<16xi1>
              %eq3A_186 = arith.cmpi eq, %get3A_179, %gather3A : vector<16xi32>
              %and3A_187 = arith.andi %eq3A_186, %or3A : vector<16xi1>
              %jit3A_188 = arith.constant 1 : i32
              %jit3A_189 = arith.constant 0 : i32
              %broadcast_in_dim3A_190 = vector.broadcast %jit3A_188 : i32 to vector<16xi32>
              %broadcast_in_dim3A_191 = vector.broadcast %jit3A_189 : i32 to vector<16xi32>
              %select_n3A_192 = arith.select %and3A_187, %broadcast_in_dim3A_190, %broadcast_in_dim3A_191 : vector<16xi1>, vector<16xi32>
              %reduce_sum3A = arith.constant true
              %reduce_sum3A_193 = vector.broadcast %reduce_sum3A : i1 to vector<16xi1>
              %reduce_sum3A_194 = tpu.scan <sum>, %select_n3A_192 masked %reduce_sum3A_193 : vector<16xi32>, vector<16xi1> -> vector<16xi32>
              %reduce_sum3A_195 = vector.extract %reduce_sum3A_194[15] : i32 from vector<16xi32>
              %add3A_196 = arith.addi %while3A_174, %reduce_sum3A_195 : i32
              scf.yield %add3A_196 : i32
            }
            %while3A_165 = arith.constant 1 : i32
            %while3A_166 = scf.for %while3A_173 = %while3A_162 to %while3A_158 step %while3A_165 iter_args(%while3A_174 = %while3A_164) -> (i32)  : i32 {
              %mul3A_175 = arith.constant 16 : i32
              %mul3A_176 = arith.muli %mul3A_175, %while3A_173 : i32
              %get3A = arith.index_cast %mul3A_176 : i32 to index
              %get3A_177 = tpu.vector_load %arg13[%get3A] {strides = array<i32>} : memref<17424xi32, #tpu.memory_space<vmem>>, vector<16xi32>,
              %get3A_178 = arith.index_cast %mul3A_176 : i32 to index
              %get3A_179 = tpu.vector_load %arg14[%get3A_178] {strides = array<i32>} : memref<17424xi32, #tpu.memory_space<vmem>>, vector<16xi32>,
              %get3A_180 = arith.index_cast %mul3A_176 : i32 to index
              %get3A_181 = tpu.vector_load %arg15[%get3A_180] {strides = array<i32>} : memref<17424xi32, #tpu.memory_space<vmem>>, vector<16xi32>,
              %lt3A_182 = arith.cmpi slt, %get3A_177, %gather3A_152 : vector<16xi32>
              %eq3A_183 = arith.cmpi eq, %get3A_177, %gather3A_152 : vector<16xi32>
              %lt3A_184 = arith.cmpi slt, %get3A_181, %gather3A_154 : vector<16xi32>
              %and3A_185 = arith.andi %eq3A_183, %lt3A_184 : vector<16xi1>
              %or3A = arith.ori %lt3A_182, %and3A_185 : vector<16xi1>
              %eq3A_186 = arith.cmpi eq, %get3A_179, %gather3A : vector<16xi32>
              %and3A_187 = arith.andi %eq3A_186, %or3A : vector<16xi1>
              %jit3A_188 = arith.constant 1 : i32
              %jit3A_189 = arith.constant 0 : i32
              %broadcast_in_dim3A_190 = vector.broadcast %jit3A_188 : i32 to vector<16xi32>
              %broadcast_in_dim3A_191 = vector.broadcast %jit3A_189 : i32 to vector<16xi32>
              %select_n3A_192 = arith.select %and3A_187, %broadcast_in_dim3A_190, %broadcast_in_dim3A_191 : vector<16xi1>, vector<16xi32>
              %reduce_sum3A = arith.constant true
              %reduce_sum3A_193 = vector.broadcast %reduce_sum3A : i1 to vector<16xi1>
              %reduce_sum3A_194 = tpu.scan <sum>, %select_n3A_192 masked %reduce_sum3A_193 : vector<16xi32>, vector<16xi1> -> vector<16xi32>
              %reduce_sum3A_195 = vector.extract %reduce_sum3A_194[15] : i32 from vector<16xi32>
              %add3A_196 = arith.addi %while3A_174, %reduce_sum3A_195 : i32
              scf.yield %add3A_196 : i32
            }
            %lt3A_167 = arith.constant 100 : i32
            %lt3A_168 = arith.cmpi slt, %while3A_166, %lt3A_167 : i32
            %convert_element_type3A_169 = arith.extui %lt3A_168 : i1 to i32
            %cond3A_170 = arith.constant 0 : i32
            %cond3A_171 = arith.cmpi ne, %convert_element_type3A_169, %cond3A_170 : i32
            %cond3A_172 = scf.if %cond3A_171 -> (i32) {
              %eq3A_173 = arith.constant 0 : i32
              %eq3A_174 = vector.broadcast %eq3A_173 : i32 to vector<16xi32>
              %eq3A_175 = arith.cmpi eq, %iota3A, %eq3A_174 : vector<16xi32>
              %swap3A_176 = arith.index_cast %while3A_134 : i32 to index
              %swap3A_177 = tpu.vector_load %arg18[%swap3A_176] masked %eq3A_175 {strides = array<i32>} : memref<128xi32, #tpu.memory_space<vmem>>, vector<16xi32>, vector<16xi1>
              tpu.vector_store %arg18[%swap3A_176], %gather3A_154 masked %eq3A_175 {strides = array<i32>} : memref<128xi32, #tpu.memory_space<vmem>>, vector<16xi32>, vector<16xi1>
              %add3A_178 = arith.constant 1 : i32
              %add3A_179 = arith.addi %while3A_134, %add3A_178 : i32
              scf.yield %add3A_179 : i32
            } else {
              scf.yield %while3A_134 : i32
            }
            scf.yield %cond3A_172 : i32
          } else {
            scf.yield %while3A_134 : i32
          }
          scf.yield %cond3A_150 : i32
        }
        %dma_start3A = arith.constant 0 : i32
        %dma_start3A_130 = tpu.memref_slice %arg4[%dma_start3A] : memref<17408xf32, #tpu.memory_space<hbm>> -> memref<17408xf32, #tpu.memory_space<hbm>>
        tpu.enqueue_indirect_dma source(%arg19 : memref<128xf32, #tpu.memory_space<vmem>>) target(%dma_start3A_130 : memref<17408xf32, #tpu.memory_space<hbm>>) offsets(%arg18 : memref<128xi32, #tpu.memory_space<vmem>>) semaphore(%arg20 : memref<!tpu.dma_semaphore, #tpu.memory_space<semaphore_mem>>)
        %dma_wait3A = arith.constant 0 : i32
        %dma_wait3A_131 = tpu.memref_slice %arg4[%dma_wait3A] : memref<17408xf32, #tpu.memory_space<hbm>> -> memref<17408xf32, #tpu.memory_space<hbm>>
        tpu.wait_indirect_dma semaphore(%arg20 : memref<!tpu.dma_semaphore, #tpu.memory_space<semaphore_mem>>) src(%arg19 : memref<128xf32, #tpu.memory_space<vmem>>) dst(%dma_wait3A_131 : memref<17408xf32, #tpu.memory_space<hbm>>)
        %while3A_132 = arith.constant 0 : i32
        scf.yield %while3A_132 : i32
      }
      %while3A_106 = arith.constant 1 : i32
      %while3A_107 = scf.for %while3A_108 = %while3A_103 to %while3A_99 step %while3A_106 iter_args(%while3A_109 = %while3A_105) -> (i32)  : i32 {
        %broadcast_in_dim3A_110 = vector.broadcast %while3A_108 : i32 to vector<16xi32>
        %gather3A = tpu.vector_load_idx %arg12[%broadcast_in_dim3A_110] : memref<1040xi32, #tpu.memory_space<vmem>>[vector<16xi32>], vector<16xi32>,
        %scan3A_111 = arith.constant 0 : i32
        %scan3A_112 = arith.constant 0 : i32
        %scan3A_113 = arith.constant 8 : i32
        %scan3A_114 = arith.addi %scan3A_112, %scan3A_113 : i32
        %scan3A_115 = arith.constant 1 : i32
        %scan3A_116 = scf.for %scan3A_133 = %scan3A_112 to %scan3A_114 step %scan3A_115 iter_args(%scan3A_134 = %scan3A_111) -> (i32)  : i32 {
          %broadcast_in_dim3A_135 = arith.constant 1023 : i32
          %broadcast_in_dim3A_136 = vector.broadcast %broadcast_in_dim3A_135 : i32 to vector<16xi32>
          %mul3A_137 = arith.constant 16 : i32
          %mul3A_138 = arith.muli %mul3A_137, %scan3A_133 : i32
          %swap3A_139 = arith.index_cast %mul3A_138 : i32 to index
          %swap3A_140 = tpu.vector_load %arg18[%swap3A_139] {strides = array<i32>} : memref<128xi32, #tpu.memory_space<vmem>>, vector<16xi32>,
          tpu.vector_store %arg18[%swap3A_139], %broadcast_in_dim3A_136 {strides = array<i32>} : memref<128xi32, #tpu.memory_space<vmem>>, vector<16xi32>,
          %scan3A_141 = arith.constant 0 : i32
          scf.yield %scan3A_141 : i32
        }
        %scan3A_117 = arith.constant 8 : i32
        %while3A_118 = arith.constant 0 : i32
        %while3A_119 = arith.constant 0 : i32
        %while3A_120 = arith.subi %scan3A_44, %while3A_118 : i32
        %while3A_121 = arith.addi %while3A_118, %while3A_120 : i32
        %while3A_122 = arith.constant 1 : i32
        %while3A_123 = arith.divsi %while3A_120, %while3A_122 : i32
        %while3A_124 = arith.muli %while3A_123, %while3A_122 : i32
        %while3A_125 = arith.addi %while3A_118, %while3A_124 : i32
        %while3A_126 = arith.constant 1 : i32
        %while3A_127 = scf.for %while3A_133 = %while3A_118 to %while3A_125 step %while3A_126 iter_args(%while3A_134 = %while3A_119) -> (i32)  : i32 {
          %broadcast_in_dim3A_135 = vector.broadcast %while3A_133 : i32 to vector<16xi32>
          %gather3A_136 = tpu.vector_load_idx %arg14[%broadcast_in_dim3A_135] : memref<17424xi32, #tpu.memory_space<vmem>>[vector<16xi32>], vector<16xi32>,
          %eq3A = arith.cmpi eq, %gather3A_136, %gather3A : vector<16xi32>
          %reduce_and3A = arith.constant 1.000000e+00 : f32
          %reduce_and3A_137 = arith.constant 0.000000e+00 : f32
          %reduce_and3A_138 = vector.broadcast %reduce_and3A : f32 to vector<16xf32>
          %reduce_and3A_139 = vector.broadcast %reduce_and3A_137 : f32 to vector<16xf32>
          %reduce_and3A_140 = arith.select %eq3A, %reduce_and3A_138, %reduce_and3A_139 : vector<16xi1>, vector<16xf32>
          %reduce_and3A_141 = arith.constant true
          %reduce_and3A_142 = vector.broadcast %reduce_and3A_141 : i1 to vector<16xi1>
          %reduce_and3A_143 = tpu.scan <min>, %reduce_and3A_140 masked %reduce_and3A_142 : vector<16xf32>, vector<16xi1> -> vector<16xf32>
          %reduce_and3A_144 = vector.extract %reduce_and3A_143[15] : f32 from vector<16xf32>
          %reduce_and3A_145 = arith.constant 0.000000e+00 : f32
          %reduce_and3A_146 = arith.cmpf ogt, %reduce_and3A_144, %reduce_and3A_145 : f32
          %convert_element_type3A_147 = arith.extui %reduce_and3A_146 : i1 to i32
          %cond3A_148 = arith.constant 0 : i32
          %cond3A_149 = arith.cmpi ne, %convert_element_type3A_147, %cond3A_148 : i32
          %cond3A_150 = scf.if %cond3A_149 -> (i32) {
            %broadcast_in_dim3A_151 = vector.broadcast %while3A_133 : i32 to vector<16xi32>
            %gather3A_152 = tpu.vector_load_idx %arg13[%broadcast_in_dim3A_151] : memref<17424xi32, #tpu.memory_space<vmem>>[vector<16xi32>], vector<16xi32>,
            %broadcast_in_dim3A_153 = vector.broadcast %while3A_133 : i32 to vector<16xi32>
            %gather3A_154 = tpu.vector_load_idx %arg15[%broadcast_in_dim3A_153] : memref<17424xi32, #tpu.memory_space<vmem>>[vector<16xi32>], vector<16xi32>,
            %while3A_155 = arith.constant 0 : i32
            %while3A_156 = arith.constant 0 : i32
            %while3A_157 = arith.subi %select_n3A, %while3A_155 : i32
            %while3A_158 = arith.addi %while3A_155, %while3A_157 : i32
            %while3A_159 = arith.constant 1 : i32
            %while3A_160 = arith.divsi %while3A_157, %while3A_159 : i32
            %while3A_161 = arith.muli %while3A_160, %while3A_159 : i32
            %while3A_162 = arith.addi %while3A_155, %while3A_161 : i32
            %while3A_163 = arith.constant 1 : i32
            %while3A_164 = scf.for %while3A_173 = %while3A_155 to %while3A_162 step %while3A_163 iter_args(%while3A_174 = %while3A_156) -> (i32)  : i32 {
              %mul3A_175 = arith.constant 16 : i32
              %mul3A_176 = arith.muli %mul3A_175, %while3A_173 : i32
              %get3A = arith.index_cast %mul3A_176 : i32 to index
              %get3A_177 = tpu.vector_load %arg13[%get3A] {strides = array<i32>} : memref<17424xi32, #tpu.memory_space<vmem>>, vector<16xi32>,
              %get3A_178 = arith.index_cast %mul3A_176 : i32 to index
              %get3A_179 = tpu.vector_load %arg14[%get3A_178] {strides = array<i32>} : memref<17424xi32, #tpu.memory_space<vmem>>, vector<16xi32>,
              %get3A_180 = arith.index_cast %mul3A_176 : i32 to index
              %get3A_181 = tpu.vector_load %arg15[%get3A_180] {strides = array<i32>} : memref<17424xi32, #tpu.memory_space<vmem>>, vector<16xi32>,
              %lt3A_182 = arith.cmpi slt, %get3A_177, %gather3A_152 : vector<16xi32>
              %eq3A_183 = arith.cmpi eq, %get3A_177, %gather3A_152 : vector<16xi32>
              %lt3A_184 = arith.cmpi slt, %get3A_181, %gather3A_154 : vector<16xi32>
              %and3A_185 = arith.andi %eq3A_183, %lt3A_184 : vector<16xi1>
              %or3A = arith.ori %lt3A_182, %and3A_185 : vector<16xi1>
              %eq3A_186 = arith.cmpi eq, %get3A_179, %gather3A : vector<16xi32>
              %and3A_187 = arith.andi %eq3A_186, %or3A : vector<16xi1>
              %jit3A_188 = arith.constant 1 : i32
              %jit3A_189 = arith.constant 0 : i32
              %broadcast_in_dim3A_190 = vector.broadcast %jit3A_188 : i32 to vector<16xi32>
              %broadcast_in_dim3A_191 = vector.broadcast %jit3A_189 : i32 to vector<16xi32>
              %select_n3A_192 = arith.select %and3A_187, %broadcast_in_dim3A_190, %broadcast_in_dim3A_191 : vector<16xi1>, vector<16xi32>
              %reduce_sum3A = arith.constant true
              %reduce_sum3A_193 = vector.broadcast %reduce_sum3A : i1 to vector<16xi1>
              %reduce_sum3A_194 = tpu.scan <sum>, %select_n3A_192 masked %reduce_sum3A_193 : vector<16xi32>, vector<16xi1> -> vector<16xi32>
              %reduce_sum3A_195 = vector.extract %reduce_sum3A_194[15] : i32 from vector<16xi32>
              %add3A_196 = arith.addi %while3A_174, %reduce_sum3A_195 : i32
              scf.yield %add3A_196 : i32
            }
            %while3A_165 = arith.constant 1 : i32
            %while3A_166 = scf.for %while3A_173 = %while3A_162 to %while3A_158 step %while3A_165 iter_args(%while3A_174 = %while3A_164) -> (i32)  : i32 {
              %mul3A_175 = arith.constant 16 : i32
              %mul3A_176 = arith.muli %mul3A_175, %while3A_173 : i32
              %get3A = arith.index_cast %mul3A_176 : i32 to index
              %get3A_177 = tpu.vector_load %arg13[%get3A] {strides = array<i32>} : memref<17424xi32, #tpu.memory_space<vmem>>, vector<16xi32>,
              %get3A_178 = arith.index_cast %mul3A_176 : i32 to index
              %get3A_179 = tpu.vector_load %arg14[%get3A_178] {strides = array<i32>} : memref<17424xi32, #tpu.memory_space<vmem>>, vector<16xi32>,
              %get3A_180 = arith.index_cast %mul3A_176 : i32 to index
              %get3A_181 = tpu.vector_load %arg15[%get3A_180] {strides = array<i32>} : memref<17424xi32, #tpu.memory_space<vmem>>, vector<16xi32>,
              %lt3A_182 = arith.cmpi slt, %get3A_177, %gather3A_152 : vector<16xi32>
              %eq3A_183 = arith.cmpi eq, %get3A_177, %gather3A_152 : vector<16xi32>
              %lt3A_184 = arith.cmpi slt, %get3A_181, %gather3A_154 : vector<16xi32>
              %and3A_185 = arith.andi %eq3A_183, %lt3A_184 : vector<16xi1>
              %or3A = arith.ori %lt3A_182, %and3A_185 : vector<16xi1>
              %eq3A_186 = arith.cmpi eq, %get3A_179, %gather3A : vector<16xi32>
              %and3A_187 = arith.andi %eq3A_186, %or3A : vector<16xi1>
              %jit3A_188 = arith.constant 1 : i32
              %jit3A_189 = arith.constant 0 : i32
              %broadcast_in_dim3A_190 = vector.broadcast %jit3A_188 : i32 to vector<16xi32>
              %broadcast_in_dim3A_191 = vector.broadcast %jit3A_189 : i32 to vector<16xi32>
              %select_n3A_192 = arith.select %and3A_187, %broadcast_in_dim3A_190, %broadcast_in_dim3A_191 : vector<16xi1>, vector<16xi32>
              %reduce_sum3A = arith.constant true
              %reduce_sum3A_193 = vector.broadcast %reduce_sum3A : i1 to vector<16xi1>
              %reduce_sum3A_194 = tpu.scan <sum>, %select_n3A_192 masked %reduce_sum3A_193 : vector<16xi32>, vector<16xi1> -> vector<16xi32>
              %reduce_sum3A_195 = vector.extract %reduce_sum3A_194[15] : i32 from vector<16xi32>
              %add3A_196 = arith.addi %while3A_174, %reduce_sum3A_195 : i32
              scf.yield %add3A_196 : i32
            }
            %lt3A_167 = arith.constant 100 : i32
            %lt3A_168 = arith.cmpi slt, %while3A_166, %lt3A_167 : i32
            %convert_element_type3A_169 = arith.extui %lt3A_168 : i1 to i32
            %cond3A_170 = arith.constant 0 : i32
            %cond3A_171 = arith.cmpi ne, %convert_element_type3A_169, %cond3A_170 : i32
            %cond3A_172 = scf.if %cond3A_171 -> (i32) {
              %eq3A_173 = arith.constant 0 : i32
              %eq3A_174 = vector.broadcast %eq3A_173 : i32 to vector<16xi32>
              %eq3A_175 = arith.cmpi eq, %iota3A, %eq3A_174 : vector<16xi32>
              %swap3A_176 = arith.index_cast %while3A_134 : i32 to index
              %swap3A_177 = tpu.vector_load %arg18[%swap3A_176] masked %eq3A_175 {strides = array<i32>} : memref<128xi32, #tpu.memory_space<vmem>>, vector<16xi32>, vector<16xi1>
              tpu.vector_store %arg18[%swap3A_176], %gather3A_154 masked %eq3A_175 {strides = array<i32>} : memref<128xi32, #tpu.memory_space<vmem>>, vector<16xi32>, vector<16xi1>
              %add3A_178 = arith.constant 1 : i32
              %add3A_179 = arith.addi %while3A_134, %add3A_178 : i32
              scf.yield %add3A_179 : i32
            } else {
              scf.yield %while3A_134 : i32
            }
            scf.yield %cond3A_172 : i32
          } else {
            scf.yield %while3A_134 : i32
          }
          scf.yield %cond3A_150 : i32
        }
        %while3A_128 = arith.constant 1 : i32
        %while3A_129 = scf.for %while3A_133 = %while3A_125 to %while3A_121 step %while3A_128 iter_args(%while3A_134 = %while3A_127) -> (i32)  : i32 {
          %broadcast_in_dim3A_135 = vector.broadcast %while3A_133 : i32 to vector<16xi32>
          %gather3A_136 = tpu.vector_load_idx %arg14[%broadcast_in_dim3A_135] : memref<17424xi32, #tpu.memory_space<vmem>>[vector<16xi32>], vector<16xi32>,
          %eq3A = arith.cmpi eq, %gather3A_136, %gather3A : vector<16xi32>
          %reduce_and3A = arith.constant 1.000000e+00 : f32
          %reduce_and3A_137 = arith.constant 0.000000e+00 : f32
          %reduce_and3A_138 = vector.broadcast %reduce_and3A : f32 to vector<16xf32>
          %reduce_and3A_139 = vector.broadcast %reduce_and3A_137 : f32 to vector<16xf32>
          %reduce_and3A_140 = arith.select %eq3A, %reduce_and3A_138, %reduce_and3A_139 : vector<16xi1>, vector<16xf32>
          %reduce_and3A_141 = arith.constant true
          %reduce_and3A_142 = vector.broadcast %reduce_and3A_141 : i1 to vector<16xi1>
          %reduce_and3A_143 = tpu.scan <min>, %reduce_and3A_140 masked %reduce_and3A_142 : vector<16xf32>, vector<16xi1> -> vector<16xf32>
          %reduce_and3A_144 = vector.extract %reduce_and3A_143[15] : f32 from vector<16xf32>
          %reduce_and3A_145 = arith.constant 0.000000e+00 : f32
          %reduce_and3A_146 = arith.cmpf ogt, %reduce_and3A_144, %reduce_and3A_145 : f32
          %convert_element_type3A_147 = arith.extui %reduce_and3A_146 : i1 to i32
          %cond3A_148 = arith.constant 0 : i32
          %cond3A_149 = arith.cmpi ne, %convert_element_type3A_147, %cond3A_148 : i32
          %cond3A_150 = scf.if %cond3A_149 -> (i32) {
            %broadcast_in_dim3A_151 = vector.broadcast %while3A_133 : i32 to vector<16xi32>
            %gather3A_152 = tpu.vector_load_idx %arg13[%broadcast_in_dim3A_151] : memref<17424xi32, #tpu.memory_space<vmem>>[vector<16xi32>], vector<16xi32>,
            %broadcast_in_dim3A_153 = vector.broadcast %while3A_133 : i32 to vector<16xi32>
            %gather3A_154 = tpu.vector_load_idx %arg15[%broadcast_in_dim3A_153] : memref<17424xi32, #tpu.memory_space<vmem>>[vector<16xi32>], vector<16xi32>,
            %while3A_155 = arith.constant 0 : i32
            %while3A_156 = arith.constant 0 : i32
            %while3A_157 = arith.subi %select_n3A, %while3A_155 : i32
            %while3A_158 = arith.addi %while3A_155, %while3A_157 : i32
            %while3A_159 = arith.constant 1 : i32
            %while3A_160 = arith.divsi %while3A_157, %while3A_159 : i32
            %while3A_161 = arith.muli %while3A_160, %while3A_159 : i32
            %while3A_162 = arith.addi %while3A_155, %while3A_161 : i32
            %while3A_163 = arith.constant 1 : i32
            %while3A_164 = scf.for %while3A_173 = %while3A_155 to %while3A_162 step %while3A_163 iter_args(%while3A_174 = %while3A_156) -> (i32)  : i32 {
              %mul3A_175 = arith.constant 16 : i32
              %mul3A_176 = arith.muli %mul3A_175, %while3A_173 : i32
              %get3A = arith.index_cast %mul3A_176 : i32 to index
              %get3A_177 = tpu.vector_load %arg13[%get3A] {strides = array<i32>} : memref<17424xi32, #tpu.memory_space<vmem>>, vector<16xi32>,
              %get3A_178 = arith.index_cast %mul3A_176 : i32 to index
              %get3A_179 = tpu.vector_load %arg14[%get3A_178] {strides = array<i32>} : memref<17424xi32, #tpu.memory_space<vmem>>, vector<16xi32>,
              %get3A_180 = arith.index_cast %mul3A_176 : i32 to index
              %get3A_181 = tpu.vector_load %arg15[%get3A_180] {strides = array<i32>} : memref<17424xi32, #tpu.memory_space<vmem>>, vector<16xi32>,
              %lt3A_182 = arith.cmpi slt, %get3A_177, %gather3A_152 : vector<16xi32>
              %eq3A_183 = arith.cmpi eq, %get3A_177, %gather3A_152 : vector<16xi32>
              %lt3A_184 = arith.cmpi slt, %get3A_181, %gather3A_154 : vector<16xi32>
              %and3A_185 = arith.andi %eq3A_183, %lt3A_184 : vector<16xi1>
              %or3A = arith.ori %lt3A_182, %and3A_185 : vector<16xi1>
              %eq3A_186 = arith.cmpi eq, %get3A_179, %gather3A : vector<16xi32>
              %and3A_187 = arith.andi %eq3A_186, %or3A : vector<16xi1>
              %jit3A_188 = arith.constant 1 : i32
              %jit3A_189 = arith.constant 0 : i32
              %broadcast_in_dim3A_190 = vector.broadcast %jit3A_188 : i32 to vector<16xi32>
              %broadcast_in_dim3A_191 = vector.broadcast %jit3A_189 : i32 to vector<16xi32>
              %select_n3A_192 = arith.select %and3A_187, %broadcast_in_dim3A_190, %broadcast_in_dim3A_191 : vector<16xi1>, vector<16xi32>
              %reduce_sum3A = arith.constant true
              %reduce_sum3A_193 = vector.broadcast %reduce_sum3A : i1 to vector<16xi1>
              %reduce_sum3A_194 = tpu.scan <sum>, %select_n3A_192 masked %reduce_sum3A_193 : vector<16xi32>, vector<16xi1> -> vector<16xi32>
              %reduce_sum3A_195 = vector.extract %reduce_sum3A_194[15] : i32 from vector<16xi32>
              %add3A_196 = arith.addi %while3A_174, %reduce_sum3A_195 : i32
              scf.yield %add3A_196 : i32
            }
            %while3A_165 = arith.constant 1 : i32
            %while3A_166 = scf.for %while3A_173 = %while3A_162 to %while3A_158 step %while3A_165 iter_args(%while3A_174 = %while3A_164) -> (i32)  : i32 {
              %mul3A_175 = arith.constant 16 : i32
              %mul3A_176 = arith.muli %mul3A_175, %while3A_173 : i32
              %get3A = arith.index_cast %mul3A_176 : i32 to index
              %get3A_177 = tpu.vector_load %arg13[%get3A] {strides = array<i32>} : memref<17424xi32, #tpu.memory_space<vmem>>, vector<16xi32>,
              %get3A_178 = arith.index_cast %mul3A_176 : i32 to index
              %get3A_179 = tpu.vector_load %arg14[%get3A_178] {strides = array<i32>} : memref<17424xi32, #tpu.memory_space<vmem>>, vector<16xi32>,
              %get3A_180 = arith.index_cast %mul3A_176 : i32 to index
              %get3A_181 = tpu.vector_load %arg15[%get3A_180] {strides = array<i32>} : memref<17424xi32, #tpu.memory_space<vmem>>, vector<16xi32>,
              %lt3A_182 = arith.cmpi slt, %get3A_177, %gather3A_152 : vector<16xi32>
              %eq3A_183 = arith.cmpi eq, %get3A_177, %gather3A_152 : vector<16xi32>
              %lt3A_184 = arith.cmpi slt, %get3A_181, %gather3A_154 : vector<16xi32>
              %and3A_185 = arith.andi %eq3A_183, %lt3A_184 : vector<16xi1>
              %or3A = arith.ori %lt3A_182, %and3A_185 : vector<16xi1>
              %eq3A_186 = arith.cmpi eq, %get3A_179, %gather3A : vector<16xi32>
              %and3A_187 = arith.andi %eq3A_186, %or3A : vector<16xi1>
              %jit3A_188 = arith.constant 1 : i32
              %jit3A_189 = arith.constant 0 : i32
              %broadcast_in_dim3A_190 = vector.broadcast %jit3A_188 : i32 to vector<16xi32>
              %broadcast_in_dim3A_191 = vector.broadcast %jit3A_189 : i32 to vector<16xi32>
              %select_n3A_192 = arith.select %and3A_187, %broadcast_in_dim3A_190, %broadcast_in_dim3A_191 : vector<16xi1>, vector<16xi32>
              %reduce_sum3A = arith.constant true
              %reduce_sum3A_193 = vector.broadcast %reduce_sum3A : i1 to vector<16xi1>
              %reduce_sum3A_194 = tpu.scan <sum>, %select_n3A_192 masked %reduce_sum3A_193 : vector<16xi32>, vector<16xi1> -> vector<16xi32>
              %reduce_sum3A_195 = vector.extract %reduce_sum3A_194[15] : i32 from vector<16xi32>
              %add3A_196 = arith.addi %while3A_174, %reduce_sum3A_195 : i32
              scf.yield %add3A_196 : i32
            }
            %lt3A_167 = arith.constant 100 : i32
            %lt3A_168 = arith.cmpi slt, %while3A_166, %lt3A_167 : i32
            %convert_element_type3A_169 = arith.extui %lt3A_168 : i1 to i32
            %cond3A_170 = arith.constant 0 : i32
            %cond3A_171 = arith.cmpi ne, %convert_element_type3A_169, %cond3A_170 : i32
            %cond3A_172 = scf.if %cond3A_171 -> (i32) {
              %eq3A_173 = arith.constant 0 : i32
              %eq3A_174 = vector.broadcast %eq3A_173 : i32 to vector<16xi32>
              %eq3A_175 = arith.cmpi eq, %iota3A, %eq3A_174 : vector<16xi32>
              %swap3A_176 = arith.index_cast %while3A_134 : i32 to index
              %swap3A_177 = tpu.vector_load %arg18[%swap3A_176] masked %eq3A_175 {strides = array<i32>} : memref<128xi32, #tpu.memory_space<vmem>>, vector<16xi32>, vector<16xi1>
              tpu.vector_store %arg18[%swap3A_176], %gather3A_154 masked %eq3A_175 {strides = array<i32>} : memref<128xi32, #tpu.memory_space<vmem>>, vector<16xi32>, vector<16xi1>
              %add3A_178 = arith.constant 1 : i32
              %add3A_179 = arith.addi %while3A_134, %add3A_178 : i32
              scf.yield %add3A_179 : i32
            } else {
              scf.yield %while3A_134 : i32
            }
            scf.yield %cond3A_172 : i32
          } else {
            scf.yield %while3A_134 : i32
          }
          scf.yield %cond3A_150 : i32
        }
        %dma_start3A = arith.constant 0 : i32
        %dma_start3A_130 = tpu.memref_slice %arg4[%dma_start3A] : memref<17408xf32, #tpu.memory_space<hbm>> -> memref<17408xf32, #tpu.memory_space<hbm>>
        tpu.enqueue_indirect_dma source(%arg19 : memref<128xf32, #tpu.memory_space<vmem>>) target(%dma_start3A_130 : memref<17408xf32, #tpu.memory_space<hbm>>) offsets(%arg18 : memref<128xi32, #tpu.memory_space<vmem>>) semaphore(%arg20 : memref<!tpu.dma_semaphore, #tpu.memory_space<semaphore_mem>>)
        %dma_wait3A = arith.constant 0 : i32
        %dma_wait3A_131 = tpu.memref_slice %arg4[%dma_wait3A] : memref<17408xf32, #tpu.memory_space<hbm>> -> memref<17408xf32, #tpu.memory_space<hbm>>
        tpu.wait_indirect_dma semaphore(%arg20 : memref<!tpu.dma_semaphore, #tpu.memory_space<semaphore_mem>>) src(%arg19 : memref<128xf32, #tpu.memory_space<vmem>>) dst(%dma_wait3A_131 : memref<17408xf32, #tpu.memory_space<hbm>>)
        %while3A_132 = arith.constant 0 : i32
        scf.yield %while3A_132 : i32
      }
    } else {
    }
    return
  }
}

module attributes {stable_mosaic.version = 14 : i64} {
  func.func @_k34_body(%arg0: i32, %arg1: memref<512x128xf32, #tpu.memory_space<vmem>>, %arg2: memref<512x128xf32, #tpu.memory_space<vmem>>, %arg3: memref<2048x128xf32, #tpu.memory_space<vmem>>, %arg4: memref<1x1x512xi32, #tpu.memory_space<vmem>>, %arg5: memref<1x1x512xf32, #tpu.memory_space<vmem>>, %arg6: memref<1x1x512xf32, #tpu.memory_space<vmem>>, %arg7: memref<2048x1000xf32, #tpu.memory_space<vmem>>, %arg8: memref<128x1024xf32, #tpu.memory_space<vmem>>) attributes {dimension_semantics = [#tpu.dimension_semantics<arbitrary>], iteration_bounds = array<i64: 42>, scalar_prefetch = 0 : i64, scratch_operands = 1 : i64, tpu.core_type = #tpu.core_type<tc>, window_params = [{transform_indices = @transform_0, window_bounds = array<i64: 512, 128>}, {transform_indices = @transform_1, window_bounds = array<i64: 512, 128>}, {transform_indices = @transform_2, window_bounds = array<i64: 2048, 128>}, {transform_indices = @transform_3, window_bounds = array<i64: 1, 1, 512>}, {transform_indices = @transform_4, window_bounds = array<i64: 1, 1, 512>}, {transform_indices = @transform_5, window_bounds = array<i64: 1, 1, 512>}, {transform_indices = @transform_6, window_bounds = array<i64: 2048, 1000>}]} {
    %eq3A = arith.constant 0 : i32
    %eq3A_0 = arith.cmpi eq, %arg0, %eq3A : i32
    %convert_element_type3A = arith.extui %eq3A_0 : i1 to i32
    %cond3A = arith.constant 0 : i32
    %cond3A_1 = arith.cmpi ne, %convert_element_type3A, %cond3A : i32
    scf.if %cond3A_1 {
      %broadcast_in_dim3A = arith.constant 0.000000e+00 : f32
      %broadcast_in_dim3A_15 = vector.broadcast %broadcast_in_dim3A : f32 to vector<128x1024xf32>
      %swap3A = arith.constant 0 : index
      %swap3A_16 = arith.constant 0 : index
      %swap3A_17 = vector.load %arg8[%swap3A, %swap3A_16] : memref<128x1024xf32, #tpu.memory_space<vmem>>, vector<128x1024xf32>
      tpu.vector_store %arg8[%swap3A, %swap3A_16], %broadcast_in_dim3A_15 {strides = array<i32>} : memref<128x1024xf32, #tpu.memory_space<vmem>>, vector<128x1024xf32>,
    } else {
    }
    %lt3A = arith.constant 34 : i32
    %lt3A_2 = arith.cmpi slt, %arg0, %lt3A : i32
    %convert_element_type3A_3 = arith.extui %lt3A_2 : i1 to i32
    %cond3A_4 = arith.constant 0 : i32
    %cond3A_5 = arith.cmpi ne, %convert_element_type3A_3, %cond3A_4 : i32
    scf.if %cond3A_5 {
      %lt3A_15 = arith.constant 2 : i32
      %lt3A_16 = arith.cmpi slt, %arg0, %lt3A_15 : i32
      %get3A = arith.constant 0 : index
      %get3A_17 = arith.constant 0 : index
      %get3A_18 = vector.load %arg1[%get3A, %get3A_17] : memref<512x128xf32, #tpu.memory_space<vmem>>, vector<512x128xf32>
      %get3A_19 = arith.constant 0 : index
      %get3A_20 = arith.constant 0 : index
      %get3A_21 = vector.load %arg2[%get3A_19, %get3A_20] : memref<512x128xf32, #tpu.memory_space<vmem>>, vector<512x128xf32>
      %select_n3A = arith.select %lt3A_16, %get3A_18, %get3A_21 : vector<512x128xf32>
      %get3A_22 = arith.constant 0 : index
      %get3A_23 = arith.constant 0 : index
      %get3A_24 = arith.constant 0 : index
      %get3A_25 = vector.load %arg4[%get3A_22, %get3A_23, %get3A_24] : memref<1x1x512xi32, #tpu.memory_space<vmem>>, vector<1x1x512xi32>
      %get3A_26 = vector.shape_cast %get3A_25 : vector<1x1x512xi32> to vector<512xi32>
      %get3A_27 = arith.constant 0 : index
      %get3A_28 = arith.constant 0 : index
      %get3A_29 = arith.constant 0 : index
      %get3A_30 = vector.load %arg5[%get3A_27, %get3A_28, %get3A_29] : memref<1x1x512xf32, #tpu.memory_space<vmem>>, vector<1x1x512xf32>
      %get3A_31 = vector.shape_cast %get3A_30 : vector<1x1x512xf32> to vector<512xf32>
      %get3A_32 = arith.constant 0 : index
      %get3A_33 = arith.constant 0 : index
      %get3A_34 = arith.constant 0 : index
      %get3A_35 = vector.load %arg6[%get3A_32, %get3A_33, %get3A_34] : memref<1x1x512xf32, #tpu.memory_space<vmem>>, vector<1x1x512xf32>
      %get3A_36 = vector.shape_cast %get3A_35 : vector<1x1x512xf32> to vector<512xf32>
      %mul3A = arith.mulf %get3A_31, %get3A_36 : vector<512xf32>
      %iota3A = tpu.iota {dimensions = array<i32: 1>} : vector<512x1024xi32>
      %broadcast_in_dim3A = vector.shape_cast %get3A_26 : vector<512xi32> to vector<512x1xi32>
      %eq3A_37 = vector.broadcast %broadcast_in_dim3A : vector<512x1xi32> to vector<512x1024xi32>
      %eq3A_38 = arith.cmpi eq, %eq3A_37, %iota3A : vector<512x1024xi32>
      %broadcast_in_dim3A_39 = vector.shape_cast %mul3A : vector<512xf32> to vector<512x1xf32>
      %jit3A = arith.constant 0.000000e+00 : f32
      %broadcast_in_dim3A_40 = vector.shape_cast %broadcast_in_dim3A_39 : vector<512x1xf32> to vector<512x1xf32>
      %broadcast_in_dim3A_41 = vector.broadcast %broadcast_in_dim3A_40 : vector<512x1xf32> to vector<512x1024xf32>
      %broadcast_in_dim3A_42 = vector.broadcast %jit3A : f32 to vector<512x1024xf32>
      %select_n3A_43 = arith.select %eq3A_38, %broadcast_in_dim3A_41, %broadcast_in_dim3A_42 : vector<512x1024xi1>, vector<512x1024xf32>
      %get3A_44 = arith.constant 0 : index
      %get3A_45 = arith.constant 0 : index
      %get3A_46 = vector.load %arg8[%get3A_44, %get3A_45] : memref<128x1024xf32, #tpu.memory_space<vmem>>, vector<128x1024xf32>
      %convert_element_type3A_47 = arith.truncf %select_n3A : vector<512x128xf32> to vector<512x128xbf16>
      %convert_element_type3A_48 = arith.truncf %select_n3A_43 : vector<512x1024xf32> to vector<512x1024xbf16>
      %dot_general3A = arith.constant dense<0.000000e+00> : vector<128x1024xf32>
      %dot_general3A_49 = tpu.matmul %convert_element_type3A_47, %convert_element_type3A_48, %dot_general3A {dimension_numbers = #tpu.dot_dimension_numbers<[0], [0], [1], [1], [0, 1, 1, 1], [], []>, transpose_lhs_hint = false} : vector<512x128xbf16>, vector<512x1024xbf16>, vector<128x1024xf32> -> vector<128x1024xf32>
      %add3A = arith.addf %get3A_46, %dot_general3A_49 : vector<128x1024xf32>
      %swap3A = arith.constant 0 : index
      %swap3A_50 = arith.constant 0 : index
      %swap3A_51 = vector.load %arg8[%swap3A, %swap3A_50] : memref<128x1024xf32, #tpu.memory_space<vmem>>, vector<128x1024xf32>
      tpu.vector_store %arg8[%swap3A, %swap3A_50], %add3A {strides = array<i32>} : memref<128x1024xf32, #tpu.memory_space<vmem>>, vector<128x1024xf32>,
    } else {
    }
    %eq3A_6 = arith.constant 33 : i32
    %eq3A_7 = arith.cmpi eq, %arg0, %eq3A_6 : i32
    %convert_element_type3A_8 = arith.extui %eq3A_7 : i1 to i32
    %cond3A_9 = arith.constant 0 : i32
    %cond3A_10 = arith.cmpi ne, %convert_element_type3A_8, %cond3A_9 : i32
    scf.if %cond3A_10 {
      %get3A = arith.constant 0 : index
      %get3A_15 = arith.constant 0 : index
      %get3A_16 = vector.load %arg8[%get3A, %get3A_15] : memref<128x1024xf32, #tpu.memory_space<vmem>>, vector<128x1024xf32>
      %mul3A = arith.mulf %get3A_16, %get3A_16 : vector<128x1024xf32>
      %reduce_sum3A = arith.constant dense<0.000000e+00> : vector<1024xf32>
      %reduce_sum3A_17 = vector.multi_reduction <add>, %mul3A, %reduce_sum3A [0] : vector<128x1024xf32> to vector<1024xf32>
      %broadcast_in_dim3A = vector.shape_cast %reduce_sum3A_17 : vector<1024xf32> to vector<1x1024xf32>
      %sqrt3A = math.sqrt %broadcast_in_dim3A : vector<1x1024xf32>
      %max3A = arith.constant 9.99999996E-13 : f32
      %max3A_18 = vector.broadcast %max3A : f32 to vector<1x1024xf32>
      %max3A_19 = arith.maximumf %sqrt3A, %max3A_18 : vector<1x1024xf32>
      %div3A = vector.broadcast %max3A_19 : vector<1x1024xf32> to vector<128x1024xf32>
      %div3A_20 = arith.divf %get3A_16, %div3A : vector<128x1024xf32>
      %swap3A = arith.constant 0 : index
      %swap3A_21 = arith.constant 0 : index
      %swap3A_22 = vector.load %arg8[%swap3A, %swap3A_21] : memref<128x1024xf32, #tpu.memory_space<vmem>>, vector<128x1024xf32>
      tpu.vector_store %arg8[%swap3A, %swap3A_21], %div3A_20 {strides = array<i32>} : memref<128x1024xf32, #tpu.memory_space<vmem>>, vector<128x1024xf32>,
    } else {
    }
    %ge3A = arith.constant 34 : i32
    %ge3A_11 = arith.cmpi sge, %arg0, %ge3A : i32
    %convert_element_type3A_12 = arith.extui %ge3A_11 : i1 to i32
    %cond3A_13 = arith.constant 0 : i32
    %cond3A_14 = arith.cmpi ne, %convert_element_type3A_12, %cond3A_13 : i32
    scf.if %cond3A_14 {
      %get3A = arith.constant 0 : index
      %get3A_15 = arith.constant 0 : index
      %get3A_16 = vector.load %arg3[%get3A, %get3A_15] : memref<2048x128xf32, #tpu.memory_space<vmem>>, vector<2048x128xf32>
      %convert_element_type3A_17 = arith.truncf %get3A_16 : vector<2048x128xf32> to vector<2048x128xbf16>
      %get3A_18 = arith.constant 0 : index
      %get3A_19 = arith.constant 0 : index
      %get3A_20 = vector.load %arg8[%get3A_18, %get3A_19] : memref<128x1024xf32, #tpu.memory_space<vmem>>, vector<128x1024xf32>
      %slice3A = vector.extract_strided_slice %get3A_20 {offsets = [0, 0], sizes = [128, 1000], strides = [1, 1]} : vector<128x1024xf32> to vector<128x1000xf32>
      %convert_element_type3A_21 = arith.truncf %slice3A : vector<128x1000xf32> to vector<128x1000xbf16>
      %dot_general3A = arith.constant dense<0.000000e+00> : vector<2048x1000xf32>
      %dot_general3A_22 = tpu.matmul %convert_element_type3A_17, %convert_element_type3A_21, %dot_general3A {dimension_numbers = #tpu.dot_dimension_numbers<[1], [0], [0], [1], [0, 0, 1, 1], [], []>, transpose_lhs_hint = false} : vector<2048x128xbf16>, vector<128x1000xbf16>, vector<2048x1000xf32> -> vector<2048x1000xf32>
      %swap3A = arith.constant 0 : index
      %swap3A_23 = arith.constant 0 : index
      %swap3A_24 = vector.load %arg7[%swap3A, %swap3A_23] : memref<2048x1000xf32, #tpu.memory_space<vmem>>, vector<2048x1000xf32>
      tpu.vector_store %arg7[%swap3A, %swap3A_23], %dot_general3A_22 {strides = array<i32>} : memref<2048x1000xf32, #tpu.memory_space<vmem>>, vector<2048x1000xf32>,
    } else {
    }
    return
  }
  func.func @transform_0(%arg0: i32) -> (i32, i32) {
    %min3A = arith.constant 1 : i32
    %min3A_0 = arith.minsi %arg0, %min3A : i32
    %c0_i32 = arith.constant 0 : i32
    %c0_i32_1 = arith.constant 0 : i32
    return %min3A_0, %c0_i32 : i32, i32
  }
  func.func @transform_1(%arg0: i32) -> (i32, i32) {
    %sub3A = arith.constant 2 : i32
    %sub3A_0 = arith.subi %arg0, %sub3A : i32
    %max3A = arith.constant 0 : i32
    %max3A_1 = arith.maxsi %sub3A_0, %max3A : i32
    %min3A = arith.constant 31 : i32
    %min3A_2 = arith.minsi %max3A_1, %min3A : i32
    %c0_i32 = arith.constant 0 : i32
    %c0_i32_3 = arith.constant 0 : i32
    return %min3A_2, %c0_i32 : i32, i32
  }
  func.func @transform_2(%arg0: i32) -> (i32, i32) {
    %sub3A = arith.constant 34 : i32
    %sub3A_0 = arith.subi %arg0, %sub3A : i32
    %max3A = arith.constant 0 : i32
    %max3A_1 = arith.maxsi %sub3A_0, %max3A : i32
    %c0_i32 = arith.constant 0 : i32
    %c0_i32_2 = arith.constant 0 : i32
    return %max3A_1, %c0_i32 : i32, i32
  }
  func.func @transform_3(%arg0: i32) -> (i32, i32, i32) {
    %min3A = arith.constant 33 : i32
    %min3A_0 = arith.minsi %arg0, %min3A : i32
    %c0_i32 = arith.constant 0 : i32
    %c0_i32_1 = arith.constant 0 : i32
    %c0_i32_2 = arith.constant 0 : i32
    return %min3A_0, %c0_i32, %c0_i32_1 : i32, i32, i32
  }
  func.func @transform_4(%arg0: i32) -> (i32, i32, i32) {
    %min3A = arith.constant 33 : i32
    %min3A_0 = arith.minsi %arg0, %min3A : i32
    %c0_i32 = arith.constant 0 : i32
    %c0_i32_1 = arith.constant 0 : i32
    %c0_i32_2 = arith.constant 0 : i32
    return %min3A_0, %c0_i32, %c0_i32_1 : i32, i32, i32
  }
  func.func @transform_5(%arg0: i32) -> (i32, i32, i32) {
    %min3A = arith.constant 33 : i32
    %min3A_0 = arith.minsi %arg0, %min3A : i32
    %c0_i32 = arith.constant 0 : i32
    %c0_i32_1 = arith.constant 0 : i32
    %c0_i32_2 = arith.constant 0 : i32
    return %min3A_0, %c0_i32, %c0_i32_1 : i32, i32, i32
  }
  func.func @transform_6(%arg0: i32) -> (i32, i32) {
    %sub3A = arith.constant 34 : i32
    %sub3A_0 = arith.subi %arg0, %sub3A : i32
    %max3A = arith.constant 0 : i32
    %max3A_1 = arith.maxsi %sub3A_0, %max3A : i32
    %c0_i32 = arith.constant 0 : i32
    %c0_i32_2 = arith.constant 0 : i32
    return %max3A_1, %c0_i32 : i32, i32
  }
}

module attributes {stable_mosaic.version = 14 : i64} {
  func.func @_k1_body(%arg0: i32, %arg1: memref<512x128xf32, #tpu.memory_space<vmem>>, %arg2: memref<512x128xf32, #tpu.memory_space<vmem>>, %arg3: memref<128x1024xf32, #tpu.memory_space<vmem>>, %arg4: memref<1x1024xf32, #tpu.memory_space<vmem>>, %arg5: memref<1x1x512xi32, #tpu.memory_space<vmem>>, %arg6: memref<1x1x512xi32, #tpu.memory_space<vmem>>, %arg7: memref<1x1x512xf32, #tpu.memory_space<vmem>>) attributes {dimension_semantics = [#tpu.dimension_semantics<arbitrary>], iteration_bounds = array<i64: 34>, scalar_prefetch = 0 : i64, scratch_operands = 0 : i64, tpu.core_type = #tpu.core_type<tc>, window_params = [{transform_indices = @transform_0, window_bounds = array<i64: 512, 128>}, {transform_indices = @transform_1, window_bounds = array<i64: 512, 128>}, {pipeline_mode = #tpu.pipeline_mode<synchronous>, transform_indices = @transform_2, window_bounds = array<i64: 128, 1024>}, {pipeline_mode = #tpu.pipeline_mode<synchronous>, transform_indices = @transform_3, window_bounds = array<i64: 1, 1024>}, {transform_indices = @transform_4, window_bounds = array<i64: 1, 1, 512>}, {transform_indices = @transform_5, window_bounds = array<i64: 1, 1, 512>}, {transform_indices = @transform_6, window_bounds = array<i64: 1, 1, 512>}]} {
    %lt3A = arith.constant 2 : i32
    %lt3A_0 = arith.cmpi slt, %arg0, %lt3A : i32
    %get3A = arith.constant 0 : index
    %get3A_1 = arith.constant 0 : index
    %get3A_2 = vector.load %arg1[%get3A, %get3A_1] : memref<512x128xf32, #tpu.memory_space<vmem>>, vector<512x128xf32>
    %get3A_3 = arith.constant 0 : index
    %get3A_4 = arith.constant 0 : index
    %get3A_5 = vector.load %arg2[%get3A_3, %get3A_4] : memref<512x128xf32, #tpu.memory_space<vmem>>, vector<512x128xf32>
    %select_n3A = arith.select %lt3A_0, %get3A_2, %get3A_5 : vector<512x128xf32>
    %get3A_6 = arith.constant 0 : index
    %get3A_7 = arith.constant 0 : index
    %get3A_8 = vector.load %arg3[%get3A_6, %get3A_7] : memref<128x1024xf32, #tpu.memory_space<vmem>>, vector<128x1024xf32>
    %dot_general3A = arith.constant dense<0.000000e+00> : vector<512x1024xf32>
    %dot_general3A_9 = tpu.matmul %select_n3A, %get3A_8, %dot_general3A {dimension_numbers = #tpu.dot_dimension_numbers<[1], [0], [0], [1], [0, 0, 1, 1], [], []>, transpose_lhs_hint = false} : vector<512x128xf32>, vector<128x1024xf32>, vector<512x1024xf32> -> vector<512x1024xf32>
    %get3A_10 = arith.constant 0 : index
    %get3A_11 = arith.constant 0 : index
    %get3A_12 = vector.load %arg4[%get3A_10, %get3A_11] : memref<1x1024xf32, #tpu.memory_space<vmem>>, vector<1x1024xf32>
    %add3A = vector.broadcast %get3A_12 : vector<1x1024xf32> to vector<512x1024xf32>
    %add3A_13 = arith.addf %dot_general3A_9, %add3A : vector<512x1024xf32>
    %reduce_max3A = arith.constant dense<0xFF800000> : vector<512xf32>
    %reduce_max3A_14 = vector.multi_reduction <maximumf>, %add3A_13, %reduce_max3A [1] : vector<512x1024xf32> to vector<512xf32>
    %broadcast_in_dim3A = vector.shape_cast %reduce_max3A_14 : vector<512xf32> to vector<512x1xf32>
    %sub3A = vector.broadcast %broadcast_in_dim3A : vector<512x1xf32> to vector<512x1024xf32>
    %sub3A_15 = arith.subf %add3A_13, %sub3A : vector<512x1024xf32>
    %exp3A = math.exp %sub3A_15 : vector<512x1024xf32>
    %reduce_sum3A = arith.constant dense<0.000000e+00> : vector<512xf32>
    %reduce_sum3A_16 = vector.multi_reduction <add>, %exp3A, %reduce_sum3A [1] : vector<512x1024xf32> to vector<512xf32>
    %broadcast_in_dim3A_17 = vector.shape_cast %reduce_sum3A_16 : vector<512xf32> to vector<512x1xf32>
    %log3A = math.log %broadcast_in_dim3A_17 : vector<512x1xf32>
    %squeeze3A = vector.shape_cast %log3A : vector<512x1xf32> to vector<512xf32>
    %mul3A = arith.mulf %exp3A, %sub3A_15 : vector<512x1024xf32>
    %reduce_sum3A_18 = arith.constant dense<0.000000e+00> : vector<512xf32>
    %reduce_sum3A_19 = vector.multi_reduction <add>, %mul3A, %reduce_sum3A_18 [1] : vector<512x1024xf32> to vector<512xf32>
    %squeeze3A_20 = vector.shape_cast %broadcast_in_dim3A_17 : vector<512x1xf32> to vector<512xf32>
    %div3A = arith.divf %reduce_sum3A_19, %squeeze3A_20 : vector<512xf32>
    %sub3A_21 = arith.subf %squeeze3A, %div3A : vector<512xf32>
    %max3A = arith.constant 0.000000e+00 : f32
    %max3A_22 = vector.broadcast %max3A : f32 to vector<512xf32>
    %max3A_23 = arith.maximumf %sub3A_21, %max3A_22 : vector<512xf32>
    %iota3A = tpu.iota {dimensions = array<i32: 1>} : vector<512x1024xi32>
    %eq3A = vector.broadcast %broadcast_in_dim3A : vector<512x1xf32> to vector<512x1024xf32>
    %eq3A_24 = arith.cmpf oeq, %add3A_13, %eq3A : vector<512x1024xf32>
    %jit3A = arith.constant 1073741824 : i32
    %broadcast_in_dim3A_25 = vector.broadcast %jit3A : i32 to vector<512x1024xi32>
    %select_n3A_26 = arith.select %eq3A_24, %iota3A, %broadcast_in_dim3A_25 : vector<512x1024xi1>, vector<512x1024xi32>
    %reduce_min3A = arith.constant dense<2147483647> : vector<512xi32>
    %reduce_min3A_27 = vector.multi_reduction <minsi>, %select_n3A_26, %reduce_min3A [1] : vector<512x1024xi32> to vector<512xi32>
    %mul3A_28 = arith.mulf %select_n3A, %select_n3A : vector<512x128xf32>
    %reduce_sum3A_29 = arith.constant dense<0.000000e+00> : vector<512xf32>
    %reduce_sum3A_30 = vector.multi_reduction <add>, %mul3A_28, %reduce_sum3A_29 [1] : vector<512x128xf32> to vector<512xf32>
    %sqrt3A = math.sqrt %reduce_sum3A_30 : vector<512xf32>
    %max3A_31 = arith.constant 9.99999996E-13 : f32
    %max3A_32 = vector.broadcast %max3A_31 : f32 to vector<512xf32>
    %max3A_33 = arith.maximumf %sqrt3A, %max3A_32 : vector<512xf32>
    %div3A_34 = arith.constant 1.000000e+00 : f32
    %div3A_35 = vector.broadcast %div3A_34 : f32 to vector<512xf32>
    %div3A_36 = arith.divf %div3A_35, %max3A_33 : vector<512xf32>
    %mul3A_37 = arith.constant 512 : i32
    %mul3A_38 = arith.muli %arg0, %mul3A_37 : i32
    %iota3A_39 = tpu.iota {dimensions = array<i32: 1>} : vector<1x512xi32>
    %iota3A_40 = vector.shape_cast %iota3A_39 : vector<1x512xi32> to vector<512xi32>
    %add3A_41 = vector.broadcast %mul3A_38 : i32 to vector<512xi32>
    %add3A_42 = arith.addi %add3A_41, %iota3A_40 : vector<512xi32>
    %ge3A = arith.constant 1000 : i32
    %ge3A_43 = vector.broadcast %ge3A : i32 to vector<512xi32>
    %ge3A_44 = arith.cmpi sge, %add3A_42, %ge3A_43 : vector<512xi32>
    %lt3A_45 = arith.constant 1024 : i32
    %lt3A_46 = vector.broadcast %lt3A_45 : i32 to vector<512xi32>
    %lt3A_47 = arith.cmpi slt, %add3A_42, %lt3A_46 : vector<512xi32>
    %and3A = arith.andi %ge3A_44, %lt3A_47 : vector<512xi1>
    %bitcast_convert_type3A = tpu.bitcast %max3A_23 : vector<512xf32> -> vector<512xi32>
    %jit3A_48 = arith.constant 2139095039 : i32
    %broadcast_in_dim3A_49 = vector.broadcast %jit3A_48 : i32 to vector<512xi32>
    %select_n3A_50 = arith.select %and3A, %broadcast_in_dim3A_49, %bitcast_convert_type3A : vector<512xi1>, vector<512xi32>
    %swap3A = arith.constant 0 : index
    %swap3A_51 = arith.constant 0 : index
    %swap3A_52 = arith.constant 0 : index
    %swap3A_53 = vector.load %arg5[%swap3A, %swap3A_51, %swap3A_52] : memref<1x1x512xi32, #tpu.memory_space<vmem>>, vector<1x1x512xi32>
    %swap3A_54 = vector.shape_cast %swap3A_53 : vector<1x1x512xi32> to vector<512xi32>
    %swap3A_55 = vector.shape_cast %select_n3A_50 : vector<512xi32> to vector<1x1x512xi32>
    tpu.vector_store %arg5[%swap3A, %swap3A_51, %swap3A_52], %swap3A_55 {strides = array<i32>} : memref<1x1x512xi32, #tpu.memory_space<vmem>>, vector<1x1x512xi32>,
    %jit3A_56 = arith.constant 1023 : i32
    %broadcast_in_dim3A_57 = vector.broadcast %jit3A_56 : i32 to vector<512xi32>
    %select_n3A_58 = arith.select %and3A, %broadcast_in_dim3A_57, %reduce_min3A_27 : vector<512xi1>, vector<512xi32>
    %swap3A_59 = arith.constant 0 : index
    %swap3A_60 = arith.constant 0 : index
    %swap3A_61 = arith.constant 0 : index
    %swap3A_62 = vector.load %arg6[%swap3A_59, %swap3A_60, %swap3A_61] : memref<1x1x512xi32, #tpu.memory_space<vmem>>, vector<1x1x512xi32>
    %swap3A_63 = vector.shape_cast %swap3A_62 : vector<1x1x512xi32> to vector<512xi32>
    %swap3A_64 = vector.shape_cast %select_n3A_58 : vector<512xi32> to vector<1x1x512xi32>
    tpu.vector_store %arg6[%swap3A_59, %swap3A_60, %swap3A_61], %swap3A_64 {strides = array<i32>} : memref<1x1x512xi32, #tpu.memory_space<vmem>>, vector<1x1x512xi32>,
    %jit3A_65 = arith.constant 0.000000e+00 : f32
    %broadcast_in_dim3A_66 = vector.broadcast %jit3A_65 : f32 to vector<512xf32>
    %select_n3A_67 = arith.select %and3A, %broadcast_in_dim3A_66, %div3A_36 : vector<512xi1>, vector<512xf32>
    %swap3A_68 = arith.constant 0 : index
    %swap3A_69 = arith.constant 0 : index
    %swap3A_70 = arith.constant 0 : index
    %swap3A_71 = vector.load %arg7[%swap3A_68, %swap3A_69, %swap3A_70] : memref<1x1x512xf32, #tpu.memory_space<vmem>>, vector<1x1x512xf32>
    %swap3A_72 = vector.shape_cast %swap3A_71 : vector<1x1x512xf32> to vector<512xf32>
    %swap3A_73 = vector.shape_cast %select_n3A_67 : vector<512xf32> to vector<1x1x512xf32>
    tpu.vector_store %arg7[%swap3A_68, %swap3A_69, %swap3A_70], %swap3A_73 {strides = array<i32>} : memref<1x1x512xf32, #tpu.memory_space<vmem>>, vector<1x1x512xf32>,
    return
  }
  func.func @transform_0(%arg0: i32) -> (i32, i32) {
    %min3A = arith.constant 1 : i32
    %min3A_0 = arith.minsi %arg0, %min3A : i32
    %c0_i32 = arith.constant 0 : i32
    %c0_i32_1 = arith.constant 0 : i32
    return %min3A_0, %c0_i32 : i32, i32
  }
  func.func @transform_1(%arg0: i32) -> (i32, i32) {
    %sub3A = arith.constant 2 : i32
    %sub3A_0 = arith.subi %arg0, %sub3A : i32
    %max3A = arith.constant 0 : i32
    %max3A_1 = arith.maxsi %sub3A_0, %max3A : i32
    %c0_i32 = arith.constant 0 : i32
    %c0_i32_2 = arith.constant 0 : i32
    return %max3A_1, %c0_i32 : i32, i32
  }
  func.func @transform_2(%arg0: i32) -> (i32, i32) {
    %c0_i32 = arith.constant 0 : i32
    %c0_i32_0 = arith.constant 0 : i32
    %c0_i32_1 = arith.constant 0 : i32
    return %c0_i32, %c0_i32_0 : i32, i32
  }
  func.func @transform_3(%arg0: i32) -> (i32, i32) {
    %c0_i32 = arith.constant 0 : i32
    %c0_i32_0 = arith.constant 0 : i32
    %c0_i32_1 = arith.constant 0 : i32
    return %c0_i32, %c0_i32_0 : i32, i32
  }
  func.func @transform_4(%arg0: i32) -> (i32, i32, i32) {
    %c0_i32 = arith.constant 0 : i32
    %c0_i32_0 = arith.constant 0 : i32
    %c0_i32_1 = arith.constant 0 : i32
    return %arg0, %c0_i32, %c0_i32_0 : i32, i32, i32
  }
  func.func @transform_5(%arg0: i32) -> (i32, i32, i32) {
    %c0_i32 = arith.constant 0 : i32
    %c0_i32_0 = arith.constant 0 : i32
    %c0_i32_1 = arith.constant 0 : i32
    return %arg0, %c0_i32, %c0_i32_0 : i32, i32, i32
  }
  func.func @transform_6(%arg0: i32) -> (i32, i32, i32) {
    %c0_i32 = arith.constant 0 : i32
    %c0_i32_0 = arith.constant 0 : i32
    %c0_i32_1 = arith.constant 0 : i32
    return %arg0, %c0_i32, %c0_i32_0 : i32, i32, i32
  }
}

</mosaic_0001>

<sc_bundles>
// kernel: kernel.5.cloned.1.call-start
scs
__scs_entry_jumppad:
0x0: {  	(pc) =	sbr.rel $0x88, $3  }
0x1: {  	(tag) =	ssettag $0x0;
	lr =	simm.s32 $0x1  }
0x2: {  	[smem:$0x3F9E] =	sst lr;
	_ =	strace $0xD0000000  }
0x3: {  	_ = 	snop  }
0x4: {  	_ = 	snop  }
0x5: {  	_ = 	snop  }
0x6: {  	_ = 	snop  }
0x7: {  	_ = 	snop  }
__scs_overlays_trampoline_lowered:
0x8: {  	[smem:$0x3FAD] =	sst s0  }
0x9: {  	[smem:$0x3FAE] =	sst s1  }
0xa: {  	[smem:$0x3FAF] =	sst s2  }
0xb: {  	[smem:$0x3FB0] =	sst s3  }
0xc: {  	[smem:$0x3FB1] =	sst s4  }
0xd: {  	[smem:$0x3FB2] =	sst s5  }
0xe: {  	[smem:$0x3FB3] =	sst s6  }
0xf: {  	[smem:$0x3FB4] =	sst s7  }
0x10: {  	[smem:$0x3FB5] =	sst s8  }
0x11: {  	[smem:$0x3FB6] =	sst s9;
	s0 =	simm.s32 @!p0 $0x0  }
0x12: {  	s1 =	sld [smem:$0x3F9C];
	s0 =	simm.s32 @p0 $0x1  }
0x13: {  	[smem:$0x3FB7] =	sst s0;
	s0 =	simm.s32 @!p1 $0x0  }
0x14: {  	s2 =	sld [smem:$0x3F9B];
	s0 =	simm.s32 @p1 $0x1  }
0x15: {  	[smem:$0x3FB8] =	sst s0;
	s0 =	simm.s32 @!p2 $0x0  }
0x16: {  	s3 =	sld [smem:$0x3FDB];
	s0 =	simm.s32 @p2 $0x1  }
0x17: {  	s4 =	simm.s32 $0x1BF5;
	[smem:$0x3FBA] =	sst s0  }
0x18: {  	s0 =	sld [smem:$0x3F9D];
	_ =	swait.ge [sflag:s4], $0x0  }
0x19: {  	s7 =	sld [smem:$0x3F9E]  }
0x1a: {  	s8 =	sadd.s32 $0xFFFFE003, lr  }
0x1b: {  	s9 =	sadd.s32 $0xFFFFFEF7, lr;
	s5 =	simm.s32 $0xFFFFFFFF;
	p2 =	slt.u32 s8, $0xFFFFF086  }
0x1c: {  	p1 =	slt.u32 s9, $0xF7A;
	s5 =	simm.s32 @!p2 $0x0  }
0x1d: {  	s5 =	simm.s32 @p1 $0x1;
	p0 =	seq.s32 s7, s2  }
0x1e: {  	s7 =	smul.u32 @!p0 $0xF7A, s2;
	p2 =	seq.s32 @!p0 s5, $0x0  }
0x1f: {  	s9 =	smul.u32 $0xF7A, s1;
	s8 =	simm.s32 @!p0 $0x1BF5;
	p2 =	por !p2, p0  }
0x20: {  	[sflag:s8] =	ssyncset.s32 @!p0 $0xFFFFF086;
	s6 =	sadd.s32 @!p0 s3, s7;
	s7 =	simm.s32 @!p0 $0x108  }
0x21: {  	s3 =	sadd.s32 s3, s9;
	s6 =	sadd.s32 @!p0 $0x88, s6;
	s7 =	simm.s32 @p2 $0x1082  }
0x22: {  	[simem:s7], [sflag:s8] =	dma.local @!p0 [hbm:s6], $0xF7A  }
0x23: {  	s9 =	sor.u32 $0xD0000000, s2;
	s6 =	simm.s32 $0x108;
	_ =	swait.ge @!p0 [sflag:s8], $0x0  }
0x24: {  	s3 =	sadd.s32 $0x88, s3;
	s6 =	simm.s32 @!p1 $0x1082;
	[sflag:s4] =	ssyncset.s32 $0xFFFFF086  }
0x25: {  	[simem:s6], [sflag:s4] =	dma.local [hbm:s3], $0xF7A  }
0x26: {  	[smem:$0x3F9E] =	sst s1;
	(tag) =	ssettag s2;
	_ =	strace s9  }
0x27: {  	s1 =	sld [smem:$0x3FAE]  }
0x28: {  	s2 =	sld [smem:$0x3FAF]  }
0x29: {  	s4 =	sld [smem:$0x3FB1]  }
0x2a: {  	p0 =	seq.s32 s5, $0x0;
	s5 =	sld [smem:$0x3FB2]  }
0x2b: {  	s6 =	sld [smem:$0x3FB3]  }
0x2c: {  	s7 =	sld [smem:$0x3FB4]  }
0x2d: {  	s3 =	simm.s32 $0x108;
	s8 =	sld [smem:$0x3FB5]  }
0x2e: {  	s3 =	simm.s32 @!p0 $0x1082;
	s9 =	sld [smem:$0x3FB6]  }
0x2f: {  	lr =	sadd.s32 s0, s3;
	s0 =	sld [smem:$0x3FAD]  }
0x30: {  	s3 =	sld [smem:$0x3FB0]  }
0x31: {  	[smem:$0x3FB9] =	sst s10  }
0x32: {  	s10 =	sld [smem:$0x3FB7];
	_ =	sdelay $0x3  }
0x33: {  	p0 =	seq.s32 s10, $0x1;
	s10 =	sld [smem:$0x3FB9];
	_ =	sdelay $0x3  }
0x34: {  	[smem:$0x3FB9] =	sst s10  }
0x35: {  	s10 =	sld [smem:$0x3FB8];
	_ =	sdelay $0x3  }
0x36: {  	p1 =	seq.s32 s10, $0x1;
	s10 =	sld [smem:$0x3FB9];
	_ =	sdelay $0x3  }
0x37: {  	[smem:$0x3FB9] =	sst s10  }
0x38: {  	s10 =	sld [smem:$0x3FBA]  }
0x39: {  	_ = 	snop;
	(pc) =	sbr.ind lr, $3  }
0x3a: {  	_ = 	snop  }
0x3b: {  	_ = 	snop  }
0x3c: {  	p2 =	seq.s32 s10, $0x1;
	s10 =	sld [smem:$0x3FB9]  }
0x3d: {  	_ =	shalt  }
0x3e: {  	_ =	shalt  }
0x3f: {  	_ =	shalt  }
0x40: {  	_ =	shalt  }
0x41: {  	_ =	shalt  }
0x42: {  	_ =	shalt  }
0x43: {  	_ =	shalt  }
0x44: {  	_ =	shalt  }
0x45: {  	_ =	shalt  }
0x46: {  	_ =	shalt  }
0x47: {  	_ =	shalt  }
0x48: {  	_ =	shalt  }
0x49: {  	_ =	shalt  }
0x4a: {  	_ =	shalt  }
0x4b: {  	_ =	shalt  }
0x4c: {  	_ =	shalt  }
0x4d: {  	_ =	shalt  }
0x4e: {  	_ =	shalt  }
0x4f: {  	_ =	shalt  }
0x50: {  	_ =	shalt  }
0x51: {  	_ =	shalt  }
0x52: {  	_ =	shalt  }
0x53: {  	_ =	shalt  }
0x54: {  	_ =	shalt  }
0x55: {  	_ =	shalt  }
0x56: {  	_ =	shalt  }
0x57: {  	_ =	shalt  }
0x58: {  	_ =	shalt  }
0x59: {  	_ =	shalt  }
0x5a: {  	_ =	shalt  }
0x5b: {  	_ =	shalt  }
0x5c: {  	_ =	shalt  }
0x5d: {  	_ =	shalt  }
0x5e: {  	_ =	shalt  }
0x5f: {  	_ =	shalt  }
0x60: {  	_ =	shalt  }
0x61: {  	_ =	shalt  }
0x62: {  	_ =	shalt  }
0x63: {  	_ =	shalt  }
0x64: {  	_ =	shalt  }
0x65: {  	_ =	shalt  }
0x66: {  	_ =	shalt  }
0x67: {  	_ =	shalt  }
0x68: {  	_ =	shalt  }
0x69: {  	_ =	shalt  }
0x6a: {  	_ =	shalt  }
0x6b: {  	_ =	shalt  }
0x6c: {  	_ =	shalt  }
0x6d: {  	_ =	shalt  }
0x6e: {  	_ =	shalt  }
0x6f: {  	_ =	shalt  }
0x70: {  	_ =	shalt  }
0x71: {  	_ =	shalt  }
0x72: {  	_ =	shalt  }
0x73: {  	_ =	shalt  }
0x74: {  	_ =	shalt  }
0x75: {  	_ =	shalt  }
0x76: {  	_ =	shalt  }
0x77: {  	_ =	shalt  }
0x78: {  	_ =	shalt  }
0x79: {  	_ =	shalt  }
0x7a: {  	_ =	shalt  }
0x7b: {  	_ =	shalt  }
0x7c: {  	_ =	shalt  }
0x7d: {  	_ =	shalt  }
0x7e: {  	_ =	shalt  }
0x7f: {  	_ =	shalt  }
0x80: {  	_ =	shalt  }
0x81: {  	_ =	shalt  }
0x82: {  	_ =	shalt  }
0x83: {  	_ =	shalt  }
0x84: {  	_ =	shalt  }
0x85: {  	_ =	shalt  }
0x86: {  	_ =	shalt  }
0x87: {  	_ =	shalt  }
.Lfunc_end0:
.L_simem_size_0:
called_computation_lowered:
.L_overlay_start_0:
0x88: {  	s0 =	sld [smem:$0x3FD9]  }
0x89: {  	s1 =	sld [smem:$0x3FFE];
	_ =	sdelay $0x3  }
0x8a: {  	s0 =	sadd.s32 s1, s0  }
0x8b: {  	[smem:$0x3FC5] =	sst s0  }
0x8c: {  	_ = 	snop  }
0x8d: {  	s0 =	sld [smem:$0x3FD0];
	(tm) =	ssettm $0x1  }
0x8e: {  	s16 =	sld [smem:$0x3FFB];
	_ =	sdelay $0x3  }
0x8f: {  	_ =	strace s16  }
0x90: {  	s1 =	sld [smem:$0x3FFC];
	_ =	sdelay $0x3  }
0x91: {  	_ =	strace s1  }
0x92: {  	s1 =	sld [smem:$0x3FFD];
	_ =	sdelay $0x3  }
0x93: {  	_ =	strace s1  }
0x94: {  	_ =	strace $0x8FFFFFFF  }
0x95: {  	s17 =	sld [smem:$0x3FDB];
	_ =	sdelay $0x1  }
0x96: {  	s2 =	simm.s32 $_scs_section_size  }
0x97: {  	s3 =	simm.s32 $_size__tile_overlayer_lowered;
	s4 =	simm.s32 $_tile_overlayer_lowered  }
0x98: {  	s20 =	simm.s32 $0x1BFF;
	s19 =	sshll.u32 s4, $0x1;
	s1 =	sadd.s32 s2, s17  }
0x99: {  	s5 =	simm.s32 $0x0;
	s18 =	sshll.u32 s3, $0x1;
	s3 =	sadd.s32 s19, s1  }
0x9a: {  	[timem:s5], [sflag:s20] =	dma.local [hbm:s3], s18  }
0x9b: {  	_ =	swait.ge [sflag:s20], s18  }
0x9c: {  	s2 =	ssub.s32 $0x0, s18;
	[sflag:s20] =	ssyncset.done $0x0  }
0x9d: {  	[sflag:s20] =	ssyncadd.s32 s2;
	_ =	sdelay $0x1  }
0x9e: {  	s21 =	simm.s32 $0x1B8B  }
0x9f: {  	_ =	swait.ge [sflag:s21], $0x1  }
0xa0: {  	[sflag:s21] =	ssyncset.done $0x0  }
0xa1: {  	s23 =	simm.s32 $0x1B8E;
	s22 =	sld [smem:$0x3FFE];
	[sflag:s21] =	ssyncadd.s32 $0xFFFFFFFF  }
0xa2: {  	s24 =	simm.s32 $execute0_lowered;
	[smem:$0x3FD2] =	sst s23  }
0xa3: {  	s3 =	sshll.u32 s24, $0x1;
	_ =	strace $0x80000046;
	[dreg:$0x1] =	wrdreg $0xFFFFFFFF  }
0xa4: {  	s25 =	simm.s32 $_size_execute0_lowered;
	s1 =	sadd.s32 s1, s3;
	[dreg:$0x0] =	wrdreg $0x0  }
0xa5: {  	s3 =	sshll.u32 s25, $0x1;
	[dreg:$0x2] =	wrdreg s1  }
0xa6: {  	[dreg:$0x3] =	wrdreg s3  }
0xa7: {  	[dreg:$0x4] =	wrdreg $0xC0  }
0xa8: {  	_ =	task [dreg:s5], $0x5FFFF  }
0xa9: {  	[dreg:$0x1] =	wrdreg $0xFFFFFFFF  }
0xaa: {  	[dreg:$0x0] =	wrdreg $0x60  }
0xab: {  	[dreg:$0x2] =	wrdreg s22  }
0xac: {  	[dreg:$0x3] =	wrdreg s0  }
0xad: {  	[dreg:$0x4] =	wrdreg $0x15000  }
0xae: {  	[dreg:$0x5] =	wrdreg $0x19000  }
0xaf: {  	[dreg:$0x6] =	wrdreg $0x9  }
0xb0: {  	_ =	task.clear_ibuf [dreg:s5], $0x7FFFF;
	_ =	strace $0x90000046  }
0xb1: {  	s26 =	simm.s32 $0x9;
	_ =	strace $0x80000048  }
0xb2: {  	_ =	swait.ge [sflag:s26], $0x1  }
0xb3: {  	[sflag:s26] =	ssyncadd.s32 $0xFFFFFFFF  }
0xb4: {  	_ =	strace $0x90000048  }
0xb5: {  	_ =	sfence  }
0xb6: {  	s28 =	sld [smem:$0x0];
	_ =	sdelay $0x1  }
0xb7: {  	s29 =	srdreg.scid  }
0xb8: {  	s30 =	sshll.u32 s29, $0xD;
	s31 =	sshrl.u32 s29, $0x2  }
0xb9: {  	s2 =	sand.u32 $0x4000, s30;
	s1 =	sand.u32 $0x1, s29;
	s0 =	sadd.s32 s31, s28  }
0xba: {  	s1 =	sor.u32 s2, s1;
	s0 =	sshll.u32 s0, $0x11  }
0xbb: {  	s0 =	sor.u32 s0, s1  }
0xbc: {  	s0 =	sadd.s32 $0x8F2B, s0  }
0xbd: {  	[sflag:s0] =	ssyncadd.remote.s32 $0x1  }
0xbe: {  	_ =	sfence.sel $0xFFFF  }
0xbf: {  	[dreg:$0x0] =	wrdreg $0xFFFFFFFF;
	(pc) =	sbr.abs _section_cstart, $3  }
0xc0: {  	[dreg:$0x1] =	wrdreg $0xFFFFFFFF  }
0xc1: {  	_ =	task.clear_ibuf [dreg:s5], $0x2FFFF;
	_ =	strace $0x9FFFFFFF  }
0xc2: {  	(tm) =	ssettm $0x7FFFFFFF  }
0xc3: {  	_ =	shalt  }
tec
execute0_lowered:
.L_overlay_start_1:
0x0: {  	(tag) =	ssettag $0x1  }
0x1: {  	s2 =	rddreg [dreg:$0x0]  }
0x2: {  	s3 =	rddreg [dreg:$0x1]  }
0x3: {  	s10 =	rddreg [dreg:$0x2]  }
0x4: {  	s5 =	rddreg [dreg:$0x3];
	s6 =	simm.s32 $0x0  }
0x5: {  	v0 =	vimm.s32 $0x0;
	[smem:$0x7FF] =	sst s6  }
0x6: {  	s0 =	rddreg [dreg:$0x4];
	_ =	strace $0x80000047;
	[tilespmem:$0x900] =	vst v0  }
0x7: {  	[tilespmem:$0x910] =	vst v0  }
0x8: {  	[tilespmem:$0x920] =	vst v0  }
0x9: {  	[tilespmem:$0x930] =	vst v0  }
0xa: {  	[tilespmem:$0x940] =	vst v0  }
0xb: {  	[tilespmem:$0x950] =	vst v0  }
0xc: {  	[tilespmem:$0x960] =	vst v0  }
0xd: {  	[tilespmem:$0x970] =	vst v0  }
0xe: {  	[tilespmem:$0x980] =	vst v0  }
0xf: {  	[tilespmem:$0x990] =	vst v0  }
0x10: {  	[tilespmem:$0x9A0] =	vst v0  }
0x11: {  	[tilespmem:$0x9B0] =	vst v0  }
0x12: {  	[tilespmem:$0x9C0] =	vst v0  }
0x13: {  	[tilespmem:$0x9D0] =	vst v0  }
0x14: {  	[tilespmem:$0x9E0] =	vst v0  }
0x15: {  	[tilespmem:$0x9F0] =	vst v0  }
0x16: {  	[tilespmem:$0xA00] =	vst v0  }
0x17: {  	[tilespmem:$0xA10] =	vst v0  }
0x18: {  	[tilespmem:$0xA20] =	vst v0  }
0x19: {  	[tilespmem:$0xA30] =	vst v0  }
0x1a: {  	[tilespmem:$0xA40] =	vst v0  }
0x1b: {  	[tilespmem:$0xA50] =	vst v0  }
0x1c: {  	[tilespmem:$0xA60] =	vst v0  }
0x1d: {  	[tilespmem:$0xA70] =	vst v0  }
0x1e: {  	[tilespmem:$0xA80] =	vst v0  }
0x1f: {  	[tilespmem:$0xA90] =	vst v0  }
0x20: {  	[tilespmem:$0xAA0] =	vst v0  }
0x21: {  	[tilespmem:$0xAB0] =	vst v0  }
0x22: {  	[tilespmem:$0xAC0] =	vst v0  }
0x23: {  	[tilespmem:$0xAD0] =	vst v0  }
0x24: {  	[tilespmem:$0xAE0] =	vst v0  }
0x25: {  	[tilespmem:$0xAF0] =	vst v0  }
0x26: {  	[tilespmem:$0xB00] =	vst v0  }
0x27: {  	[tilespmem:$0xB10] =	vst v0  }
0x28: {  	[tilespmem:$0xB20] =	vst v0  }
0x29: {  	[tilespmem:$0xB30] =	vst v0  }
0x2a: {  	[tilespmem:$0xB40] =	vst v0  }
0x2b: {  	[tilespmem:$0xB50] =	vst v0  }
0x2c: {  	[tilespmem:$0xB60] =	vst v0  }
0x2d: {  	[tilespmem:$0xB70] =	vst v0  }
0x2e: {  	[tilespmem:$0xB80] =	vst v0  }
0x2f: {  	[tilespmem:$0xB90] =	vst v0  }
0x30: {  	[tilespmem:$0xBA0] =	vst v0  }
0x31: {  	[tilespmem:$0xBB0] =	vst v0  }
0x32: {  	[tilespmem:$0xBC0] =	vst v0  }
0x33: {  	[tilespmem:$0xBD0] =	vst v0  }
0x34: {  	[tilespmem:$0xBE0] =	vst v0  }
0x35: {  	[tilespmem:$0xBF0] =	vst v0  }
0x36: {  	[tilespmem:$0xC00] =	vst v0  }
0x37: {  	[tilespmem:$0xC10] =	vst v0  }
0x38: {  	[tilespmem:$0xC20] =	vst v0  }
0x39: {  	[tilespmem:$0xC30] =	vst v0  }
0x3a: {  	[tilespmem:$0xC40] =	vst v0  }
0x3b: {  	[tilespmem:$0xC50] =	vst v0  }
0x3c: {  	[tilespmem:$0xC60] =	vst v0  }
0x3d: {  	[tilespmem:$0xC70] =	vst v0  }
0x3e: {  	[tilespmem:$0xC80] =	vst v0  }
0x3f: {  	[tilespmem:$0xC90] =	vst v0  }
0x40: {  	[tilespmem:$0xCA0] =	vst v0  }
0x41: {  	[tilespmem:$0xCB0] =	vst v0  }
0x42: {  	s1 =	stileid.u32;
	[tilespmem:$0xCC0] =	vst v0  }
0x43: {  	s7 =	smul.u32 $0x88, s1;
	[tilespmem:$0xCD0] =	vst v0  }
0x44: {  	[tilespmem:$0xCE0] =	vst v0  }
0x45: {  	s8 =	simm.s32 $0x2;
	[tilespmem:$0xCF0] =	vst v0;
	s4 =	sadd.s32 s3, s7  }
0x46: {  	[tilespmem:s6], [sflag:$0x2] =	stream.linear.gather [hbm4b:s4+s6], $0x440, $0x38;
	[tilespmem:$0xF840] =	vst v63  }
0x47: {  	_ =	swait.ge [sflag:s8], $0x440  }
0x48: {  	s4 =	sadd.s32 $0xC00, s2;
	[sflag:s8] =	ssyncset.done $0x0  }
0x49: {  	s2 =	sadd.s32 $0x1600, s2;
	[sflag:s8] =	ssyncadd.s32 $0xFFFFFBC0;
	s8 =	simm.s32 $0x900  }
.LBB2_1:
0x4a: {  	s9 =	sshra.s32 s6, $0x2  }
0x4b: {  	v0 =	vld [tilespmem:s9+$0x0];
	_ =	sdelay $0x4  }
0x4c: {  	(xrf1) =	vunique.msk.u32 $0xffff, v0;
	_ =	sdelay $0xd  }
0x4d: {  	_, v1, vm0 =	vpop (xrf1);
	_ =	sdelay $0x5  }
0x4e: {  	[tilespmem:v0+s8+$0x0] =	vst.idx.add.s32.msk vm0, v1  }
0x4f: {  	v0 =	vld [tilespmem:s9+$0x10];
	_ =	sdelay $0x4  }
0x50: {  	(xrf1) =	vunique.msk.u32 $0xffff, v0;
	_ =	sdelay $0xd  }
0x51: {  	_, v1, vm0 =	vpop (xrf1);
	_ =	sdelay $0x5  }
0x52: {  	[tilespmem:v0+s8+$0x0] =	vst.idx.add.s32.msk vm0, v1  }
0x53: {  	v0 =	vld [tilespmem:s9+$0x20];
	_ =	sdelay $0x4  }
0x54: {  	(xrf1) =	vunique.msk.u32 $0xffff, v0;
	_ =	sdelay $0xd  }
0x55: {  	_, v1, vm0 =	vpop (xrf1);
	_ =	sdelay $0x5  }
0x56: {  	[tilespmem:v0+s8+$0x0] =	vst.idx.add.s32.msk vm0, v1  }
0x57: {  	v0 =	vld [tilespmem:s9+$0x30];
	_ =	sdelay $0x4  }
0x58: {  	(xrf1) =	vunique.msk.u32 $0xffff, v0;
	_ =	sdelay $0xd  }
0x59: {  	_, v1, vm0 =	vpop (xrf1)  }
0x5a: {  	p0 =	sne.s32 s6, $0x1000  }
.Ltmp0:
0x5b: {  	_ = 	snop;
	(pc) =	sbr.rel @p0 .LBB2_1-.Ltmp0, $2  }
0x5c: {  	_ =	sdelay $0x2  }
0x5d: {  	s6 =	sadd.s32 $0x100, s6;
	[tilespmem:v0+s8+$0x0] =	vst.idx.add.s32.msk vm0, v1  }
0x5e: {  	s11 =	sshll.u32 s1, $0xA  }
0x5f: {  	s9 =	sshll.u32 s1, $0x7;
	s6 =	sand.u32 $0x2000, s11  }
0x60: {  	s13 =	simm.s32 $0x80;
	s8 =	sand.u32 $0x380, s9;
	s6 =	sadd.s32 s6, s10  }
0x61: {  	s12 =	simm.s32 $0x400;
	s8 =	sadd.s32 s8, s6;
	s6 =	simm.s32 $0x900  }
0x62: {  	[spmem:s8] =	stream.strided.scatter [tilespmem:s6], [sflag:$0x2], $0x400, s12, s13, $0x38;
	[tilespmem:$0xF840] =	vst v63  }
0x63: {  	p0 =	sgt.u32 s1, $0x7;
	s8 =	simm.s32 $0x2  }
.Ltmp1:
0x64: {  	_ =	swait.ge [sflag:s8], $0x400;
	(pc) =	sbr.rel @p0 .LBB2_4-.Ltmp1, $3  }
0x65: {  	[sflag:s8] =	ssyncset.done $0x0  }
0x66: {  	[sflag:s8] =	ssyncadd.s32 $0xFFFFFC00  }
0x67: {  	[bflag:$0x0] =	sbarrier.arrive $0xFFFF;
	_ =	sdelay $0x1  }
0x68: {  	s10 =	sadd.s32 s11, s10;
	s31 =	simm.s32 $0x2000;
	s13 =	simm.s32 $0xD00  }
0x69: {  	[tilespmem:s13], [sflag:$0x2] =	stream.strided.gather [spmem:s10], $0x800, s31, s12, $0x38;
	[tilespmem:$0xF840] =	vst v63  }
0x6a: {  	_ =	swait.ge [sflag:s8], $0x800  }
0x6b: {  	[sflag:s8] =	ssyncset.done $0x0  }
0x6c: {  	[sflag:s8] =	ssyncadd.s32 $0xFFFFF800  }
0x6d: {  	v0 =	vld [tilespmem:$0xD00]  }
0x6e: {  	v1 =	vld [tilespmem:$0xD10]  }
0x6f: {  	v2 =	vld [tilespmem:$0xD20]  }
0x70: {  	v3 =	vld [tilespmem:$0xD30]  }
0x71: {  	v62 =	vld [tilespmem:$0x10E0]  }
0x72: {  	v4 =	vld [tilespmem:$0xD40]  }
0x73: {  	v5 =	vld [tilespmem:$0xD50]  }
0x74: {  	v6 =	vld [tilespmem:$0xD60]  }
0x75: {  	v7 =	vld [tilespmem:$0xD70]  }
0x76: {  	[tilespmem:$0x1FE30] =	vst v62;
	v62 =	vld [tilespmem:$0x1100]  }
0x77: {  	v8 =	vld [tilespmem:$0xD80]  }
0x78: {  	v9 =	vld [tilespmem:$0xD90]  }
0x79: {  	v10 =	vld [tilespmem:$0xDA0]  }
0x7a: {  	v11 =	vld [tilespmem:$0xDB0]  }
0x7b: {  	[tilespmem:$0x1FE40] =	vst v62;
	v62 =	vld [tilespmem:$0x1110]  }
0x7c: {  	v12 =	vld [tilespmem:$0xDC0]  }
0x7d: {  	v13 =	vld [tilespmem:$0xDD0]  }
0x7e: {  	v14 =	vld [tilespmem:$0xDE0]  }
0x7f: {  	v15 =	vld [tilespmem:$0xDF0]  }
0x80: {  	[tilespmem:$0x1FE50] =	vst v62;
	v62 =	vld [tilespmem:$0x1120]  }
0x81: {  	v16 =	vld [tilespmem:$0xE00]  }
0x82: {  	v17 =	vld [tilespmem:$0xE10]  }
0x83: {  	v18 =	vld [tilespmem:$0xE20]  }
0x84: {  	v19 =	vld [tilespmem:$0xE30]  }
0x85: {  	[tilespmem:$0x1FE60] =	vst v62;
	v62 =	vld [tilespmem:$0x1130]  }
0x86: {  	v20 =	vld [tilespmem:$0xE40]  }
0x87: {  	v21 =	vld [tilespmem:$0xE50]  }
0x88: {  	v22 =	vld [tilespmem:$0xE60]  }
0x89: {  	v23 =	vld [tilespmem:$0xE70]  }
0x8a: {  	[tilespmem:$0x1FE70] =	vst v62;
	v62 =	vld [tilespmem:$0x1140]  }
0x8b: {  	v24 =	vld [tilespmem:$0xE80]  }
0x8c: {  	v25 =	vld [tilespmem:$0xE90]  }
0x8d: {  	v26 =	vld [tilespmem:$0xEA0]  }
0x8e: {  	v27 =	vld [tilespmem:$0xEB0]  }
0x8f: {  	[tilespmem:$0x1FE80] =	vst v62;
	v62 =	vld [tilespmem:$0x1150]  }
0x90: {  	v28 =	vld [tilespmem:$0xEC0]  }
0x91: {  	v29 =	vld [tilespmem:$0xED0]  }
0x92: {  	v30 =	vld [tilespmem:$0xEE0]  }
0x93: {  	v31 =	vld [tilespmem:$0xEF0]  }
0x94: {  	[tilespmem:$0x1FE90] =	vst v62;
	v62 =	vld [tilespmem:$0x1160]  }
0x95: {  	v32 =	vld [tilespmem:$0xF00]  }
0x96: {  	v33 =	vld [tilespmem:$0xF10]  }
0x97: {  	v34 =	vld [tilespmem:$0xF20]  }
0x98: {  	v35 =	vld [tilespmem:$0xF30]  }
0x99: {  	[tilespmem:$0x1FEA0] =	vst v62;
	v62 =	vld [tilespmem:$0x1170]  }
0x9a: {  	v36 =	vld [tilespmem:$0xF40]  }
0x9b: {  	v37 =	vld [tilespmem:$0xF50]  }
0x9c: {  	v38 =	vld [tilespmem:$0xF60]  }
0x9d: {  	v39 =	vld [tilespmem:$0xF70]  }
0x9e: {  	[tilespmem:$0x1FEB0] =	vst v62;
	v62 =	vld [tilespmem:$0x1180]  }
0x9f: {  	v40 =	vld [tilespmem:$0xF80]  }
0xa0: {  	v41 =	vld [tilespmem:$0xF90]  }
0xa1: {  	v42 =	vld [tilespmem:$0xFA0]  }
0xa2: {  	v43 =	vld [tilespmem:$0xFB0]  }
0xa3: {  	[tilespmem:$0x1FEC0] =	vst v62;
	v62 =	vld [tilespmem:$0x1190]  }
0xa4: {  	v44 =	vld [tilespmem:$0xFC0]  }
0xa5: {  	v45 =	vld [tilespmem:$0xFD0]  }
0xa6: {  	v46 =	vld [tilespmem:$0xFE0]  }
0xa7: {  	v47 =	vld [tilespmem:$0xFF0]  }
0xa8: {  	[tilespmem:$0x1FED0] =	vst v62;
	v62 =	vld [tilespmem:$0x11A0]  }
0xa9: {  	v48 =	vld [tilespmem:$0x1000]  }
0xaa: {  	v49 =	vld [tilespmem:$0x1010]  }
0xab: {  	v50 =	vld [tilespmem:$0x1020]  }
0xac: {  	v51 =	vld [tilespmem:$0x1030]  }
0xad: {  	[tilespmem:$0x1FEE0] =	vst v62;
	v62 =	vld [tilespmem:$0x11B0]  }
0xae: {  	v52 =	vld [tilespmem:$0x1040]  }
0xaf: {  	v53 =	vld [tilespmem:$0x1050]  }
0xb0: {  	v54 =	vld [tilespmem:$0x1060]  }
0xb1: {  	v55 =	vld [tilespmem:$0x1070]  }
0xb2: {  	[tilespmem:$0x1FEF0] =	vst v62;
	v62 =	vld [tilespmem:$0x11C0]  }
0xb3: {  	v56 =	vld [tilespmem:$0x1080]  }
0xb4: {  	v57 =	vld [tilespmem:$0x1090]  }
0xb5: {  	v58 =	vld [tilespmem:$0x10A0]  }
0xb6: {  	v59 =	vld [tilespmem:$0x10B0]  }
0xb7: {  	[tilespmem:$0x1FF00] =	vst v62;
	v62 =	vld [tilespmem:$0x11D0]  }
0xb8: {  	v60 =	vld [tilespmem:$0x10C0]  }
0xb9: {  	v61 =	vld [tilespmem:$0x10D0]  }
0xba: {  	v63 =	vld [tilespmem:$0x10F0]  }
0xbb: {  	v0 =	vadd.s32 v0, v8;
	v8 =	vld [tilespmem:$0x12C0]  }
0xbc: {  	[tilespmem:$0x1FF10] =	vst v62;
	v62 =	vld [tilespmem:$0x11E0]  }
0xbd: {  	v1 =	vadd.s32 v1, v9;
	v9 =	vld [tilespmem:$0x12D0]  }
0xbe: {  	v2 =	vadd.s32 v2, v10;
	v10 =	vld [tilespmem:$0x12E0]  }
0xbf: {  	v3 =	vadd.s32 v3, v11;
	v11 =	vld [tilespmem:$0x12F0]  }
0xc0: {  	v4 =	vadd.s32 v4, v12;
	v12 =	vld [tilespmem:$0x1300]  }
0xc1: {  	[tilespmem:$0x1FF20] =	vst v62;
	v62 =	vld [tilespmem:$0x11F0]  }
0xc2: {  	v5 =	vadd.s32 v5, v13;
	v13 =	vld [tilespmem:$0x1310]  }
0xc3: {  	v6 =	vadd.s32 v6, v14;
	v14 =	vld [tilespmem:$0x1320]  }
0xc4: {  	v7 =	vadd.s32 v7, v15;
	v15 =	vld [tilespmem:$0x1330]  }
0xc5: {  	v0 =	vadd.s32 v16, v0;
	v16 =	vld [tilespmem:$0x1340]  }
0xc6: {  	[tilespmem:$0x1FF30] =	vst v62;
	v62 =	vld [tilespmem:$0x1200]  }
0xc7: {  	v1 =	vadd.s32 v17, v1;
	v17 =	vld [tilespmem:$0x1350]  }
0xc8: {  	v2 =	vadd.s32 v18, v2;
	v18 =	vld [tilespmem:$0x1360]  }
0xc9: {  	v3 =	vadd.s32 v19, v3;
	v19 =	vld [tilespmem:$0x1370]  }
0xca: {  	v4 =	vadd.s32 v20, v4;
	v20 =	vld [tilespmem:$0x1380]  }
0xcb: {  	[tilespmem:$0x1FF40] =	vst v62;
	v62 =	vld [tilespmem:$0x1210]  }
0xcc: {  	v5 =	vadd.s32 v21, v5;
	v21 =	vld [tilespmem:$0x1390]  }
0xcd: {  	v6 =	vadd.s32 v22, v6;
	v22 =	vld [tilespmem:$0x13A0]  }
0xce: {  	v7 =	vadd.s32 v23, v7;
	v23 =	vld [tilespmem:$0x13B0]  }
0xcf: {  	v0 =	vadd.s32 v24, v0;
	v24 =	vld [tilespmem:$0x13C0]  }
0xd0: {  	[tilespmem:$0x1FF50] =	vst v62;
	v62 =	vld [tilespmem:$0x1220]  }
0xd1: {  	v1 =	vadd.s32 v25, v1;
	v25 =	vld [tilespmem:$0x13D0]  }
0xd2: {  	v2 =	vadd.s32 v26, v2;
	v26 =	vld [tilespmem:$0x13E0]  }
0xd3: {  	v3 =	vadd.s32 v27, v3;
	v27 =	vld [tilespmem:$0x13F0]  }
0xd4: {  	v4 =	vadd.s32 v28, v4;
	v28 =	vld [tilespmem:$0x1400]  }
0xd5: {  	v5 =	vadd.s32 v29, v5;
	[tilespmem:$0x1FF60] =	vst v62;
	v62 =	vld [tilespmem:$0x1230]  }
0xd6: {  	v1 =	vadd.s32 v33, v1;
	v5 =	vadd.s32 v37, v5;
	v37 =	vld [tilespmem:$0x1430]  }
0xd7: {  	v0 =	vadd.s32 v32, v0;
	v1 =	vadd.s32 v41, v1;
	v41 =	vld [tilespmem:$0x1440]  }
0xd8: {  	v0 =	vadd.s32 v40, v0;
	v5 =	vadd.s32 v45, v5;
	v45 =	vld [tilespmem:$0x1450]  }
0xd9: {  	v7 =	vadd.s32 v31, v7;
	v3 =	vadd.s32 v35, v3;
	v0 =	vadd.s32 v48, v0;
	v48 =	vld [tilespmem:$0x1FE30]  }
0xda: {  	v7 =	vadd.s32 v39, v7;
	v3 =	vadd.s32 v43, v3;
	[tilespmem:$0x1FF70] =	vst v62;
	v62 =	vld [tilespmem:$0x1240]  }
0xdb: {  	v7 =	vadd.s32 v47, v7;
	v1 =	vadd.s32 v49, v1;
	v3 =	vadd.s32 v51, v3;
	v49 =	vld [tilespmem:$0x1FE40]  }
0xdc: {  	v2 =	vadd.s32 v34, v2;
	v7 =	vadd.s32 v55, v7;
	v3 =	vadd.s32 v59, v3;
	v59 =	vld [tilespmem:$0x1410]  }
0xdd: {  	v2 =	vadd.s32 v42, v2;
	v7 =	vadd.s32 v63, v7;
	v63 =	vld [tilespmem:$0x1420]  }
0xde: {  	v2 =	vadd.s32 v50, v2;
	v50 =	vld [tilespmem:$0x1FE50]  }
0xdf: {  	v6 =	vadd.s32 v30, v6;
	v4 =	vadd.s32 v36, v4;
	[tilespmem:$0x1FF80] =	vst v62;
	v62 =	vld [tilespmem:$0x1250]  }
0xe0: {  	v6 =	vadd.s32 v38, v6;
	v4 =	vadd.s32 v44, v4;
	v51 =	vld [tilespmem:$0x1FE60]  }
0xe1: {  	v6 =	vadd.s32 v46, v6;
	v4 =	vadd.s32 v52, v4;
	v52 =	vld [tilespmem:$0x1FE70]  }
0xe2: {  	v6 =	vadd.s32 v54, v6;
	v54 =	vld [tilespmem:$0x1FE90]  }
0xe3: {  	v55 =	vld [tilespmem:$0x1FEA0]  }
0xe4: {  	[tilespmem:$0x1FF90] =	vst v62;
	v62 =	vld [tilespmem:$0x1260]  }
0xe5: {  	v5 =	vadd.s32 v53, v5;
	v53 =	vld [tilespmem:$0x1FE80]  }
0xe6: {  	v0 =	vadd.s32 v56, v0;
	v5 =	vadd.s32 v61, v5;
	v56 =	vld [tilespmem:$0x1FEB0]  }
0xe7: {  	v6 =	vadd.s32 v48, v6;
	v5 =	vadd.s32 v54, v5;
	v54 =	vld [tilespmem:$0x1480]  }
0xe8: {  	v6 =	vadd.s32 v55, v6;
	v55 =	vld [tilespmem:$0x1490]  }
0xe9: {  	[tilespmem:$0x1FFA0] =	vst v62;
	v62 =	vld [tilespmem:$0x1270]  }
0xea: {  	v1 =	vadd.s32 v57, v1;
	v57 =	vld [tilespmem:$0x1FEC0]  }
0xeb: {  	v7 =	vadd.s32 v56, v7;
	v56 =	vld [tilespmem:$0x14A0]  }
0xec: {  	v2 =	vadd.s32 v58, v2;
	v58 =	vld [tilespmem:$0x1FED0]  }
0xed: {  	v4 =	vadd.s32 v60, v4;
	v60 =	vld [tilespmem:$0x1FEE0]  }
0xee: {  	[tilespmem:$0x1FFB0] =	vst v62;
	v62 =	vld [tilespmem:$0x1280]  }
0xef: {  	v61 =	vld [tilespmem:$0x1FEF0]  }
0xf0: {  	v34 =	vld [tilespmem:$0x1FF10]  }
0xf1: {  	v35 =	vld [tilespmem:$0x1FF20]  }
0xf2: {  	v36 =	vld [tilespmem:$0x1FF30]  }
0xf3: {  	[tilespmem:$0x1FFC0] =	vst v62;
	v62 =	vld [tilespmem:$0x1290]  }
0xf4: {  	v38 =	vld [tilespmem:$0x1FF40]  }
0xf5: {  	v39 =	vld [tilespmem:$0x1FF50]  }
0xf6: {  	v40 =	vld [tilespmem:$0x1FF60]  }
0xf7: {  	v44 =	vld [tilespmem:$0x1FF90]  }
0xf8: {  	[tilespmem:$0x1FFD0] =	vst v62;
	v62 =	vld [tilespmem:$0x12A0]  }
0xf9: {  	v1 =	vadd.s32 v50, v1;
	v50 =	vld [tilespmem:$0x1FFD0]  }
0xfa: {  	v0 =	vadd.s32 v49, v0;
	v2 =	vadd.s32 v51, v2;
	v3 =	vadd.s32 v52, v3;
	v42 =	vld [tilespmem:$0x1FF70]  }
0xfb: {  	v4 =	vadd.s32 v53, v4;
	v0 =	vadd.s32 v57, v0;
	v1 =	vadd.s32 v58, v1;
	v46 =	vld [tilespmem:$0x1FFA0]  }
0xfc: {  	v2 =	vadd.s32 v60, v2;
	v3 =	vadd.s32 v61, v3;
	v5 =	vadd.s32 v34, v5;
	v48 =	vld [tilespmem:$0x1FFC0]  }
0xfd: {  	v6 =	vadd.s32 v35, v6;
	v7 =	vadd.s32 v36, v7;
	v1 =	vadd.s32 v39, v1;
	[tilespmem:$0x1FFE0] =	vst v62;
	v62 =	vld [tilespmem:$0x12B0]  }
0xfe: {  	v0 =	vadd.s32 v38, v0;
	v5 =	vadd.s32 v44, v5;
	v47 =	vld [tilespmem:$0x1FFB0];
	v1 =	vadd.s32 v50, v1  }
0xff: {  	v2 =	vadd.s32 v40, v2;
	v5 =	vadd.s32 v9, v5;
	v51 =	vld [tilespmem:$0x1FFE0];
	v1 =	vadd.s32 v13, v1  }
0x100: {  	v3 =	vadd.s32 v42, v3;
	v43 =	vld [tilespmem:$0x1FF80];
	v5 =	vadd.s32 v17, v5;
	v1 =	vadd.s32 v21, v1  }
0x101: {  	v5 =	vadd.s32 v25, v5;
	v6 =	vadd.s32 v46, v6;
	v1 =	vadd.s32 v59, v1;
	v59 =	vld [tilespmem:$0x14D0]  }
0x102: {  	v5 =	vadd.s32 v45, v5;
	v6 =	vadd.s32 v10, v6;
	v0 =	vadd.s32 v48, v0;
	[tilespmem:$0x1FFF0] =	vst v62;
	v62 =	vld [tilespmem:$0x1FF00]  }
0x103: {  	v6 =	vadd.s32 v18, v6;
	v7 =	vadd.s32 v47, v7;
	v0 =	vadd.s32 v12, v0;
	v52 =	vld [tilespmem:$0x1FFF0]  }
0x104: {  	v49 =	vld [tilespmem:$0x1460];
	v7 =	vadd.s32 v11, v7;
	v0 =	vadd.s32 v20, v0;
	v2 =	vadd.s32 v51, v2  }
0x105: {  	v53 =	vld [tilespmem:$0x1470];
	v7 =	vadd.s32 v19, v7;
	v0 =	vadd.s32 v28, v0;
	v2 =	vadd.s32 v14, v2  }
0x106: {  	v60 =	vld [tilespmem:$0x14E0];
	v0 =	vadd.s32 v54, v0;
	v1 =	vadd.s32 v55, v1;
	v2 =	vadd.s32 v22, v2  }
0x107: {  	v57 =	vld [tilespmem:$0x14B0];
	v2 =	vadd.s32 v63, v2;
	v5 =	vadd.s32 v59, v5;
	v4 =	vadd.s32 v62, v4  }
0x108: {  	v58 =	vld [tilespmem:$0x14C0];
	[tilespmem:$0x900] =	vst v0;
	v2 =	vadd.s32 v56, v2;
	v4 =	vadd.s32 v43, v4;
	v3 =	vadd.s32 v52, v3  }
0x109: {  	v61 =	vld [tilespmem:$0x14F0];
	[tilespmem:$0x910] =	vst v1;
	v62 =	vadd.s32 v26, v6;
	v4 =	vadd.s32 v8, v4;
	v3 =	vadd.s32 v15, v3  }
0x10a: {  	[tilespmem:$0x920] =	vst v2;
	v2 =	vadd.s32 v49, v62;
	v4 =	vadd.s32 v16, v4;
	v3 =	vadd.s32 v23, v3  }
0x10b: {  	[tilespmem:$0x950] =	vst v5;
	v0 =	vadd.s32 v60, v2;
	v4 =	vadd.s32 v24, v4;
	v3 =	vadd.s32 v37, v3  }
0x10c: {  	v63 =	vadd.s32 v27, v7;
	[tilespmem:$0x960] =	vst v0;
	v4 =	vadd.s32 v41, v4;
	v3 =	vadd.s32 v57, v3  }
0x10d: {  	v4 =	vadd.s32 v58, v4;
	[tilespmem:$0x930] =	vst v3;
	v3 =	vadd.s32 v53, v63  }
0x10e: {  	[tilespmem:$0x940] =	vst v4;
	v1 =	vadd.s32 v61, v3  }
0x10f: {  	s9 =	sadd.s32 s9, s5;
	[tilespmem:$0x970] =	vst v1  }
0x110: {  	[spmem:s9] =	stream.linear.scatter [tilespmem:s6], [sflag:$0x2], $0x80, $0x38;
	[tilespmem:$0xF840] =	vst v63  }
0x111: {  	_ =	swait.ge [sflag:s8], $0x80  }
0x112: {  	[sflag:s8] =	ssyncset.done $0x0  }
0x113: {  	[sflag:s8] =	ssyncadd.s32 $0xFFFFFF80  }
.LBB2_4:
0x114: {  	[bflag:$0x0] =	sbarrier.arrive $0xFFFF  }
0x115: {  	[tilespmem:s6], [sflag:$0x2] =	stream.linear.gather [spmem:s5], $0x400, $0x38;
	[tilespmem:$0xF840] =	vst v63  }
0x116: {  	_ =	swait.ge [sflag:s8], $0x400  }
0x117: {  	[sflag:s8] =	ssyncset.done $0x0  }
0x118: {  	s5 =	simm.s32 $0x0;
	[sflag:s8] =	ssyncadd.s32 $0xFFFFFC00  }
0x119: {  	v0 =	vld [tilespmem:s5+$0x0];
	_ =	sdelay $0x6  }
0x11a: {  	v2 =	vld [tilespmem:s5+$0x10]  }
0x11b: {  	v0 =	vld.idx.msk [tilespmem:v0+s6+$0x0], $0xffff;
	_ =	sdelay $0x4  }
0x11c: {  	v1 =	vimm.f32 $0.0e+00;
	vm0 =	vlt.s32 v0, $0x65  }
0x11d: {  	v0 =	vsel vm0, $0x3F800000, v1  }
0x11e: {  	[tilespmem:s5+$0x480] =	vst v0  }
0x11f: {  	v0 =	vld.idx.msk [tilespmem:v2+s6+$0x0], $0xffff  }
0x120: {  	v2 =	vld [tilespmem:s5+$0x20];
	_ =	sdelay $0x4  }
0x121: {  	vm14 =	vlt.s32 v0, $0x65  }
0x122: {  	v0 =	vsel vm14, $0x3F800000, v1  }
0x123: {  	[tilespmem:s5+$0x490] =	vst v0  }
0x124: {  	v0 =	vld.idx.msk [tilespmem:v2+s6+$0x0], $0xffff  }
0x125: {  	v2 =	vld [tilespmem:s5+$0x30];
	_ =	sdelay $0x4  }
0x126: {  	vm15 =	vlt.s32 v0, $0x65  }
0x127: {  	v0 =	vsel vm15, $0x3F800000, v1  }
0x128: {  	[tilespmem:s5+$0x4A0] =	vst v0  }
0x129: {  	s7 =	sadd.s32 s2, s7;
	s9 =	simm.s32 $0x40;
	s8 =	simm.s32 $0x200;
	v0 =	vmov s1;
	v2 =	vld.idx.msk [tilespmem:v2+s6+$0x0], $0xffff  }
.LBB2_5:
0x12a: {  	p0 =	sne.s32 s8, $0x1000;
	v3 =	vld [tilespmem:s9+$0x0];
	_ =	sdelay $0x4  }
0x12b: {  	vm0 =	vlt.s32 v2, $0x65  }
0x12c: {  	v2 =	vsel vm0, $0x3F800000, v1  }
0x12d: {  	[tilespmem:s5+$0x4B0] =	vst v2;
	s5 =	smov.u32 s9  }
0x12e: {  	v2 =	vld.idx.msk [tilespmem:v3+s6+$0x0], $0xffff  }
0x12f: {  	v3 =	vld [tilespmem:s5+$0x10];
	_ =	sdelay $0x4  }
0x130: {  	vm0 =	vlt.s32 v2, $0x65  }
0x131: {  	v2 =	vsel vm0, $0x3F800000, v1  }
0x132: {  	[tilespmem:s5+$0x480] =	vst v2  }
0x133: {  	v2 =	vld.idx.msk [tilespmem:v3+s6+$0x0], $0xffff  }
0x134: {  	v3 =	vld [tilespmem:s5+$0x20];
	_ =	sdelay $0x4  }
0x135: {  	vm0 =	vlt.s32 v2, $0x65  }
0x136: {  	v2 =	vsel vm0, $0x3F800000, v1  }
0x137: {  	[tilespmem:s5+$0x490] =	vst v2  }
0x138: {  	v2 =	vld.idx.msk [tilespmem:v3+s6+$0x0], $0xffff  }
0x139: {  	v3 =	vld [tilespmem:s5+$0x30];
	_ =	sdelay $0x3  }
.Ltmp2:
0x13a: {  	(pc) =	sbr.rel @p0 .LBB2_5-.Ltmp2, $4  }
0x13b: {  	vm0 =	vlt.s32 v2, $0x65  }
0x13c: {  	v2 =	vsel vm0, $0x3F800000, v1  }
0x13d: {  	[tilespmem:s5+$0x4A0] =	vst v2  }
0x13e: {  	s9 =	sshra.s32 s8, $0x2;
	s8 =	sadd.s32 $0x100, s8;
	v2 =	vld.idx.msk [tilespmem:v3+s6+$0x0], $0xffff  }
0x13f: {  	v3 =	vld [tilespmem:s9+$0x0];
	_ =	sdelay $0x4  }
0x140: {  	vm0 =	vlt.s32 v2, $0x65  }
0x141: {  	v2 =	vsel vm0, $0x3F800000, v1  }
0x142: {  	[tilespmem:s5+$0x4B0] =	vst v2  }
0x143: {  	v2 =	vld.idx.msk [tilespmem:v3+s6+$0x0], $0xffff  }
0x144: {  	v3 =	vld [tilespmem:s9+$0x10];
	_ =	sdelay $0x4  }
0x145: {  	vm0 =	vlt.s32 v2, $0x65  }
0x146: {  	v2 =	vsel vm0, $0x3F800000, v1  }
0x147: {  	[tilespmem:s9+$0x480] =	vst v2  }
0x148: {  	v2 =	vld.idx.msk [tilespmem:v3+s6+$0x0], $0xffff  }
0x149: {  	v3 =	vld [tilespmem:s9+$0x20];
	_ =	sdelay $0x4  }
0x14a: {  	vm0 =	vlt.s32 v2, $0x65  }
0x14b: {  	v2 =	vsel vm0, $0x3F800000, v1  }
0x14c: {  	[tilespmem:s9+$0x490] =	vst v2  }
0x14d: {  	v2 =	vld.idx.msk [tilespmem:v3+s6+$0x0], $0xffff  }
0x14e: {  	v3 =	vld [tilespmem:s9+$0x30];
	_ =	sdelay $0x4  }
0x14f: {  	vm0 =	vlt.s32 v2, $0x65  }
0x150: {  	v2 =	vsel vm0, $0x3F800000, v1  }
0x151: {  	[tilespmem:s9+$0x4A0] =	vst v2  }
0x152: {  	v2 =	vld.idx.msk [tilespmem:v3+s6+$0x0], $0xffff;
	_ =	sdelay $0x4  }
0x153: {  	vm0 =	vlt.s32 v2, $0x65  }
0x154: {  	v1 =	vsel vm0, $0x3F800000, v1  }
0x155: {  	s29 =	simm.s32 $0x480;
	s30 =	simm.s32 $0x2;
	s5 =	simm.s32 $0x0;
	[tilespmem:s9+$0x4B0] =	vst v1  }
0x156: {  	[hbm4b:s7+s5] =	stream.linear.scatter [tilespmem:s29], [sflag:$0x2], $0x440, $0x38;
	[tilespmem:$0xF840] =	vst v63  }
0x157: {  	_ =	swait.ge [sflag:s30], $0x440  }
0x158: {  	[sflag:s30] =	ssyncset.done $0x0  }
0x159: {  	[sflag:s30] =	ssyncadd.s32 $0xFFFFFBC0  }
0x15a: {  	s31 =	simm.s32 $0x900;
	[bflag:$0x0] =	sbarrier.arrive $0xFFFF  }
0x15b: {  	v2 =	vld [tilespmem:s31+$0x0];
	_ =	sdelay $0x4  }
0x15c: {  	v1 =	vimm.s32 $0x0;
	vm0 =	vgt.s32 v2, $0x64  }
0x15d: {  	v2 =	vsel vm0, $0x1, v1  }
0x15e: {  	(xrf0) =	vadd.scan.msk.s32 $0xffff, v2;
	_ =	sdelay $0x2  }
0x15f: {  	v2 =	vmov s5  }
0x160: {  	v2 =	vadd.s32 $0xFFFFFFFF, v2  }
0x161: {  	v2 =	vbroadcast v2, $0x0  }
0x162: {  	v3, _, _ =	vpop (xrf0)  }
0x163: {  	v2 =	vadd.s32 v3, v2  }
0x164: {  	v4 =	vshra.s32 v2, $0x1F  }
0x165: {  	v4 =	vshrl.u32 v4, $0x1C  }
0x166: {  	v4 =	vadd.s32 v4, v2  }
0x167: {  	(v2sf) =	vpush v3, $0xF;
	v3 =	vand.u32 $0xFFFFFFF0, v4  }
0x168: {  	v2 =	vsub.s32 v2, v3  }
0x169: {  	vm1 =	veq.s32 v2, v0  }
0x16a: {  	vm0 =	vmand vm0, vm1  }
0x16b: {  	s6 =	simm.s32 $0x1940;
	v2 =	vlaneseq.u32;
	v3 =	vsel vm0, $0x1, v1  }
0x16c: {  	v61 =	vor.u32 s5, v2;
	[tilespmem:s6+$0x0] =	vst v3;
	(xrf0) =	vadd.scan.msk.s32 $0xffff, v3  }
0x16d: {  	s7 =	simm.s32 $0x910;
	[tilespmem:s5+$0x1D40] =	vst.msk vm0, v61  }
0x16e: {  	v3 =	vld [tilespmem:s7+$0x0];
	_ =	sdelay $0x3  }
0x16f: {  	v62, _, _ =	vpop (xrf0)  }
0x170: {  	vm0 =	vgt.s32 v3, $0x64;
	(v2sf) =	vpush v62, $0xF  }
0x171: {  	v3 =	vsel vm0, $0x1, v1  }
0x172: {  	(xrf0) =	vadd.scan.msk.s32 $0xffff, v3  }
0x173: {  	s8 =	spop (v2sf)  }
0x174: {  	s8 =	sadd.s32 $0x0, s8  }
0x175: {  	v3 =	vmov s8  }
0x176: {  	v3 =	vadd.s32 $0xFFFFFFFF, v3  }
0x177: {  	v3 =	vbroadcast v3, $0x0  }
0x178: {  	v63, _, _ =	vpop (xrf0)  }
0x179: {  	v3 =	vadd.s32 v63, v3;
	(v2sf) =	vpush v63, $0xF  }
0x17a: {  	v5 =	vshra.s32 v3, $0x1F  }
0x17b: {  	v5 =	vshrl.u32 v5, $0x1C  }
0x17c: {  	v5 =	vadd.s32 v5, v3  }
0x17d: {  	v5 =	vand.u32 $0xFFFFFFF0, v5  }
0x17e: {  	v3 =	vsub.s32 v3, v5  }
0x17f: {  	s10 =	simm.s32 $0x20;
	s9 =	simm.s32 $0x10;
	vm1 =	veq.s32 v3, v0;
	s11 =	spop (v2sf)  }
.LBB2_7:
0x180: {  	p0 =	sne.s32 s10, $0x3F0;
	vm0 =	vmand vm0, vm1;
	s5 =	sadd.s32 s5, s11;
	s6 =	sadd.s32 $0x10, s6  }
0x181: {  	s11 =	smov.u32 s10;
	s10 =	sadd.s32 $0x10, s10;
	v3 =	vsel vm0, $0x1, v1  }
0x182: {  	v4 =	vor.u32 s9, v2;
	s9 =	smov.u32 s11;
	[tilespmem:s6+$0x0] =	vst v3;
	(xrf0) =	vadd.scan.msk.s32 $0xffff, v3  }
0x183: {  	s7 =	sadd.s32 $0x10, s7;
	[tilespmem:s5+$0x1D40] =	vst.msk vm0, v4  }
0x184: {  	v3 =	vld [tilespmem:s7+$0x0];
	_ =	sdelay $0x3  }
0x185: {  	v4, _, _ =	vpop (xrf0);
	s11 =	spop (v2sf)  }
0x186: {  	vm0 =	vgt.s32 v3, $0x64;
	s8 =	sadd.s32 s8, s11;
	(v2sf) =	vpush v4, $0xF  }
0x187: {  	v3 =	vsel vm0, $0x1, v1;
	v4 =	vmov s8  }
0x188: {  	v4 =	vadd.s32 $0xFFFFFFFF, v4;
	(xrf0) =	vadd.scan.msk.s32 $0xffff, v3;
	_ =	sdelay $0x4  }
0x189: {  	v3 =	vbroadcast v4, $0x0  }
0x18a: {  	v4, _, _ =	vpop (xrf0)  }
0x18b: {  	v3 =	vadd.s32 v4, v3;
	(v2sf) =	vpush v4, $0xF  }
0x18c: {  	v4 =	vshra.s32 v3, $0x1F  }
.Ltmp3:
0x18d: {  	v4 =	vshrl.u32 v4, $0x1C;
	(pc) =	sbr.rel @p0 .LBB2_7-.Ltmp3, $4  }
0x18e: {  	v4 =	vadd.s32 v4, v3  }
0x18f: {  	v4 =	vand.u32 $0xFFFFFFF0, v4  }
0x190: {  	v3 =	vsub.s32 v3, v4  }
0x191: {  	vm1 =	veq.s32 v3, v0;
	s11 =	spop (v2sf)  }
0x192: {  	vm0 =	vmand vm0, vm1  }
0x193: {  	v0 =	vsel vm0, $0x1, v1  }
0x194: {  	(xrf0) =	vadd.scan.msk.s32 $0xffff, v0;
	_ =	sdelay $0x5  }
0x195: {  	v62, _, _ =	vpop (xrf0)  }
0x196: {  	(v2sf) =	vpush v62, $0xF;
	_ =	sdelay $0xd  }
0x197: {  	s7 =	spop (v2sf)  }
0x198: {  	s7 =	sadd.s32 s5, s11;
	s31 =	spop (v2sf)  }
0x199: {  	s5 =	sadd.s32 s7, s31  }
0x19a: {  	p0 =	slt.s32 s5, $0x1  }
.Ltmp4:
0x19b: {  	_ = 	snop;
	(pc) =	sbr.rel @p0 .LBB2_33-.Ltmp4, $4  }
0x19c: {  	_ = 	snop  }
0x19d: {  	s6 =	sadd.s32 $0x10, s6  }
0x19e: {  	v63 =	vor.u32 s9, v2;
	[tilespmem:s6+$0x0] =	vst v0  }
0x19f: {  	[tilespmem:s7+$0x1D40] =	vst.msk vm0, v63  }
0x1a0: {  	s7 =	simm.s32 $0x0;
	s8 =	simm.s32 $0xEF40  }
0x1a1: {  	s9 =	simm.s32 $0x2;
	s10 =	simm.s32 $0xF340;
	s11 =	simm.s32 $0x1940  }
0x1a2: {  	v0 =	vlaneseq.u32;
	v1 =	vimm.s32 $0x0;
	s12 =	simm.s32 $0x0;
	s6 =	simm.s32 $0x0;
	s13 =	simm.s32 $0x0  }
.LBB2_10:
0x1a3: {  	s14 =	sshll.u32 s13, $0x7  }
0x1a4: {  	s15 =	sadd.s32 s4, s14  }
0x1a5: {  	[tilespmem:s8], [sflag:$0x2] =	stream.linear.gather [hbm4b:s15+s7], $0x400, $0x38;
	[tilespmem:$0xF840] =	vst v63  }
0x1a6: {  	_ =	swait.ge [sflag:s9], $0x400  }
0x1a7: {  	[sflag:s9] =	ssyncset.done $0x0  }
0x1a8: {  	s14 =	sadd.s32 s3, s14;
	[sflag:s9] =	ssyncadd.s32 $0xFFFFFC00  }
0x1a9: {  	[tilespmem:s10], [sflag:$0x2] =	stream.linear.gather [hbm4b:s14+s7], $0x400, $0x38;
	[tilespmem:$0xF840] =	vst v63  }
0x1aa: {  	_ =	swait.ge [sflag:s9], $0x400  }
0x1ab: {  	[sflag:s9] =	ssyncset.done $0x0  }
0x1ac: {  	s31 =	simm.s32 $0x0;
	[sflag:s9] =	ssyncadd.s32 $0xFFFFFC00  }
0x1ad: {  	v2 =	vld [tilespmem:s31+$0xF340];
	_ =	sdelay $0x7  }
0x1ae: {  	v3 =	vld.idx.msk [tilespmem:v2+s11+$0x0], $0xffff;
	_ =	sdelay $0x3  }
0x1af: {  	v4 =	vld [tilespmem:s31+$0xEF40]  }
0x1b0: {  	vm0 =	vgt.s32 v3, $0x0  }
0x1b1: {  	v3 =	vsel vm0, $0x1, v1  }
0x1b2: {  	(xrf0) =	vadd.scan.msk.s32 $0xffff, v3;
	_ =	sdelay $0x1  }
0x1b3: {  	[tilespmem:s6+$0x21C0] =	vst.msk vm0, v4  }
0x1b4: {  	[tilespmem:s6+$0x6640] =	vst.msk vm0, v2;
	v2 =	vor.u32 s12, v0  }
0x1b5: {  	s16 =	simm.s32 $0x10;
	[tilespmem:s6+$0xAAC0] =	vst.msk vm0, v2  }
0x1b6: {  	s15 =	simm.s32 $0x80;
	s14 =	smov.u32 s12;
	v2 =	vld [tilespmem:s16+$0xEF40]  }
.LBB2_11:
0x1b7: {  	p0 =	sne.s32 s15, $0xFC0;
	v3 =	vld [tilespmem:s16+$0xF340];
	v4, _, _ =	vpop (xrf0)  }
0x1b8: {  	(v2sf) =	vpush v4, $0xF;
	_ =	sdelay $0x6  }
0x1b9: {  	v4 =	vld.idx.msk [tilespmem:v3+s11+$0x0], $0xffff;
	_ =	sdelay $0x5  }
0x1ba: {  	vm0 =	vgt.s32 v4, $0x0  }
0x1bb: {  	v4 =	vsel vm0, $0x1, v1  }
0x1bc: {  	(xrf0) =	vadd.scan.msk.s32 $0xffff, v4;
	s16 =	spop (v2sf)  }
.Ltmp5:
0x1bd: {  	s6 =	sadd.s32 s6, s16;
	(pc) =	sbr.rel @p0 .LBB2_11-.Ltmp5, $4  }
0x1be: {  	s14 =	sadd.s32 $0x10, s14;
	[tilespmem:s6+$0x21C0] =	vst.msk vm0, v2  }
0x1bf: {  	v2 =	vor.u32 s14, v0;
	[tilespmem:s6+$0x6640] =	vst.msk vm0, v3  }
0x1c0: {  	s16 =	sshra.s32 s15, $0x2;
	[tilespmem:s6+$0xAAC0] =	vst.msk vm0, v2  }
0x1c1: {  	s15 =	sadd.s32 $0x40, s15;
	v2 =	vld [tilespmem:s16+$0xEF40]  }
0x1c2: {  	v3 =	vld [tilespmem:s16+$0xF340];
	_ =	sdelay $0x7  }
0x1c3: {  	v4 =	vld.idx.msk [tilespmem:v3+s11+$0x0], $0xffff;
	_ =	sdelay $0x4  }
0x1c4: {  	vm0 =	vgt.s32 v4, $0x0  }
0x1c5: {  	v4 =	vsel vm0, $0x1, v1  }
0x1c6: {  	(xrf0) =	vadd.scan.msk.s32 $0xffff, v4;
	_ =	sdelay $0x2  }
0x1c7: {  	v62, _, _ =	vpop (xrf0)  }
0x1c8: {  	(v2sf) =	vpush v62, $0xF;
	_ =	sdelay $0x1  }
0x1c9: {  	v63, _, _ =	vpop (xrf0)  }
0x1ca: {  	(v2sf) =	vpush v63, $0xF;
	_ =	sdelay $0x9  }
0x1cb: {  	s13 =	sadd.s32 $0x1, s13  }
0x1cc: {  	p0 =	sne.s32 s13, $0x11  }
.Ltmp6:
0x1cd: {  	s15 =	spop (v2sf);
	(pc) =	sbr.rel @p0 .LBB2_10-.Ltmp6, $4  }
0x1ce: {  	s6 =	sadd.s32 s6, s15  }
0x1cf: {  	s14 =	sadd.s32 $0x10, s14;
	[tilespmem:s6+$0x21C0] =	vst.msk vm0, v2  }
0x1d0: {  	v2 =	vor.u32 s14, v0;
	[tilespmem:s6+$0x6640] =	vst.msk vm0, v3;
	s31 =	spop (v2sf)  }
0x1d1: {  	s12 =	sadd.s32 $0x400, s12;
	[tilespmem:s6+$0xAAC0] =	vst.msk vm0, v2;
	s6 =	sadd.s32 s6, s31  }
0x1d2: {  	v0 =	vimm.s32 $0xFFFFFFFF  }
0x1d3: {  	[tilespmem:s6+$0x6640] =	vst v0;
	v0 =	vimm.f32 $1.000000000e+00  }
0x1d4: {  	s3 =	sadd.s32 $0xF, s6;
	s8 =	simm.s32 $0x1D40;
	[tilespmem:$0xF7C0] =	vst v0  }
0x1d5: {  	s9 =	simm.s32 $0x6640;
	s10 =	simm.s32 $0x80;
	s4 =	sand.u32 $0xF, s3;
	[tilespmem:$0xF7D0] =	vst v0  }
0x1d6: {  	s7 =	sshra.s32 s3, $0x1F;
	p0 =	slt.s32 s3, $0x1;
	p1 =	sne.s32 s4, $0x0;
	[tilespmem:$0xF7E0] =	vst v0  }
.Ltmp7:
0x1d7: {  	s30 =	sshrl.u32 s7, $0x1C;
	[tilespmem:$0xF7F0] =	vst v0;
	p0 =	por !p0, !p1;
	(pc) =	sbr.rel .LBB2_14-.Ltmp7, $4  }
0x1d8: {  	s4 =	simm.s32 $0x1;
	[tilespmem:$0xF800] =	vst v0;
	s3 =	sadd.s32 s30, s3;
	p0 =	por !p0, !p0  }
0x1d9: {  	s11 =	simm.s32 $0xF740;
	[tilespmem:$0xF810] =	vst v0;
	s31 =	sshra.s32 s3, $0x4;
	s4 =	simm.s32 @!p0 $0x0  }
0x1da: {  	s12 =	simm.s32 $0xF7C0;
	s7 =	simm.s32 $0x0;
	[tilespmem:$0xF820] =	vst v0;
	s4 =	ssub.s32 s31, s4  }
0x1db: {  	v1 =	vimm.f32 $0.0e+00;
	v2 =	vimm.s32 $0x0;
	[tilespmem:$0xF830] =	vst v0;
	v0 =	vimm.s32 $0x3FF;
	s3 =	simm.s32 $0x1;
	p0 =	slt.s32 s6, $0x1;
	p1 =	slt.s32 s4, $0x1  }
.LBB2_32:
0x1dc: {  	s7 =	sadd.s32 $0x1, s7  }
0x1dd: {  	p2 =	sne.s32 s7, s5  }
.Ltmp8:
0x1de: {  	_ = 	snop;
	(pc) =	sbr.rel @!p2 .LBB2_33-.Ltmp8, $4  }
0x1df: {  	[hbm4b:s2+s10] =	stream.indirect.scatter [tilespmem:s12], [sflag:$0x1], $0x1, s11, s10, $0xb8;
	[tilespmem:$0xF840] =	vst v63  }
0x1e0: {  	_ =	swait.ge [sflag:s3], $0x80  }
0x1e1: {  	[sflag:s3] =	ssyncset.done $0x0  }
0x1e2: {  	[sflag:s3] =	ssyncadd.s32 $0xFFFFFF80  }
.LBB2_14:
0x1e3: {  	v3 =	vmov s7;
	_ =	sdelay $0x4  }
0x1e4: {  	v3 =	vld.idx.msk [tilespmem:v3+s8+$0x0], $0xffff;
	[tilespmem:$0xF740] =	vst v0  }
0x1e5: {  	[tilespmem:$0xF750] =	vst v0  }
0x1e6: {  	[tilespmem:$0xF760] =	vst v0  }
.Ltmp9:
0x1e7: {  	[tilespmem:$0xF770] =	vst v0;
	(pc) =	sbr.rel @!p0 .LBB2_15-.Ltmp9, $4  }
.Ltmp10:
0x1e8: {  	[tilespmem:$0xF780] =	vst v0;
	(pc) =	sbr.rel @p0 .LBB2_32-.Ltmp10, $4  }
0x1e9: {  	[tilespmem:$0xF790] =	vst v0  }
0x1ea: {  	[tilespmem:$0xF7A0] =	vst v0  }
0x1eb: {  	s13 =	simm.s32 $0x0;
	s14 =	simm.s32 $0x0;
	[tilespmem:$0xF7B0] =	vst v0  }
0x1ec: {  	_ = 	snop  }
.LBB2_30:
0x1ed: {  	[tilespmem:s13+$0xF740] =	vst.msk $0x1, v4;
	s13 =	sadd.s32 $0x1, s13  }
.LBB2_31:
0x1ee: {  	s14 =	sadd.s32 $0x1, s14  }
0x1ef: {  	p2 =	sne.s32 s14, s6  }
.Ltmp11:
0x1f0: {  	_ = 	snop;
	(pc) =	sbr.rel @!p2 .LBB2_32-.Ltmp11, $1  }
0x1f1: {  	_ =	sdelay $0x3  }
.LBB2_15:
0x1f2: {  	v5 =	vmov s14;
	_ =	sdelay $0x4  }
0x1f3: {  	v4 =	vld.idx.msk [tilespmem:v5+s9+$0x0], $0xffff;
	_ =	sdelay $0x4  }
0x1f4: {  	vm0 =	veq.s32 v4, v3  }
0x1f5: {  	v4 =	vsel vm0, $0x3F800000, v1  }
0x1f6: {  	(xrf0) =	vmin.scan.msk.f32 $0xffff, v4;
	_ =	sdelay $0x5  }
0x1f7: {  	v4, _, _ =	vpop (xrf0)  }
0x1f8: {  	(v2sf) =	vpush v4, $0xF;
	_ =	sdelay $0xe  }
0x1f9: {  	s15 =	spop (v2sf)  }
0x1fa: {  	p2 =	sgt.f32 s15, $0.0e+00  }
.Ltmp12:
0x1fb: {  	_ = 	snop;
	(pc) =	sbr.rel @!p2 .LBB2_31-.Ltmp12, $1  }
0x1fc: {  	_ =	sdelay $0x3  }
0x1fd: {  	_ =	sdelay $0x2  }
0x1fe: {  	s16 =	simm.s32 $0xAAC0  }
.Ltmp13:
0x1ff: {  	v4 =	vld.idx.msk [tilespmem:v5+s16+$0x0], $0xffff;
	(pc) =	sbr.rel @p1 .LBB2_30-.Ltmp13, $1  }
0x200: {  	_ =	sdelay $0x3  }
0x201: {  	_ =	sdelay $0x2  }
0x202: {  	s17 =	simm.s32 $0x21C0;
	p6 =	sne.s32 s4, $0x1  }
.Ltmp14:
0x203: {  	v5 =	vld.idx.msk [tilespmem:v5+s17+$0x0], $0xffff;
	(pc) =	sbr.rel @!p6 .LBB2_18-.Ltmp14, $4  }
0x204: {  	_ = 	snop  }
0x205: {  	s15 =	simm.s32 $0x0;
	s18 =	simm.s32 $0x6640;
	v6 =	vld [tilespmem:s16+$0x0]  }
0x206: {  	s16 =	sadd.s32 $0xFFFFFFFF, s4;
	p2 =	por $0x0, $0x0;
	p3 =	por $0x0, $0x0;
	v8 =	vld [tilespmem:s17+$0x0]  }
0x207: {  	p4 =	por $0x0, $0x0;
	p5 =	por $0x0, $0x0;
	s17 =	simm.s32 $0x21D0;
	v7 =	vld [tilespmem:s18+$0x0]  }
0x208: {  	_ =	sdelay $0x2  }
0x209: {  	p6 =	sne.s32 s16, $0x1;
	vm1 =	vlt.s32 v6, v4;
	vm0 =	veq.s32 v8, v5  }
.Ltmp15:
0x20a: {  	vm2 =	vlt.s32 v8, v5;
	vm0 =	vmand vm0, vm1;
	(pc) =	sbr.rel @!p6 .LBB2_20-.Ltmp15, $4  }
0x20b: {  	s30 =	simm.s32 $0xAAD0;
	vm15 =	veq.s32 v7, v3;
	vm0 =	vmor vm2, vm0  }
0x20c: {  	v6 =	vld [tilespmem:s30+$0x0];
	vm0 =	vmand vm15, vm0  }
0x20d: {  	s31 =	simm.s32 $0x6650;
	v8 =	vld [tilespmem:s17+$0x0];
	v9 =	vsel vm0, $0x1, v2  }
0x20e: {  	s16 =	sadd.s32 $0xFFFFFFFF, s16;
	p2 =	por $0x1, $0x1;
	s17 =	simm.s32 $0x21E0;
	v7 =	vld [tilespmem:s31+$0x0];
	(xrf0) =	vadd.scan.msk.s32 $0xffff, v9  }
0x20f: {  	_ =	sdelay $0x2  }
0x210: {  	p6 =	sne.s32 s16, $0x1;
	vm1 =	vlt.s32 v6, v4;
	vm0 =	veq.s32 v8, v5  }
.Ltmp16:
0x211: {  	vm2 =	vlt.s32 v8, v5;
	vm0 =	vmand vm0, vm1;
	(pc) =	sbr.rel @!p6 .LBB2_22-.Ltmp16, $4  }
0x212: {  	s30 =	simm.s32 $0xAAE0;
	vm15 =	veq.s32 v7, v3;
	vm0 =	vmor vm2, vm0  }
0x213: {  	v6 =	vld [tilespmem:s30+$0x0];
	vm0 =	vmand vm15, vm0  }
0x214: {  	s31 =	simm.s32 $0x6660;
	v8 =	vld [tilespmem:s17+$0x0];
	v9 =	vsel vm0, $0x1, v2  }
0x215: {  	s16 =	sadd.s32 $0xFFFFFFFF, s16;
	p3 =	por $0x1, $0x1;
	s17 =	simm.s32 $0x21F0;
	v7 =	vld [tilespmem:s31+$0x0];
	v10, _, _ =	vpop (xrf0);
	(xrf0) =	vadd.scan.msk.s32 $0xffff, v9  }
0x216: {  	(v2sf) =	vpush v10, $0xF;
	_ =	sdelay $0x3  }
0x217: {  	vm1 =	vlt.s32 v6, v4;
	vm0 =	veq.s32 v8, v5  }
0x218: {  	vm2 =	vlt.s32 v8, v5;
	vm0 =	vmand vm0, vm1  }
0x219: {  	p6 =	sne.s32 s16, $0x1;
	vm15 =	veq.s32 v7, v3;
	vm0 =	vmor vm2, vm0  }
.Ltmp17:
0x21a: {  	vm0 =	vmand vm15, vm0;
	(pc) =	sbr.rel @!p6 .LBB2_24-.Ltmp17, $4  }
0x21b: {  	s30 =	simm.s32 $0xAAF0;
	v9 =	vsel vm0, $0x1, v2  }
0x21c: {  	v6 =	vld [tilespmem:s30+$0x0]  }
0x21d: {  	s31 =	simm.s32 $0x6670;
	v8 =	vld [tilespmem:s17+$0x0]  }
0x21e: {  	s16 =	sadd.s32 $0xFFFFFFFF, s16;
	p4 =	por $0x1, $0x1;
	s17 =	simm.s32 $0x2200;
	v7 =	vld [tilespmem:s31+$0x0];
	(xrf0) =	vadd.scan.msk.s32 $0xffff, v9;
	v9, _, _ =	vpop (xrf0)  }
0x21f: {  	_ = 	snop  }
0x220: {  	(v2sf) =	vpush v9, $0xF;
	_ =	sdelay $0x1  }
0x221: {  	vm1 =	vlt.s32 v6, v4;
	vm0 =	veq.s32 v8, v5  }
0x222: {  	vm2 =	vlt.s32 v8, v5;
	vm0 =	vmand vm0, vm1  }
0x223: {  	p6 =	sne.s32 s16, $0x1;
	v8 =	vld [tilespmem:s17+$0x0];
	s17 =	simm.s32 $0xAB00;
	vm15 =	veq.s32 v7, v3;
	vm0 =	vmor vm2, vm0  }
.Ltmp18:
0x224: {  	v6 =	vld [tilespmem:s17+$0x0];
	vm0 =	vmand vm15, vm0;
	(pc) =	sbr.rel @!p6 .LBB2_26-.Ltmp18, $4  }
0x225: {  	s19 =	simm.s32 $0x6680;
	v10 =	vsel vm0, $0x1, v2  }
0x226: {  	v7 =	vld [tilespmem:s19+$0x0]  }
0x227: {  	s18 =	sadd.s32 $0xFFFFFFFF, s16  }
0x228: {  	s20 =	simm.s32 $0x2210;
	p5 =	por $0x1, $0x1;
	s16 =	simm.s32 $0x0;
	(xrf0) =	vadd.scan.msk.s32 $0xffff, v10;
	v10, _, _ =	vpop (xrf0)  }
.LBB2_27:
0x229: {  	v11 =	vld [tilespmem:s20+$0x0];
	vm0 =	veq.s32 v8, v5;
	vm1 =	vlt.s32 v6, v4;
	s17 =	sadd.s32 $0x10, s17;
	(v2sf) =	vpush v10, $0xF;
	p6 =	sne.s32 s18, $0x1  }
.Ltmp19:
0x22a: {  	s18 =	sadd.s32 $0xFFFFFFFF, s18;
	vm2 =	vlt.s32 v8, v5;
	v6 =	vld [tilespmem:s17+$0x0];
	vm0 =	vmand vm0, vm1;
	(pc) =	sbr.rel @p6 .LBB2_27-.Ltmp19, $4  }
0x22b: {  	s19 =	sadd.s32 $0x10, s19;
	vm0 =	vmor vm2, vm0;
	vm1 =	veq.s32 v7, v3  }
0x22c: {  	v7 =	vld [tilespmem:s19+$0x0];
	vm0 =	vmand vm1, vm0;
	s21 =	spop (v2sf)  }
0x22d: {  	v12 =	vsel vm0, $0x1, v2;
	s16 =	sadd.s32 s16, s21  }
0x22e: {  	s20 =	sadd.s32 $0x10, s20;
	(xrf0) =	vadd.scan.msk.s32 $0xffff, v12;
	v10, _, _ =	vpop (xrf0);
	v8 =	vmov v11  }
0x22f: {  	_ = 	snop  }
.LBB2_29:
0x230: {  	vm0 =	veq.s32 v8, v5;
	vm1 =	vlt.s32 v6, v4  }
0x231: {  	vm2 =	vlt.s32 v8, v5;
	vm0 =	vmand vm0, vm1  }
0x232: {  	vm15 =	veq.s32 v7, v3;
	vm0 =	vmor vm2, vm0  }
0x233: {  	vm0 =	vmand vm15, vm0  }
0x234: {  	v5 =	vsel vm0, $0x1, v2  }
0x235: {  	(xrf0) =	vadd.scan.msk.s32 $0xffff, v5;
	_ =	sdelay $0x1  }
0x236: {  	v5, _, _ =	vpop @p2 (xrf0)  }
0x237: {  	(v2sf) =	vpush @p3 v10, $0xF;
	v5 =	vpsel p2, v5, v9;
	_ =	sdelay $0x1  }
0x238: {  	(v2sf) =	vpush @p2 v5, $0xF  }
0x239: {  	v5, _, _ =	vpop (xrf0)  }
0x23a: {  	(v2sf) =	vpush v5, $0xF;
	_ =	sdelay $0x6  }
0x23b: {  	s17 =	spop @p5 (v2sf)  }
0x23c: {  	s16 =	sadd.s32 @p5 s16, s17;
	s17 =	simm.s32 $0x0  }
0x23d: {  	s17 =	smov.u32 @p5 s16;
	s16 =	spop @p4 (v2sf)  }
0x23e: {  	s16 =	sadd.s32 @p4 s17, s16;
	s17 =	simm.s32 $0x0  }
0x23f: {  	s17 =	smov.u32 @p4 s16;
	s16 =	spop @p3 (v2sf)  }
0x240: {  	s16 =	sadd.s32 @p3 s17, s16;
	s17 =	simm.s32 $0x0  }
0x241: {  	s17 =	smov.u32 @p3 s16;
	s16 =	spop @p2 (v2sf)  }
0x242: {  	s16 =	sadd.s32 @p2 s17, s16  }
0x243: {  	s15 =	smov.u32 @p2 s16;
	s31 =	spop (v2sf)  }
0x244: {  	s15 =	sadd.s32 s15, s31  }
0x245: {  	p2 =	sgt.s32 s15, $0x63  }
.Ltmp20:
0x246: {  	_ = 	snop;
	(pc) =	sbr.rel @p2 .LBB2_31-.Ltmp20, $4  }
.Ltmp21:
0x247: {  	_ = 	snop;
	(pc) =	sbr.rel @!p2 .LBB2_30-.Ltmp21, $4  }
0x248: {  	_ = 	snop  }
0x249: {  	_ = 	snop  }
0x24a: {  	_ = 	snop  }
0x24b: {  	_ = 	snop  }
.LBB2_18:
.Ltmp22:
0x24c: {  	(pc) =	sbr.rel .LBB2_29-.Ltmp22, $2  }
0x24d: {  	_ =	sdelay $0x2  }
0x24e: {  	s16 =	simm.s32 $0x0  }
.LBB2_20:
.Ltmp23:
0x24f: {  	(pc) =	sbr.rel .LBB2_29-.Ltmp23, $2  }
0x250: {  	_ =	sdelay $0x2  }
0x251: {  	s16 =	simm.s32 $0x0  }
.LBB2_22:
.Ltmp24:
0x252: {  	(pc) =	sbr.rel .LBB2_29-.Ltmp24, $2  }
0x253: {  	_ =	sdelay $0x2  }
0x254: {  	s16 =	simm.s32 $0x0  }
.LBB2_24:
.Ltmp25:
0x255: {  	(pc) =	sbr.rel .LBB2_29-.Ltmp25, $2  }
0x256: {  	_ =	sdelay $0x2  }
0x257: {  	v10 =	vmov v9;
	s16 =	simm.s32 $0x0  }
.LBB2_26:
.Ltmp26:
0x258: {  	(pc) =	sbr.rel .LBB2_29-.Ltmp26, $2  }
0x259: {  	_ =	sdelay $0x2  }
0x25a: {  	s16 =	simm.s32 $0x0  }
.LBB2_33:
0x25b: {  	_ =	sfence.sel $0x180000  }
0x25c: {  	[bflag:$0x0] =	sbarrier.arrive $0xFFFF  }
0x25d: {  	p0 =	sne.s32 s1, $0x0;
	_ =	strace $0x90000047  }
0x25e: {  	s0 =	sadd.s32 @!p0 $0x100000, s0;
	[bflag:$0x2] =	sbarrier.arrive $0xFFFF  }
0x25f: {  	[sflag:s0] =	ssyncadd.tile.s32 @!p0 $0x1;
	_ =	shalt  }
.Lfunc_end2:
_tile_overlayer_lowered:
.L_overlay_start_2:
0x260: {  	(tag) =	ssettag $0x2  }
0x261: {  	s0 =	rddreg [dreg:$0x0];
	s2 =	stileid.u32  }
0x262: {  	s1 =	rddreg [dreg:$0x1];
	p0 =	sne.s32 s2, $0x0  }
0x263: {  	s3 =	rddreg [dreg:$0x2];
	[bflag:$0x3] =	sbarrier.arrive $0xFFFF;
	s2 =	simm.s32 @!p0 $0x1C02  }
0x264: {  	[timem:s3], [sflag:s2] =	dma.local @!p0 [hbm:s0], s1  }
0x265: {  	s0 =	simm.s32 @!p0 $0x2  }
0x266: {  	_ =	swait.ge @!p0 [sflag:s0], s1  }
0x267: {  	s1 =	ssub.s32 @!p0 $0x0, s1;
	[sflag:s0] =	ssyncset.done @!p0 $0x0  }
0x268: {  	[sflag:s0] =	ssyncadd.s32 @!p0 s1  }
0x269: {  	[bflag:$0x3] =	sbarrier.arrive $0xFFFF  }
0x26a: {  	_ =	shalt  }

</sc_bundles>
